<compile_context>
chip_gen: v7x
topology: tpu7x:2x2x1
jax: 0.10.2.dev20260603
libtpu: 0.0.44.dev20260713+nightly
codegen_flags: <defaults>
</compile_context>

<pallas_src>
import functools

import jax
import jax.numpy as jnp
from jax import lax
from jax.experimental import pallas as pl
from jax.experimental.pallas import tpu as pltpu
from jax.experimental.pallas import tpu_sc as plsc

N = 10000
E = 320000
D = 128
DEG_W = 16
D_OUT = 40
D_OUT_PAD = 48

NC = 2
NS = 16
NT = NC * NS
CHUNK = 128
CPT = 80
EPT = E // NT
EPT_PAD = CPT * CHUNK

NROWS_ACC = N + 16
ROWS_A = 624
TAIL0 = NS * ROWS_A
WTAIL = N - TAIL0
ZTAIL = NROWS_ACC - TAIL0
Z_LENS = (128, 128, 128, 128, 112)

NBUF = 4
NIDX = 8
STEADY0 = 4
STEADY1 = CPT - 4

A_NBUF = 3
A_NIDX = 6
A_STEADY0 = 3


def _sc_mesh():
    return plsc.VectorSubcoreMesh(
        core_axis_name="c", subcore_axis_name="s", num_cores=NC, num_subcores=NS
    )


def _fill_rows(rows_ref, nrows, width, value):
    vec = jnp.full((16,), value, jnp.float32)

    @pl.loop(0, nrows)
    def _(r):
        @pl.loop(0, width // 16)
        def _(l):
            rows_ref.at[r][pl.ds(l * 16, 16)] = vec


def _zero_acc_slice(rows, acc, sid):
    row0 = sid * ROWS_A
    off = 0
    for ln in Z_LENS:
        pltpu.sync_copy(rows.at[pl.ds(0, ln)], acc.at[pl.ds(row0 + off, ln)])
        off += ln

    @pl.when(sid == 0)
    def _():
        pltpu.sync_copy(rows.at[pl.ds(0, ZTAIL)], acc.at[pl.ds(TAIL0, ZTAIL)])


def _write_back(acc, out_hbm, cid, sid):
    row0 = sid * ROWS_A
    pltpu.sync_copy(acc.at[pl.ds(row0, ROWS_A)],
                    out_hbm.at[cid, pl.ds(row0, ROWS_A)])

    @pl.when(sid == 0)
    def _():
        pltpu.sync_copy(acc.at[pl.ds(TAIL0, WTAIL)],
                        out_hbm.at[cid, pl.ds(TAIL0, WTAIL)])


@functools.cache
def _make_deg_kernel():

    @functools.partial(
        pl.kernel,
        out_type=jax.ShapeDtypeStruct((NC, N, DEG_W), jnp.float32),
        mesh=_sc_mesh(),
        scratch_types=(
            [pltpu.VMEM((CHUNK,), jnp.int32) for _ in range(NIDX)]
            + [pltpu.VMEM((CHUNK, DEG_W), jnp.float32),
               pltpu.VMEM_SHARED((NROWS_ACC, DEG_W), jnp.float32)]
            + [pltpu.SemaphoreType.DMA] * (NIDX + NBUF)
        ),
    )
    def deg_kernel(dst_hbm, out_hbm, *sc):
        idx_d = sc[:NIDX]
        ones = sc[NIDX]
        acc = sc[NIDX + 1]
        sem_i = sc[NIDX + 2:NIDX + 2 + NIDX]
        sem_s = sc[NIDX + 2 + NIDX:]
        cid = lax.axis_index("c")
        sid = lax.axis_index("s")
        tid = cid * NS + sid
        e0 = tid * EPT_PAD

        _fill_rows(ones, CHUNK, DEG_W, 0.0)
        _zero_acc_slice(ones, acc, sid)
        plsc.subcore_barrier()
        _fill_rows(ones, CHUNK, DEG_W, 1.0)

        def idx_start(k, s8):
            pltpu.async_copy(dst_hbm.at[pl.ds(e0 + k * CHUNK, CHUNK)],
                             idx_d[s8], sem_i[s8])

        def idx_wait(s8):
            pltpu.make_async_copy(dst_hbm.at[pl.ds(0, CHUNK)], idx_d[s8],
                                  sem_i[s8]).wait()

        def sc_start(s4, s8):
            pltpu.async_copy(ones, acc.at[idx_d[s8]], sem_s[s4], add=True)

        def sc_wait(s4, s8):
            pltpu.make_async_copy(ones, acc.at[idx_d[s8]], sem_s[s4]).wait()

        def step(k, s4, s8, ph1=True, ph4=True):
            if ph1:
                sc_wait(s4, (s8 + 4) % NIDX)
            idx_wait(s8)
            sc_start(s4, s8)
            if ph4:
                idx_start(k + 4, (s8 + 4) % NIDX)

        for j in range(4):
            idx_start(j, j)
        for k in range(4):
            step(k, k % NBUF, k % NIDX, ph1=False)

        @pl.loop(0, (STEADY1 - STEADY0) // NIDX)
        def _(m):
            base = STEADY0 + m * NIDX
            for u in range(NIDX):
                step(base + u, (STEADY0 + u) % NBUF, (STEADY0 + u) % NIDX)

        for k in range(STEADY1, CPT):
            step(k, k % NBUF, k % NIDX, ph4=False)
        for k in range(CPT - 4, CPT):
            sc_wait(k % NBUF, k % NIDX)

        plsc.subcore_barrier()
        _write_back(acc, out_hbm, cid, sid)

    return deg_kernel


@functools.cache
def _make_agg_kernel():

    @functools.partial(
        pl.kernel,
        out_type=jax.ShapeDtypeStruct((NC, N, D), jnp.float32),
        mesh=_sc_mesh(),
        scratch_types=(
            [pltpu.VMEM((CHUNK,), jnp.int32) for _ in range(4)]
            + [pltpu.VMEM((CHUNK, D), jnp.float32) for _ in range(2)]
            + [pltpu.VMEM_SHARED((NROWS_ACC, D), jnp.float32)]
            + [pltpu.SemaphoreType.DMA] * 2
        ),
    )
    def agg_kernel(g_hbm, src_hbm, dst_hbm, out_hbm,
                   idx_s0, idx_s1, idx_d0, idx_d1, rows0, rows1, acc,
                   sem_g0, sem_g1):
        idx_s = (idx_s0, idx_s1)
        idx_d = (idx_d0, idx_d1)
        rows = (rows0, rows1)
        sem_g = (sem_g0, sem_g1)
        cid = lax.axis_index("c")
        sid = lax.axis_index("s")
        tid = cid * NS + sid
        e0 = tid * EPT_PAD

        _fill_rows(rows0, CHUNK, D, 0.0)
        _zero_acc_slice(rows0, acc, sid)
        plsc.subcore_barrier()

        def idx_load(k, s):
            b = e0 + k * CHUNK
            pltpu.sync_copy(src_hbm.at[pl.ds(b, CHUNK)], idx_s[s])
            pltpu.sync_copy(dst_hbm.at[pl.ds(b, CHUNK)], idx_d[s])

        def g_start(s):
            pltpu.async_copy(g_hbm.at[idx_s[s]], rows[s], sem_g[s])

        def g_wait(s):
            pltpu.make_async_copy(g_hbm.at[idx_s[s]], rows[s], sem_g[s]).wait()

        def scat(s):
            pltpu.sync_copy(rows[s], acc.at[idx_d[s]], add=True)

        idx_load(0, 0)
        idx_load(1, 1)
        g_start(0)

        @pl.loop(0, CPT // 2 - 1)
        def _(k):
            j0 = 2 * k
            g_wait(0)
            g_start(1)
            scat(0)
            idx_load(j0 + 2, 0)
            g_wait(1)
            g_start(0)
            scat(1)
            idx_load(j0 + 3, 1)

        g_wait(0)
        g_start(1)
        scat(0)
        g_wait(1)
        scat(1)

        plsc.subcore_barrier()
        _write_back(acc, out_hbm, cid, sid)

    return agg_kernel


def _m1_body(x_ref, w_ref, degp_ref, g1_ref, dinv_ref):
    deg = degp_ref[0, :, 0:1] + degp_ref[1, :, 0:1] + 1.0
    dinv = lax.rsqrt(deg)
    dinv_ref[...] = dinv
    h = jnp.dot(x_ref[...], w_ref[...], preferred_element_type=jnp.float32)
    g1_ref[...] = h * dinv


def _m2_body(p_ref, g1_ref, dinv_ref, b1_ref, u_ref):
    s = p_ref[0] + p_ref[1] + g1_ref[...]
    dinv = dinv_ref[...]
    h1 = jnp.maximum(s * dinv + b1_ref[...], 0.0)
    u_ref[...] = h1 * dinv


def _e3_body(p_ref, u_ref, dinv_ref, b2_ref, w2_ref, out_ref):
    s = p_ref[0] + p_ref[1] + u_ref[...]
    h2 = jnp.dot(s, w2_ref[...], preferred_element_type=jnp.float32)
    out_ref[...] = h2 * dinv_ref[...] + b2_ref[...]


_m1 = pl.pallas_call(
    _m1_body,
    out_shape=(jax.ShapeDtypeStruct((N, D), jnp.float32),
               jax.ShapeDtypeStruct((N, 1), jnp.float32)),
)
_m2 = pl.pallas_call(
    _m2_body,
    out_shape=jax.ShapeDtypeStruct((N, D), jnp.float32),
)
_e3 = pl.pallas_call(
    _e3_body,
    out_shape=jax.ShapeDtypeStruct((N, D_OUT_PAD), jnp.float32),
)


@jax.jit
def _run(x, edge_index, W1, b1, W2, b2):
    ei = edge_index.astype(jnp.int32)
    src = jnp.pad(ei[0].reshape(NT, EPT), ((0, 0), (0, EPT_PAD - EPT)),
                  constant_values=0).reshape(-1)
    trash = (N + (jnp.arange(NT, dtype=jnp.int32) % NS))[:, None]
    dst = jnp.concatenate(
        [ei[1].reshape(NT, EPT),
         jnp.broadcast_to(trash, (NT, EPT_PAD - EPT))], axis=1).reshape(-1)
    w2p = jnp.pad(W2, ((0, 0), (0, D_OUT_PAD - D_OUT)))
    b1r = b1.reshape(1, D)
    b2r = jnp.pad(b2, (0, D_OUT_PAD - D_OUT)).reshape(1, D_OUT_PAD)

    degp = _make_deg_kernel()(dst)
    g1, dinv = _m1(x, W1, degp)
    p1 = _make_agg_kernel()(g1, src, dst)
    u = _m2(p1, g1, dinv, b1r)
    p2 = _make_agg_kernel()(u, src, dst)
    out = _e3(p2, u, dinv, b2r, w2p)
    return out[:, :D_OUT]


def kernel(x, edge_index, W1, b1, W2, b2):
    return _run(x, edge_index, W1, b1, W2, b2)

# --- scband reference (transcript-rebuilt; emitter-appended) ---
"""Pipeline reference for scband-gcnnet-30597347017235 (READ-ONLY COPY).

The authoritative reference and input builder live on the scoring server;
editing this copy changes nothing except your own understanding.
"""

import jax, jax.numpy as jnp
import numpy as np

N_NODES = 10000
N_EDGES = 320000
D_IN = 128
D_HID = 128
N_CLASSES = 40


def gcn_conv(x, edge_index, W, b):
    n = x.shape[0]
    loop = jnp.arange(n, dtype=edge_index.dtype)
    src = jnp.concatenate([edge_index[0], loop])
    dst = jnp.concatenate([edge_index[1], loop])
    deg = jax.ops.segment_sum(jnp.ones(src.shape[0], dtype=x.dtype), dst, num_segments=n)
    dinv = jnp.where(deg > 0, 1.0 / jnp.sqrt(deg), 0.0)
    norm = dinv[src] * dinv[dst]
    h = x @ W
    msgs = h[src] * norm[:, None]
    out = jax.ops.segment_sum(msgs, dst, num_segments=n)
    return out + b


def setup_inputs(seed: int = 0) -> dict:
    key = jax.random.key(seed)
    k1, k2, k3, k4 = jax.random.split(key, 4)
    x = jax.random.normal(k1, (N_NODES, D_IN), dtype=jnp.float32)
    edge_index = jax.random.randint(k2, (2, N_EDGES), 0, N_NODES, dtype=jnp.int64)
    W1 = jax.random.normal(k3, (D_IN, D_HID), dtype=jnp.float32) * (1.0 / np.sqrt(D_IN))
    b1 = jnp.zeros((D_HID,), dtype=jnp.float32)
    W2 = jax.random.normal(k4, (D_HID, N_CLASSES), dtype=jnp.float32) * (1.0 / np.sqrt(D_HID))
    b2 = jnp.zeros((N_CLASSES,), dtype=jnp.float32)
    return {"x": x, "edge_index": edge_index, "W1": W1, "b1": b1, "W2": W2, "b2": b2}


def reference(x, edge_index, W1, b1, W2, b2):
    h = gcn_conv(x, edge_index, W1, b1)
    h = jax.nn.relu(h)
    out = gcn_conv(h, edge_index, W2, b2)
    return out

if __name__ == "__main__":
    import jax
    _d = setup_inputs()
    print(jax.jit(kernel)(*tuple(_d.values())))

</pallas_src>

<mosaic_0001>
#map = affine_map<(d0, d1) -> (0, 0)>
#map1 = affine_map<(d0, d1) -> (0)>
#map2 = affine_map<(d0, d1) -> (0, 0, 0)>
module attributes {stable_mosaic.version = 14 : i64} {
  func.func @agg_kernel(%arg0: i32, %arg1: i32, %arg2: memref<10000x128xf32, #tpu.memory_space<hbm>>, %arg3: memref<327680xi32, #tpu.memory_space<hbm>>, %arg4: memref<327680xi32, #tpu.memory_space<hbm>>, %arg5: memref<2x10000x128xf32, #tpu.memory_space<hbm>>, %arg6: memref<128xi32, #tpu.memory_space<vmem>>, %arg7: memref<128xi32, #tpu.memory_space<vmem>>, %arg8: memref<128xi32, #tpu.memory_space<vmem>>, %arg9: memref<128xi32, #tpu.memory_space<vmem>>, %arg10: memref<128x128xf32, #tpu.memory_space<vmem>>, %arg11: memref<128x128xf32, #tpu.memory_space<vmem>>, %arg12: memref<10016x128xf32, #tpu.memory_space<vmem_shared>>, %arg13: memref<!tpu.dma_semaphore, #tpu.memory_space<semaphore_mem>>, %arg14: memref<!tpu.dma_semaphore, #tpu.memory_space<semaphore_mem>>) attributes {dimension_semantics = [#tpu.dimension_semantics<core_parallel>, #tpu.dimension_semantics<subcore_parallel>], iteration_bounds = array<i64: 2, 16>, scalar_prefetch = 0 : i64, scratch_operands = 9 : i64, tpu.core_type = #tpu.core_type<sc_vector_subcore>, window_params = [{transform_indices = #map}, {transform_indices = #map1}, {transform_indices = #map1}, {transform_indices = #map2}]} {
    %mul3A = arith.constant 16 : i32
    %mul3A_0 = arith.muli %arg0, %mul3A : i32
    %add3A = arith.addi %mul3A_0, %arg1 : i32
    %mul3A_1 = arith.constant 10240 : i32
    %mul3A_2 = arith.muli %add3A, %mul3A_1 : i32
    %broadcast_in_dim3A = arith.constant 0.000000e+00 : f32
    %broadcast_in_dim3A_3 = vector.broadcast %broadcast_in_dim3A : f32 to vector<16xf32>
    %scan3A = arith.constant 0 : i32
    %scan3A_4 = arith.constant 128 : i32
    %scan3A_5 = arith.addi %scan3A, %scan3A_4 : i32
    %scan3A_6 = arith.constant 1 : i32
    scf.for %scan3A_49 = %scan3A to %scan3A_5 step %scan3A_6  : i32 {
      %mul3A_50 = arith.constant 1 : i32
      %mul3A_51 = arith.muli %scan3A_49, %mul3A_50 : i32
      %add3A_52 = arith.constant 0 : i32
      %add3A_53 = arith.addi %add3A_52, %mul3A_51 : i32
      %scan3A_54 = arith.constant 0 : i32
      %scan3A_55 = arith.constant 8 : i32
      %scan3A_56 = arith.addi %scan3A_54, %scan3A_55 : i32
      %scan3A_57 = arith.constant 1 : i32
      scf.for %scan3A_59 = %scan3A_54 to %scan3A_56 step %scan3A_57  : i32 {
        %mul3A_60 = arith.constant 1 : i32
        %mul3A_61 = arith.muli %scan3A_59, %mul3A_60 : i32
        %add3A_62 = arith.constant 0 : i32
        %add3A_63 = arith.addi %add3A_62, %mul3A_61 : i32
        %mul3A_64 = arith.constant 16 : i32
        %mul3A_65 = arith.muli %add3A_63, %mul3A_64 : i32
        %swap3A = arith.constant 0 : i32
        %swap3A_66 = tpu.memref_slice %arg10[%add3A_53, %swap3A] : memref<128x128xf32, #tpu.memory_space<vmem>> -> memref<1x128xf32, #tpu.memory_space<vmem>>
        %swap3A_67 = tpu.memref_squeeze %swap3A_66 : memref<1x128xf32, #tpu.memory_space<vmem>> -> memref<128xf32, #tpu.memory_space<vmem>>
        %swap3A_68 = arith.index_cast %mul3A_65 : i32 to index
        %swap3A_69 = tpu.vector_load %swap3A_67[%swap3A_68] {strides = array<i32>} : memref<128xf32, #tpu.memory_space<vmem>>, vector<16xf32>,
        %swap3A_70 = vector.shape_cast %swap3A_69 : vector<16xf32> to vector<16xf32>
        %swap3A_71 = vector.shape_cast %broadcast_in_dim3A_3 : vector<16xf32> to vector<16xf32>
        tpu.vector_store %swap3A_67[%swap3A_68], %swap3A_71 {strides = array<i32>} : memref<128xf32, #tpu.memory_space<vmem>>, vector<16xf32>,
      }
      %scan3A_58 = arith.constant 8 : i32
    }
    %scan3A_7 = arith.constant 128 : i32
    %mul3A_8 = arith.constant 624 : i32
    %mul3A_9 = arith.muli %arg1, %mul3A_8 : i32
    %add3A_10 = arith.constant 0 : i32
    %add3A_11 = arith.addi %mul3A_9, %add3A_10 : i32
    "tpu.region"() ({
      %run_scoped3A = tpu.sem_alloc : memref<!tpu.dma_semaphore, #tpu.memory_space<semaphore_mem>>
      %dma_start3A_49 = arith.constant 0 : i32
      %dma_start3A_50 = arith.constant 0 : i32
      %dma_start3A_51 = tpu.memref_slice %arg10[%dma_start3A_49, %dma_start3A_50] : memref<128x128xf32, #tpu.memory_space<vmem>> -> memref<128x128xf32, #tpu.memory_space<vmem>>
      %dma_start3A_52 = arith.constant 0 : i32
      %dma_start3A_53 = tpu.memref_slice %arg12[%add3A_11, %dma_start3A_52] : memref<10016x128xf32, #tpu.memory_space<vmem_shared>> -> memref<128x128xf32, #tpu.memory_space<vmem_shared>>
      %dma_start3A_54 = arith.constant 0 : i32
      %dma_start3A_55 = tpu.memref_slice %arg12[%add3A_11, %dma_start3A_54] : memref<10016x128xf32, #tpu.memory_space<vmem_shared>> -> memref<128x128xf32, #tpu.memory_space<vmem_shared>>
      %dma_start3A_56 = arith.constant 0 : i32
      %dma_start3A_57 = arith.constant 0 : i32
      %dma_start3A_58 = tpu.memref_slice %arg10[%dma_start3A_56, %dma_start3A_57] : memref<128x128xf32, #tpu.memory_space<vmem>> -> memref<128x128xf32, #tpu.memory_space<vmem>>
      tpu.enqueue_dma source(%dma_start3A_58 : memref<128x128xf32, #tpu.memory_space<vmem>>) target(%dma_start3A_55 : memref<128x128xf32, #tpu.memory_space<vmem_shared>>) target_semaphore(%run_scoped3A : memref<!tpu.dma_semaphore, #tpu.memory_space<semaphore_mem>>)
      %dma_wait3A_59 = arith.constant 0 : i32
      %dma_wait3A_60 = arith.constant 0 : i32
      %dma_wait3A_61 = tpu.memref_slice %arg10[%dma_wait3A_59, %dma_wait3A_60] : memref<128x128xf32, #tpu.memory_space<vmem>> -> memref<128x128xf32, #tpu.memory_space<vmem>>
      %dma_wait3A_62 = arith.constant 0 : i32
      %dma_wait3A_63 = tpu.memref_slice %arg12[%add3A_11, %dma_wait3A_62] : memref<10016x128xf32, #tpu.memory_space<vmem_shared>> -> memref<128x128xf32, #tpu.memory_space<vmem_shared>>
      %dma_wait3A_64 = arith.constant 0 : i32
      %dma_wait3A_65 = tpu.memref_slice %arg12[%add3A_11, %dma_wait3A_64] : memref<10016x128xf32, #tpu.memory_space<vmem_shared>> -> memref<128x128xf32, #tpu.memory_space<vmem_shared>>
      %dma_wait3A_66 = arith.constant 0 : i32
      %dma_wait3A_67 = arith.constant 0 : i32
      %dma_wait3A_68 = tpu.memref_slice %arg10[%dma_wait3A_66, %dma_wait3A_67] : memref<128x128xf32, #tpu.memory_space<vmem>> -> memref<128x128xf32, #tpu.memory_space<vmem>>
      tpu.wait_dma2 semaphore(%run_scoped3A : memref<!tpu.dma_semaphore, #tpu.memory_space<semaphore_mem>>) src(%dma_wait3A_68 : memref<128x128xf32, #tpu.memory_space<vmem>>) dst(%dma_wait3A_65 : memref<128x128xf32, #tpu.memory_space<vmem_shared>>)
      tpu.yield
    }) : () -> ()
    %add3A_12 = arith.constant 128 : i32
    %add3A_13 = arith.addi %mul3A_9, %add3A_12 : i32
    "tpu.region"() ({
      %run_scoped3A = tpu.sem_alloc : memref<!tpu.dma_semaphore, #tpu.memory_space<semaphore_mem>>
      %dma_start3A_49 = arith.constant 0 : i32
      %dma_start3A_50 = arith.constant 0 : i32
      %dma_start3A_51 = tpu.memref_slice %arg10[%dma_start3A_49, %dma_start3A_50] : memref<128x128xf32, #tpu.memory_space<vmem>> -> memref<128x128xf32, #tpu.memory_space<vmem>>
      %dma_start3A_52 = arith.constant 0 : i32
      %dma_start3A_53 = tpu.memref_slice %arg12[%add3A_13, %dma_start3A_52] : memref<10016x128xf32, #tpu.memory_space<vmem_shared>> -> memref<128x128xf32, #tpu.memory_space<vmem_shared>>
      %dma_start3A_54 = arith.constant 0 : i32
      %dma_start3A_55 = tpu.memref_slice %arg12[%add3A_13, %dma_start3A_54] : memref<10016x128xf32, #tpu.memory_space<vmem_shared>> -> memref<128x128xf32, #tpu.memory_space<vmem_shared>>
      %dma_start3A_56 = arith.constant 0 : i32
      %dma_start3A_57 = arith.constant 0 : i32
      %dma_start3A_58 = tpu.memref_slice %arg10[%dma_start3A_56, %dma_start3A_57] : memref<128x128xf32, #tpu.memory_space<vmem>> -> memref<128x128xf32, #tpu.memory_space<vmem>>
      tpu.enqueue_dma source(%dma_start3A_58 : memref<128x128xf32, #tpu.memory_space<vmem>>) target(%dma_start3A_55 : memref<128x128xf32, #tpu.memory_space<vmem_shared>>) target_semaphore(%run_scoped3A : memref<!tpu.dma_semaphore, #tpu.memory_space<semaphore_mem>>)
      %dma_wait3A_59 = arith.constant 0 : i32
      %dma_wait3A_60 = arith.constant 0 : i32
      %dma_wait3A_61 = tpu.memref_slice %arg10[%dma_wait3A_59, %dma_wait3A_60] : memref<128x128xf32, #tpu.memory_space<vmem>> -> memref<128x128xf32, #tpu.memory_space<vmem>>
      %dma_wait3A_62 = arith.constant 0 : i32
      %dma_wait3A_63 = tpu.memref_slice %arg12[%add3A_13, %dma_wait3A_62] : memref<10016x128xf32, #tpu.memory_space<vmem_shared>> -> memref<128x128xf32, #tpu.memory_space<vmem_shared>>
      %dma_wait3A_64 = arith.constant 0 : i32
      %dma_wait3A_65 = tpu.memref_slice %arg12[%add3A_13, %dma_wait3A_64] : memref<10016x128xf32, #tpu.memory_space<vmem_shared>> -> memref<128x128xf32, #tpu.memory_space<vmem_shared>>
      %dma_wait3A_66 = arith.constant 0 : i32
      %dma_wait3A_67 = arith.constant 0 : i32
      %dma_wait3A_68 = tpu.memref_slice %arg10[%dma_wait3A_66, %dma_wait3A_67] : memref<128x128xf32, #tpu.memory_space<vmem>> -> memref<128x128xf32, #tpu.memory_space<vmem>>
      tpu.wait_dma2 semaphore(%run_scoped3A : memref<!tpu.dma_semaphore, #tpu.memory_space<semaphore_mem>>) src(%dma_wait3A_68 : memref<128x128xf32, #tpu.memory_space<vmem>>) dst(%dma_wait3A_65 : memref<128x128xf32, #tpu.memory_space<vmem_shared>>)
      tpu.yield
    }) : () -> ()
    %add3A_14 = arith.constant 256 : i32
    %add3A_15 = arith.addi %mul3A_9, %add3A_14 : i32
    "tpu.region"() ({
      %run_scoped3A = tpu.sem_alloc : memref<!tpu.dma_semaphore, #tpu.memory_space<semaphore_mem>>
      %dma_start3A_49 = arith.constant 0 : i32
      %dma_start3A_50 = arith.constant 0 : i32
      %dma_start3A_51 = tpu.memref_slice %arg10[%dma_start3A_49, %dma_start3A_50] : memref<128x128xf32, #tpu.memory_space<vmem>> -> memref<128x128xf32, #tpu.memory_space<vmem>>
      %dma_start3A_52 = arith.constant 0 : i32
      %dma_start3A_53 = tpu.memref_slice %arg12[%add3A_15, %dma_start3A_52] : memref<10016x128xf32, #tpu.memory_space<vmem_shared>> -> memref<128x128xf32, #tpu.memory_space<vmem_shared>>
      %dma_start3A_54 = arith.constant 0 : i32
      %dma_start3A_55 = tpu.memref_slice %arg12[%add3A_15, %dma_start3A_54] : memref<10016x128xf32, #tpu.memory_space<vmem_shared>> -> memref<128x128xf32, #tpu.memory_space<vmem_shared>>
      %dma_start3A_56 = arith.constant 0 : i32
      %dma_start3A_57 = arith.constant 0 : i32
      %dma_start3A_58 = tpu.memref_slice %arg10[%dma_start3A_56, %dma_start3A_57] : memref<128x128xf32, #tpu.memory_space<vmem>> -> memref<128x128xf32, #tpu.memory_space<vmem>>
      tpu.enqueue_dma source(%dma_start3A_58 : memref<128x128xf32, #tpu.memory_space<vmem>>) target(%dma_start3A_55 : memref<128x128xf32, #tpu.memory_space<vmem_shared>>) target_semaphore(%run_scoped3A : memref<!tpu.dma_semaphore, #tpu.memory_space<semaphore_mem>>)
      %dma_wait3A_59 = arith.constant 0 : i32
      %dma_wait3A_60 = arith.constant 0 : i32
      %dma_wait3A_61 = tpu.memref_slice %arg10[%dma_wait3A_59, %dma_wait3A_60] : memref<128x128xf32, #tpu.memory_space<vmem>> -> memref<128x128xf32, #tpu.memory_space<vmem>>
      %dma_wait3A_62 = arith.constant 0 : i32
      %dma_wait3A_63 = tpu.memref_slice %arg12[%add3A_15, %dma_wait3A_62] : memref<10016x128xf32, #tpu.memory_space<vmem_shared>> -> memref<128x128xf32, #tpu.memory_space<vmem_shared>>
      %dma_wait3A_64 = arith.constant 0 : i32
      %dma_wait3A_65 = tpu.memref_slice %arg12[%add3A_15, %dma_wait3A_64] : memref<10016x128xf32, #tpu.memory_space<vmem_shared>> -> memref<128x128xf32, #tpu.memory_space<vmem_shared>>
      %dma_wait3A_66 = arith.constant 0 : i32
      %dma_wait3A_67 = arith.constant 0 : i32
      %dma_wait3A_68 = tpu.memref_slice %arg10[%dma_wait3A_66, %dma_wait3A_67] : memref<128x128xf32, #tpu.memory_space<vmem>> -> memref<128x128xf32, #tpu.memory_space<vmem>>
      tpu.wait_dma2 semaphore(%run_scoped3A : memref<!tpu.dma_semaphore, #tpu.memory_space<semaphore_mem>>) src(%dma_wait3A_68 : memref<128x128xf32, #tpu.memory_space<vmem>>) dst(%dma_wait3A_65 : memref<128x128xf32, #tpu.memory_space<vmem_shared>>)
      tpu.yield
    }) : () -> ()
    %add3A_16 = arith.constant 384 : i32
    %add3A_17 = arith.addi %mul3A_9, %add3A_16 : i32
    "tpu.region"() ({
      %run_scoped3A = tpu.sem_alloc : memref<!tpu.dma_semaphore, #tpu.memory_space<semaphore_mem>>
      %dma_start3A_49 = arith.constant 0 : i32
      %dma_start3A_50 = arith.constant 0 : i32
      %dma_start3A_51 = tpu.memref_slice %arg10[%dma_start3A_49, %dma_start3A_50] : memref<128x128xf32, #tpu.memory_space<vmem>> -> memref<128x128xf32, #tpu.memory_space<vmem>>
      %dma_start3A_52 = arith.constant 0 : i32
      %dma_start3A_53 = tpu.memref_slice %arg12[%add3A_17, %dma_start3A_52] : memref<10016x128xf32, #tpu.memory_space<vmem_shared>> -> memref<128x128xf32, #tpu.memory_space<vmem_shared>>
      %dma_start3A_54 = arith.constant 0 : i32
      %dma_start3A_55 = tpu.memref_slice %arg12[%add3A_17, %dma_start3A_54] : memref<10016x128xf32, #tpu.memory_space<vmem_shared>> -> memref<128x128xf32, #tpu.memory_space<vmem_shared>>
      %dma_start3A_56 = arith.constant 0 : i32
      %dma_start3A_57 = arith.constant 0 : i32
      %dma_start3A_58 = tpu.memref_slice %arg10[%dma_start3A_56, %dma_start3A_57] : memref<128x128xf32, #tpu.memory_space<vmem>> -> memref<128x128xf32, #tpu.memory_space<vmem>>
      tpu.enqueue_dma source(%dma_start3A_58 : memref<128x128xf32, #tpu.memory_space<vmem>>) target(%dma_start3A_55 : memref<128x128xf32, #tpu.memory_space<vmem_shared>>) target_semaphore(%run_scoped3A : memref<!tpu.dma_semaphore, #tpu.memory_space<semaphore_mem>>)
      %dma_wait3A_59 = arith.constant 0 : i32
      %dma_wait3A_60 = arith.constant 0 : i32
      %dma_wait3A_61 = tpu.memref_slice %arg10[%dma_wait3A_59, %dma_wait3A_60] : memref<128x128xf32, #tpu.memory_space<vmem>> -> memref<128x128xf32, #tpu.memory_space<vmem>>
      %dma_wait3A_62 = arith.constant 0 : i32
      %dma_wait3A_63 = tpu.memref_slice %arg12[%add3A_17, %dma_wait3A_62] : memref<10016x128xf32, #tpu.memory_space<vmem_shared>> -> memref<128x128xf32, #tpu.memory_space<vmem_shared>>
      %dma_wait3A_64 = arith.constant 0 : i32
      %dma_wait3A_65 = tpu.memref_slice %arg12[%add3A_17, %dma_wait3A_64] : memref<10016x128xf32, #tpu.memory_space<vmem_shared>> -> memref<128x128xf32, #tpu.memory_space<vmem_shared>>
      %dma_wait3A_66 = arith.constant 0 : i32
      %dma_wait3A_67 = arith.constant 0 : i32
      %dma_wait3A_68 = tpu.memref_slice %arg10[%dma_wait3A_66, %dma_wait3A_67] : memref<128x128xf32, #tpu.memory_space<vmem>> -> memref<128x128xf32, #tpu.memory_space<vmem>>
      tpu.wait_dma2 semaphore(%run_scoped3A : memref<!tpu.dma_semaphore, #tpu.memory_space<semaphore_mem>>) src(%dma_wait3A_68 : memref<128x128xf32, #tpu.memory_space<vmem>>) dst(%dma_wait3A_65 : memref<128x128xf32, #tpu.memory_space<vmem_shared>>)
      tpu.yield
    }) : () -> ()
    %add3A_18 = arith.constant 512 : i32
    %add3A_19 = arith.addi %mul3A_9, %add3A_18 : i32
    "tpu.region"() ({
      %run_scoped3A = tpu.sem_alloc : memref<!tpu.dma_semaphore, #tpu.memory_space<semaphore_mem>>
      %dma_start3A_49 = arith.constant 0 : i32
      %dma_start3A_50 = arith.constant 0 : i32
      %dma_start3A_51 = tpu.memref_slice %arg10[%dma_start3A_49, %dma_start3A_50] : memref<128x128xf32, #tpu.memory_space<vmem>> -> memref<112x128xf32, #tpu.memory_space<vmem>>
      %dma_start3A_52 = arith.constant 0 : i32
      %dma_start3A_53 = tpu.memref_slice %arg12[%add3A_19, %dma_start3A_52] : memref<10016x128xf32, #tpu.memory_space<vmem_shared>> -> memref<112x128xf32, #tpu.memory_space<vmem_shared>>
      %dma_start3A_54 = arith.constant 0 : i32
      %dma_start3A_55 = tpu.memref_slice %arg12[%add3A_19, %dma_start3A_54] : memref<10016x128xf32, #tpu.memory_space<vmem_shared>> -> memref<112x128xf32, #tpu.memory_space<vmem_shared>>
      %dma_start3A_56 = arith.constant 0 : i32
      %dma_start3A_57 = arith.constant 0 : i32
      %dma_start3A_58 = tpu.memref_slice %arg10[%dma_start3A_56, %dma_start3A_57] : memref<128x128xf32, #tpu.memory_space<vmem>> -> memref<112x128xf32, #tpu.memory_space<vmem>>
      tpu.enqueue_dma source(%dma_start3A_58 : memref<112x128xf32, #tpu.memory_space<vmem>>) target(%dma_start3A_55 : memref<112x128xf32, #tpu.memory_space<vmem_shared>>) target_semaphore(%run_scoped3A : memref<!tpu.dma_semaphore, #tpu.memory_space<semaphore_mem>>)
      %dma_wait3A_59 = arith.constant 0 : i32
      %dma_wait3A_60 = arith.constant 0 : i32
      %dma_wait3A_61 = tpu.memref_slice %arg10[%dma_wait3A_59, %dma_wait3A_60] : memref<128x128xf32, #tpu.memory_space<vmem>> -> memref<112x128xf32, #tpu.memory_space<vmem>>
      %dma_wait3A_62 = arith.constant 0 : i32
      %dma_wait3A_63 = tpu.memref_slice %arg12[%add3A_19, %dma_wait3A_62] : memref<10016x128xf32, #tpu.memory_space<vmem_shared>> -> memref<112x128xf32, #tpu.memory_space<vmem_shared>>
      %dma_wait3A_64 = arith.constant 0 : i32
      %dma_wait3A_65 = tpu.memref_slice %arg12[%add3A_19, %dma_wait3A_64] : memref<10016x128xf32, #tpu.memory_space<vmem_shared>> -> memref<112x128xf32, #tpu.memory_space<vmem_shared>>
      %dma_wait3A_66 = arith.constant 0 : i32
      %dma_wait3A_67 = arith.constant 0 : i32
      %dma_wait3A_68 = tpu.memref_slice %arg10[%dma_wait3A_66, %dma_wait3A_67] : memref<128x128xf32, #tpu.memory_space<vmem>> -> memref<112x128xf32, #tpu.memory_space<vmem>>
      tpu.wait_dma2 semaphore(%run_scoped3A : memref<!tpu.dma_semaphore, #tpu.memory_space<semaphore_mem>>) src(%dma_wait3A_68 : memref<112x128xf32, #tpu.memory_space<vmem>>) dst(%dma_wait3A_65 : memref<112x128xf32, #tpu.memory_space<vmem_shared>>)
      tpu.yield
    }) : () -> ()
    %eq3A = arith.constant 0 : i32
    %eq3A_20 = arith.cmpi eq, %arg1, %eq3A : i32
    %convert_element_type3A = arith.extui %eq3A_20 : i1 to i32
    %cond3A = arith.constant 0 : i32
    %cond3A_21 = arith.cmpi ne, %convert_element_type3A, %cond3A : i32
    scf.if %cond3A_21 {
      "tpu.region"() ({
        %run_scoped3A = tpu.sem_alloc : memref<!tpu.dma_semaphore, #tpu.memory_space<semaphore_mem>>
        %dma_start3A_49 = arith.constant 0 : i32
        %dma_start3A_50 = arith.constant 0 : i32
        %dma_start3A_51 = tpu.memref_slice %arg10[%dma_start3A_49, %dma_start3A_50] : memref<128x128xf32, #tpu.memory_space<vmem>> -> memref<32x128xf32, #tpu.memory_space<vmem>>
        %dma_start3A_52 = arith.constant 9984 : i32
        %dma_start3A_53 = arith.constant 0 : i32
        %dma_start3A_54 = tpu.memref_slice %arg12[%dma_start3A_52, %dma_start3A_53] : memref<10016x128xf32, #tpu.memory_space<vmem_shared>> -> memref<32x128xf32, #tpu.memory_space<vmem_shared>>
        %dma_start3A_55 = arith.constant 9984 : i32
        %dma_start3A_56 = arith.constant 0 : i32
        %dma_start3A_57 = tpu.memref_slice %arg12[%dma_start3A_55, %dma_start3A_56] : memref<10016x128xf32, #tpu.memory_space<vmem_shared>> -> memref<32x128xf32, #tpu.memory_space<vmem_shared>>
        %dma_start3A_58 = arith.constant 0 : i32
        %dma_start3A_59 = arith.constant 0 : i32
        %dma_start3A_60 = tpu.memref_slice %arg10[%dma_start3A_58, %dma_start3A_59] : memref<128x128xf32, #tpu.memory_space<vmem>> -> memref<32x128xf32, #tpu.memory_space<vmem>>
        tpu.enqueue_dma source(%dma_start3A_60 : memref<32x128xf32, #tpu.memory_space<vmem>>) target(%dma_start3A_57 : memref<32x128xf32, #tpu.memory_space<vmem_shared>>) target_semaphore(%run_scoped3A : memref<!tpu.dma_semaphore, #tpu.memory_space<semaphore_mem>>)
        %dma_wait3A_61 = arith.constant 0 : i32
        %dma_wait3A_62 = arith.constant 0 : i32
        %dma_wait3A_63 = tpu.memref_slice %arg10[%dma_wait3A_61, %dma_wait3A_62] : memref<128x128xf32, #tpu.memory_space<vmem>> -> memref<32x128xf32, #tpu.memory_space<vmem>>
        %dma_wait3A_64 = arith.constant 9984 : i32
        %dma_wait3A_65 = arith.constant 0 : i32
        %dma_wait3A_66 = tpu.memref_slice %arg12[%dma_wait3A_64, %dma_wait3A_65] : memref<10016x128xf32, #tpu.memory_space<vmem_shared>> -> memref<32x128xf32, #tpu.memory_space<vmem_shared>>
        %dma_wait3A_67 = arith.constant 9984 : i32
        %dma_wait3A_68 = arith.constant 0 : i32
        %dma_wait3A_69 = tpu.memref_slice %arg12[%dma_wait3A_67, %dma_wait3A_68] : memref<10016x128xf32, #tpu.memory_space<vmem_shared>> -> memref<32x128xf32, #tpu.memory_space<vmem_shared>>
        %dma_wait3A_70 = arith.constant 0 : i32
        %dma_wait3A_71 = arith.constant 0 : i32
        %dma_wait3A_72 = tpu.memref_slice %arg10[%dma_wait3A_70, %dma_wait3A_71] : memref<128x128xf32, #tpu.memory_space<vmem>> -> memref<32x128xf32, #tpu.memory_space<vmem>>
        tpu.wait_dma2 semaphore(%run_scoped3A : memref<!tpu.dma_semaphore, #tpu.memory_space<semaphore_mem>>) src(%dma_wait3A_72 : memref<32x128xf32, #tpu.memory_space<vmem>>) dst(%dma_wait3A_69 : memref<32x128xf32, #tpu.memory_space<vmem_shared>>)
        tpu.yield
      }) : () -> ()
    } else {
    }
    %barrier3A = arith.constant 0 : index
    tpu.barrier barrier_id(%barrier3A)
    %add3A_22 = arith.constant 0 : i32
    %add3A_23 = arith.addi %mul3A_2, %add3A_22 : i32
    "tpu.region"() ({
      %run_scoped3A = tpu.sem_alloc : memref<!tpu.dma_semaphore, #tpu.memory_space<semaphore_mem>>
      %dma_start3A_49 = tpu.memref_slice %arg3[%add3A_23] : memref<327680xi32, #tpu.memory_space<hbm>> -> memref<128xi32, #tpu.memory_space<hbm>>
      %dma_start3A_50 = tpu.memref_slice %arg3[%add3A_23] : memref<327680xi32, #tpu.memory_space<hbm>> -> memref<128xi32, #tpu.memory_space<hbm>>
      tpu.enqueue_dma source(%dma_start3A_50 : memref<128xi32, #tpu.memory_space<hbm>>) target(%arg6 : memref<128xi32, #tpu.memory_space<vmem>>) target_semaphore(%run_scoped3A : memref<!tpu.dma_semaphore, #tpu.memory_space<semaphore_mem>>)
      %dma_wait3A_51 = tpu.memref_slice %arg3[%add3A_23] : memref<327680xi32, #tpu.memory_space<hbm>> -> memref<128xi32, #tpu.memory_space<hbm>>
      %dma_wait3A_52 = tpu.memref_slice %arg3[%add3A_23] : memref<327680xi32, #tpu.memory_space<hbm>> -> memref<128xi32, #tpu.memory_space<hbm>>
      tpu.wait_dma2 semaphore(%run_scoped3A : memref<!tpu.dma_semaphore, #tpu.memory_space<semaphore_mem>>) src(%dma_wait3A_52 : memref<128xi32, #tpu.memory_space<hbm>>) dst(%arg6 : memref<128xi32, #tpu.memory_space<vmem>>)
      tpu.yield
    }) : () -> ()
    "tpu.region"() ({
      %run_scoped3A = tpu.sem_alloc : memref<!tpu.dma_semaphore, #tpu.memory_space<semaphore_mem>>
      %dma_start3A_49 = tpu.memref_slice %arg4[%add3A_23] : memref<327680xi32, #tpu.memory_space<hbm>> -> memref<128xi32, #tpu.memory_space<hbm>>
      %dma_start3A_50 = tpu.memref_slice %arg4[%add3A_23] : memref<327680xi32, #tpu.memory_space<hbm>> -> memref<128xi32, #tpu.memory_space<hbm>>
      tpu.enqueue_dma source(%dma_start3A_50 : memref<128xi32, #tpu.memory_space<hbm>>) target(%arg8 : memref<128xi32, #tpu.memory_space<vmem>>) target_semaphore(%run_scoped3A : memref<!tpu.dma_semaphore, #tpu.memory_space<semaphore_mem>>)
      %dma_wait3A_51 = tpu.memref_slice %arg4[%add3A_23] : memref<327680xi32, #tpu.memory_space<hbm>> -> memref<128xi32, #tpu.memory_space<hbm>>
      %dma_wait3A_52 = tpu.memref_slice %arg4[%add3A_23] : memref<327680xi32, #tpu.memory_space<hbm>> -> memref<128xi32, #tpu.memory_space<hbm>>
      tpu.wait_dma2 semaphore(%run_scoped3A : memref<!tpu.dma_semaphore, #tpu.memory_space<semaphore_mem>>) src(%dma_wait3A_52 : memref<128xi32, #tpu.memory_space<hbm>>) dst(%arg8 : memref<128xi32, #tpu.memory_space<vmem>>)
      tpu.yield
    }) : () -> ()
    %add3A_24 = arith.constant 128 : i32
    %add3A_25 = arith.addi %mul3A_2, %add3A_24 : i32
    "tpu.region"() ({
      %run_scoped3A = tpu.sem_alloc : memref<!tpu.dma_semaphore, #tpu.memory_space<semaphore_mem>>
      %dma_start3A_49 = tpu.memref_slice %arg3[%add3A_25] : memref<327680xi32, #tpu.memory_space<hbm>> -> memref<128xi32, #tpu.memory_space<hbm>>
      %dma_start3A_50 = tpu.memref_slice %arg3[%add3A_25] : memref<327680xi32, #tpu.memory_space<hbm>> -> memref<128xi32, #tpu.memory_space<hbm>>
      tpu.enqueue_dma source(%dma_start3A_50 : memref<128xi32, #tpu.memory_space<hbm>>) target(%arg7 : memref<128xi32, #tpu.memory_space<vmem>>) target_semaphore(%run_scoped3A : memref<!tpu.dma_semaphore, #tpu.memory_space<semaphore_mem>>)
      %dma_wait3A_51 = tpu.memref_slice %arg3[%add3A_25] : memref<327680xi32, #tpu.memory_space<hbm>> -> memref<128xi32, #tpu.memory_space<hbm>>
      %dma_wait3A_52 = tpu.memref_slice %arg3[%add3A_25] : memref<327680xi32, #tpu.memory_space<hbm>> -> memref<128xi32, #tpu.memory_space<hbm>>
      tpu.wait_dma2 semaphore(%run_scoped3A : memref<!tpu.dma_semaphore, #tpu.memory_space<semaphore_mem>>) src(%dma_wait3A_52 : memref<128xi32, #tpu.memory_space<hbm>>) dst(%arg7 : memref<128xi32, #tpu.memory_space<vmem>>)
      tpu.yield
    }) : () -> ()
    "tpu.region"() ({
      %run_scoped3A = tpu.sem_alloc : memref<!tpu.dma_semaphore, #tpu.memory_space<semaphore_mem>>
      %dma_start3A_49 = tpu.memref_slice %arg4[%add3A_25] : memref<327680xi32, #tpu.memory_space<hbm>> -> memref<128xi32, #tpu.memory_space<hbm>>
      %dma_start3A_50 = tpu.memref_slice %arg4[%add3A_25] : memref<327680xi32, #tpu.memory_space<hbm>> -> memref<128xi32, #tpu.memory_space<hbm>>
      tpu.enqueue_dma source(%dma_start3A_50 : memref<128xi32, #tpu.memory_space<hbm>>) target(%arg9 : memref<128xi32, #tpu.memory_space<vmem>>) target_semaphore(%run_scoped3A : memref<!tpu.dma_semaphore, #tpu.memory_space<semaphore_mem>>)
      %dma_wait3A_51 = tpu.memref_slice %arg4[%add3A_25] : memref<327680xi32, #tpu.memory_space<hbm>> -> memref<128xi32, #tpu.memory_space<hbm>>
      %dma_wait3A_52 = tpu.memref_slice %arg4[%add3A_25] : memref<327680xi32, #tpu.memory_space<hbm>> -> memref<128xi32, #tpu.memory_space<hbm>>
      tpu.wait_dma2 semaphore(%run_scoped3A : memref<!tpu.dma_semaphore, #tpu.memory_space<semaphore_mem>>) src(%dma_wait3A_52 : memref<128xi32, #tpu.memory_space<hbm>>) dst(%arg9 : memref<128xi32, #tpu.memory_space<vmem>>)
      tpu.yield
    }) : () -> ()
    %dma_start3A = arith.constant 0 : i32
    %dma_start3A_26 = arith.constant 0 : i32
    %dma_start3A_27 = tpu.memref_slice %arg2[%dma_start3A, %dma_start3A_26] : memref<10000x128xf32, #tpu.memory_space<hbm>> -> memref<10000x128xf32, #tpu.memory_space<hbm>>
    tpu.enqueue_indirect_dma source(%dma_start3A_27 : memref<10000x128xf32, #tpu.memory_space<hbm>>) target(%arg10 : memref<128x128xf32, #tpu.memory_space<vmem>>) offsets(%arg6 : memref<128xi32, #tpu.memory_space<vmem>>) semaphore(%arg13 : memref<!tpu.dma_semaphore, #tpu.memory_space<semaphore_mem>>)
    %scan3A_28 = arith.constant 0 : i32
    %scan3A_29 = arith.constant 39 : i32
    %scan3A_30 = arith.addi %scan3A_28, %scan3A_29 : i32
    %scan3A_31 = arith.constant 1 : i32
    scf.for %scan3A_49 = %scan3A_28 to %scan3A_30 step %scan3A_31  : i32 {
      %mul3A_50 = arith.constant 1 : i32
      %mul3A_51 = arith.muli %scan3A_49, %mul3A_50 : i32
      %add3A_52 = arith.constant 0 : i32
      %add3A_53 = arith.addi %add3A_52, %mul3A_51 : i32
      %mul3A_54 = arith.constant 2 : i32
      %mul3A_55 = arith.muli %mul3A_54, %add3A_53 : i32
      %dma_wait3A_56 = arith.constant 0 : i32
      %dma_wait3A_57 = arith.constant 0 : i32
      %dma_wait3A_58 = tpu.memref_slice %arg2[%dma_wait3A_56, %dma_wait3A_57] : memref<10000x128xf32, #tpu.memory_space<hbm>> -> memref<10000x128xf32, #tpu.memory_space<hbm>>
      tpu.wait_indirect_dma semaphore(%arg13 : memref<!tpu.dma_semaphore, #tpu.memory_space<semaphore_mem>>) src(%dma_wait3A_58 : memref<10000x128xf32, #tpu.memory_space<hbm>>) dst(%arg10 : memref<128x128xf32, #tpu.memory_space<vmem>>)
      %dma_start3A_59 = arith.constant 0 : i32
      %dma_start3A_60 = arith.constant 0 : i32
      %dma_start3A_61 = tpu.memref_slice %arg2[%dma_start3A_59, %dma_start3A_60] : memref<10000x128xf32, #tpu.memory_space<hbm>> -> memref<10000x128xf32, #tpu.memory_space<hbm>>
      tpu.enqueue_indirect_dma source(%dma_start3A_61 : memref<10000x128xf32, #tpu.memory_space<hbm>>) target(%arg11 : memref<128x128xf32, #tpu.memory_space<vmem>>) offsets(%arg7 : memref<128xi32, #tpu.memory_space<vmem>>) semaphore(%arg14 : memref<!tpu.dma_semaphore, #tpu.memory_space<semaphore_mem>>)
      "tpu.region"() ({
        %run_scoped3A = tpu.sem_alloc : memref<!tpu.dma_semaphore, #tpu.memory_space<semaphore_mem>>
        %dma_start3A_78 = arith.constant 0 : i32
        %dma_start3A_79 = arith.constant 0 : i32
        %dma_start3A_80 = tpu.memref_slice %arg12[%dma_start3A_78, %dma_start3A_79] : memref<10016x128xf32, #tpu.memory_space<vmem_shared>> -> memref<10016x128xf32, #tpu.memory_space<vmem_shared>>
        tpu.enqueue_indirect_dma source(%arg10 : memref<128x128xf32, #tpu.memory_space<vmem>>) target(%dma_start3A_80 : memref<10016x128xf32, #tpu.memory_space<vmem_shared>>) offsets(%arg8 : memref<128xi32, #tpu.memory_space<vmem>>) semaphore(%run_scoped3A : memref<!tpu.dma_semaphore, #tpu.memory_space<semaphore_mem>>) {add = true}
        %dma_wait3A_81 = arith.constant 0 : i32
        %dma_wait3A_82 = arith.constant 0 : i32
        %dma_wait3A_83 = tpu.memref_slice %arg12[%dma_wait3A_81, %dma_wait3A_82] : memref<10016x128xf32, #tpu.memory_space<vmem_shared>> -> memref<10016x128xf32, #tpu.memory_space<vmem_shared>>
        tpu.wait_indirect_dma semaphore(%run_scoped3A : memref<!tpu.dma_semaphore, #tpu.memory_space<semaphore_mem>>) src(%arg10 : memref<128x128xf32, #tpu.memory_space<vmem>>) dst(%dma_wait3A_83 : memref<10016x128xf32, #tpu.memory_space<vmem_shared>>)
        tpu.yield
      }) : () -> ()
      %add3A_62 = arith.constant 2 : i32
      %add3A_63 = arith.addi %mul3A_55, %add3A_62 : i32
      %mul3A_64 = arith.constant 128 : i32
      %mul3A_65 = arith.muli %add3A_63, %mul3A_64 : i32
      %add3A_66 = arith.addi %mul3A_2, %mul3A_65 : i32
      "tpu.region"() ({
        %run_scoped3A = tpu.sem_alloc : memref<!tpu.dma_semaphore, #tpu.memory_space<semaphore_mem>>
        %dma_start3A_78 = tpu.memref_slice %arg3[%add3A_66] : memref<327680xi32, #tpu.memory_space<hbm>> -> memref<128xi32, #tpu.memory_space<hbm>>
        %dma_start3A_79 = tpu.memref_slice %arg3[%add3A_66] : memref<327680xi32, #tpu.memory_space<hbm>> -> memref<128xi32, #tpu.memory_space<hbm>>
        tpu.enqueue_dma source(%dma_start3A_79 : memref<128xi32, #tpu.memory_space<hbm>>) target(%arg6 : memref<128xi32, #tpu.memory_space<vmem>>) target_semaphore(%run_scoped3A : memref<!tpu.dma_semaphore, #tpu.memory_space<semaphore_mem>>)
        %dma_wait3A_80 = tpu.memref_slice %arg3[%add3A_66] : memref<327680xi32, #tpu.memory_space<hbm>> -> memref<128xi32, #tpu.memory_space<hbm>>
        %dma_wait3A_81 = tpu.memref_slice %arg3[%add3A_66] : memref<327680xi32, #tpu.memory_space<hbm>> -> memref<128xi32, #tpu.memory_space<hbm>>
        tpu.wait_dma2 semaphore(%run_scoped3A : memref<!tpu.dma_semaphore, #tpu.memory_space<semaphore_mem>>) src(%dma_wait3A_81 : memref<128xi32, #tpu.memory_space<hbm>>) dst(%arg6 : memref<128xi32, #tpu.memory_space<vmem>>)
        tpu.yield
      }) : () -> ()
      "tpu.region"() ({
        %run_scoped3A = tpu.sem_alloc : memref<!tpu.dma_semaphore, #tpu.memory_space<semaphore_mem>>
        %dma_start3A_78 = tpu.memref_slice %arg4[%add3A_66] : memref<327680xi32, #tpu.memory_space<hbm>> -> memref<128xi32, #tpu.memory_space<hbm>>
        %dma_start3A_79 = tpu.memref_slice %arg4[%add3A_66] : memref<327680xi32, #tpu.memory_space<hbm>> -> memref<128xi32, #tpu.memory_space<hbm>>
        tpu.enqueue_dma source(%dma_start3A_79 : memref<128xi32, #tpu.memory_space<hbm>>) target(%arg8 : memref<128xi32, #tpu.memory_space<vmem>>) target_semaphore(%run_scoped3A : memref<!tpu.dma_semaphore, #tpu.memory_space<semaphore_mem>>)
        %dma_wait3A_80 = tpu.memref_slice %arg4[%add3A_66] : memref<327680xi32, #tpu.memory_space<hbm>> -> memref<128xi32, #tpu.memory_space<hbm>>
        %dma_wait3A_81 = tpu.memref_slice %arg4[%add3A_66] : memref<327680xi32, #tpu.memory_space<hbm>> -> memref<128xi32, #tpu.memory_space<hbm>>
        tpu.wait_dma2 semaphore(%run_scoped3A : memref<!tpu.dma_semaphore, #tpu.memory_space<semaphore_mem>>) src(%dma_wait3A_81 : memref<128xi32, #tpu.memory_space<hbm>>) dst(%arg8 : memref<128xi32, #tpu.memory_space<vmem>>)
        tpu.yield
      }) : () -> ()
      %dma_wait3A_67 = arith.constant 0 : i32
      %dma_wait3A_68 = arith.constant 0 : i32
      %dma_wait3A_69 = tpu.memref_slice %arg2[%dma_wait3A_67, %dma_wait3A_68] : memref<10000x128xf32, #tpu.memory_space<hbm>> -> memref<10000x128xf32, #tpu.memory_space<hbm>>
      tpu.wait_indirect_dma semaphore(%arg14 : memref<!tpu.dma_semaphore, #tpu.memory_space<semaphore_mem>>) src(%dma_wait3A_69 : memref<10000x128xf32, #tpu.memory_space<hbm>>) dst(%arg11 : memref<128x128xf32, #tpu.memory_space<vmem>>)
      %dma_start3A_70 = arith.constant 0 : i32
      %dma_start3A_71 = arith.constant 0 : i32
      %dma_start3A_72 = tpu.memref_slice %arg2[%dma_start3A_70, %dma_start3A_71] : memref<10000x128xf32, #tpu.memory_space<hbm>> -> memref<10000x128xf32, #tpu.memory_space<hbm>>
      tpu.enqueue_indirect_dma source(%dma_start3A_72 : memref<10000x128xf32, #tpu.memory_space<hbm>>) target(%arg10 : memref<128x128xf32, #tpu.memory_space<vmem>>) offsets(%arg6 : memref<128xi32, #tpu.memory_space<vmem>>) semaphore(%arg13 : memref<!tpu.dma_semaphore, #tpu.memory_space<semaphore_mem>>)
      "tpu.region"() ({
        %run_scoped3A = tpu.sem_alloc : memref<!tpu.dma_semaphore, #tpu.memory_space<semaphore_mem>>
        %dma_start3A_78 = arith.constant 0 : i32
        %dma_start3A_79 = arith.constant 0 : i32
        %dma_start3A_80 = tpu.memref_slice %arg12[%dma_start3A_78, %dma_start3A_79] : memref<10016x128xf32, #tpu.memory_space<vmem_shared>> -> memref<10016x128xf32, #tpu.memory_space<vmem_shared>>
        tpu.enqueue_indirect_dma source(%arg11 : memref<128x128xf32, #tpu.memory_space<vmem>>) target(%dma_start3A_80 : memref<10016x128xf32, #tpu.memory_space<vmem_shared>>) offsets(%arg9 : memref<128xi32, #tpu.memory_space<vmem>>) semaphore(%run_scoped3A : memref<!tpu.dma_semaphore, #tpu.memory_space<semaphore_mem>>) {add = true}
        %dma_wait3A_81 = arith.constant 0 : i32
        %dma_wait3A_82 = arith.constant 0 : i32
        %dma_wait3A_83 = tpu.memref_slice %arg12[%dma_wait3A_81, %dma_wait3A_82] : memref<10016x128xf32, #tpu.memory_space<vmem_shared>> -> memref<10016x128xf32, #tpu.memory_space<vmem_shared>>
        tpu.wait_indirect_dma semaphore(%run_scoped3A : memref<!tpu.dma_semaphore, #tpu.memory_space<semaphore_mem>>) src(%arg11 : memref<128x128xf32, #tpu.memory_space<vmem>>) dst(%dma_wait3A_83 : memref<10016x128xf32, #tpu.memory_space<vmem_shared>>)
        tpu.yield
      }) : () -> ()
      %add3A_73 = arith.constant 3 : i32
      %add3A_74 = arith.addi %mul3A_55, %add3A_73 : i32
      %mul3A_75 = arith.constant 128 : i32
      %mul3A_76 = arith.muli %add3A_74, %mul3A_75 : i32
      %add3A_77 = arith.addi %mul3A_2, %mul3A_76 : i32
      "tpu.region"() ({
        %run_scoped3A = tpu.sem_alloc : memref<!tpu.dma_semaphore, #tpu.memory_space<semaphore_mem>>
        %dma_start3A_78 = tpu.memref_slice %arg3[%add3A_77] : memref<327680xi32, #tpu.memory_space<hbm>> -> memref<128xi32, #tpu.memory_space<hbm>>
        %dma_start3A_79 = tpu.memref_slice %arg3[%add3A_77] : memref<327680xi32, #tpu.memory_space<hbm>> -> memref<128xi32, #tpu.memory_space<hbm>>
        tpu.enqueue_dma source(%dma_start3A_79 : memref<128xi32, #tpu.memory_space<hbm>>) target(%arg7 : memref<128xi32, #tpu.memory_space<vmem>>) target_semaphore(%run_scoped3A : memref<!tpu.dma_semaphore, #tpu.memory_space<semaphore_mem>>)
        %dma_wait3A_80 = tpu.memref_slice %arg3[%add3A_77] : memref<327680xi32, #tpu.memory_space<hbm>> -> memref<128xi32, #tpu.memory_space<hbm>>
        %dma_wait3A_81 = tpu.memref_slice %arg3[%add3A_77] : memref<327680xi32, #tpu.memory_space<hbm>> -> memref<128xi32, #tpu.memory_space<hbm>>
        tpu.wait_dma2 semaphore(%run_scoped3A : memref<!tpu.dma_semaphore, #tpu.memory_space<semaphore_mem>>) src(%dma_wait3A_81 : memref<128xi32, #tpu.memory_space<hbm>>) dst(%arg7 : memref<128xi32, #tpu.memory_space<vmem>>)
        tpu.yield
      }) : () -> ()
      "tpu.region"() ({
        %run_scoped3A = tpu.sem_alloc : memref<!tpu.dma_semaphore, #tpu.memory_space<semaphore_mem>>
        %dma_start3A_78 = tpu.memref_slice %arg4[%add3A_77] : memref<327680xi32, #tpu.memory_space<hbm>> -> memref<128xi32, #tpu.memory_space<hbm>>
        %dma_start3A_79 = tpu.memref_slice %arg4[%add3A_77] : memref<327680xi32, #tpu.memory_space<hbm>> -> memref<128xi32, #tpu.memory_space<hbm>>
        tpu.enqueue_dma source(%dma_start3A_79 : memref<128xi32, #tpu.memory_space<hbm>>) target(%arg9 : memref<128xi32, #tpu.memory_space<vmem>>) target_semaphore(%run_scoped3A : memref<!tpu.dma_semaphore, #tpu.memory_space<semaphore_mem>>)
        %dma_wait3A_80 = tpu.memref_slice %arg4[%add3A_77] : memref<327680xi32, #tpu.memory_space<hbm>> -> memref<128xi32, #tpu.memory_space<hbm>>
        %dma_wait3A_81 = tpu.memref_slice %arg4[%add3A_77] : memref<327680xi32, #tpu.memory_space<hbm>> -> memref<128xi32, #tpu.memory_space<hbm>>
        tpu.wait_dma2 semaphore(%run_scoped3A : memref<!tpu.dma_semaphore, #tpu.memory_space<semaphore_mem>>) src(%dma_wait3A_81 : memref<128xi32, #tpu.memory_space<hbm>>) dst(%arg9 : memref<128xi32, #tpu.memory_space<vmem>>)
        tpu.yield
      }) : () -> ()
    }
    %scan3A_32 = arith.constant 39 : i32
    %dma_wait3A = arith.constant 0 : i32
    %dma_wait3A_33 = arith.constant 0 : i32
    %dma_wait3A_34 = tpu.memref_slice %arg2[%dma_wait3A, %dma_wait3A_33] : memref<10000x128xf32, #tpu.memory_space<hbm>> -> memref<10000x128xf32, #tpu.memory_space<hbm>>
    tpu.wait_indirect_dma semaphore(%arg13 : memref<!tpu.dma_semaphore, #tpu.memory_space<semaphore_mem>>) src(%dma_wait3A_34 : memref<10000x128xf32, #tpu.memory_space<hbm>>) dst(%arg10 : memref<128x128xf32, #tpu.memory_space<vmem>>)
    %dma_start3A_35 = arith.constant 0 : i32
    %dma_start3A_36 = arith.constant 0 : i32
    %dma_start3A_37 = tpu.memref_slice %arg2[%dma_start3A_35, %dma_start3A_36] : memref<10000x128xf32, #tpu.memory_space<hbm>> -> memref<10000x128xf32, #tpu.memory_space<hbm>>
    tpu.enqueue_indirect_dma source(%dma_start3A_37 : memref<10000x128xf32, #tpu.memory_space<hbm>>) target(%arg11 : memref<128x128xf32, #tpu.memory_space<vmem>>) offsets(%arg7 : memref<128xi32, #tpu.memory_space<vmem>>) semaphore(%arg14 : memref<!tpu.dma_semaphore, #tpu.memory_space<semaphore_mem>>)
    "tpu.region"() ({
      %run_scoped3A = tpu.sem_alloc : memref<!tpu.dma_semaphore, #tpu.memory_space<semaphore_mem>>
      %dma_start3A_49 = arith.constant 0 : i32
      %dma_start3A_50 = arith.constant 0 : i32
      %dma_start3A_51 = tpu.memref_slice %arg12[%dma_start3A_49, %dma_start3A_50] : memref<10016x128xf32, #tpu.memory_space<vmem_shared>> -> memref<10016x128xf32, #tpu.memory_space<vmem_shared>>
      tpu.enqueue_indirect_dma source(%arg10 : memref<128x128xf32, #tpu.memory_space<vmem>>) target(%dma_start3A_51 : memref<10016x128xf32, #tpu.memory_space<vmem_shared>>) offsets(%arg8 : memref<128xi32, #tpu.memory_space<vmem>>) semaphore(%run_scoped3A : memref<!tpu.dma_semaphore, #tpu.memory_space<semaphore_mem>>) {add = true}
      %dma_wait3A_52 = arith.constant 0 : i32
      %dma_wait3A_53 = arith.constant 0 : i32
      %dma_wait3A_54 = tpu.memref_slice %arg12[%dma_wait3A_52, %dma_wait3A_53] : memref<10016x128xf32, #tpu.memory_space<vmem_shared>> -> memref<10016x128xf32, #tpu.memory_space<vmem_shared>>
      tpu.wait_indirect_dma semaphore(%run_scoped3A : memref<!tpu.dma_semaphore, #tpu.memory_space<semaphore_mem>>) src(%arg10 : memref<128x128xf32, #tpu.memory_space<vmem>>) dst(%dma_wait3A_54 : memref<10016x128xf32, #tpu.memory_space<vmem_shared>>)
      tpu.yield
    }) : () -> ()
    %dma_wait3A_38 = arith.constant 0 : i32
    %dma_wait3A_39 = arith.constant 0 : i32
    %dma_wait3A_40 = tpu.memref_slice %arg2[%dma_wait3A_38, %dma_wait3A_39] : memref<10000x128xf32, #tpu.memory_space<hbm>> -> memref<10000x128xf32, #tpu.memory_space<hbm>>
    tpu.wait_indirect_dma semaphore(%arg14 : memref<!tpu.dma_semaphore, #tpu.memory_space<semaphore_mem>>) src(%dma_wait3A_40 : memref<10000x128xf32, #tpu.memory_space<hbm>>) dst(%arg11 : memref<128x128xf32, #tpu.memory_space<vmem>>)
    "tpu.region"() ({
      %run_scoped3A = tpu.sem_alloc : memref<!tpu.dma_semaphore, #tpu.memory_space<semaphore_mem>>
      %dma_start3A_49 = arith.constant 0 : i32
      %dma_start3A_50 = arith.constant 0 : i32
      %dma_start3A_51 = tpu.memref_slice %arg12[%dma_start3A_49, %dma_start3A_50] : memref<10016x128xf32, #tpu.memory_space<vmem_shared>> -> memref<10016x128xf32, #tpu.memory_space<vmem_shared>>
      tpu.enqueue_indirect_dma source(%arg11 : memref<128x128xf32, #tpu.memory_space<vmem>>) target(%dma_start3A_51 : memref<10016x128xf32, #tpu.memory_space<vmem_shared>>) offsets(%arg9 : memref<128xi32, #tpu.memory_space<vmem>>) semaphore(%run_scoped3A : memref<!tpu.dma_semaphore, #tpu.memory_space<semaphore_mem>>) {add = true}
      %dma_wait3A_52 = arith.constant 0 : i32
      %dma_wait3A_53 = arith.constant 0 : i32
      %dma_wait3A_54 = tpu.memref_slice %arg12[%dma_wait3A_52, %dma_wait3A_53] : memref<10016x128xf32, #tpu.memory_space<vmem_shared>> -> memref<10016x128xf32, #tpu.memory_space<vmem_shared>>
      tpu.wait_indirect_dma semaphore(%run_scoped3A : memref<!tpu.dma_semaphore, #tpu.memory_space<semaphore_mem>>) src(%arg11 : memref<128x128xf32, #tpu.memory_space<vmem>>) dst(%dma_wait3A_54 : memref<10016x128xf32, #tpu.memory_space<vmem_shared>>)
      tpu.yield
    }) : () -> ()
    %barrier3A_41 = arith.constant 0 : index
    tpu.barrier barrier_id(%barrier3A_41)
    %mul3A_42 = arith.constant 624 : i32
    %mul3A_43 = arith.muli %arg1, %mul3A_42 : i32
    "tpu.region"() ({
      %run_scoped3A = tpu.sem_alloc : memref<!tpu.dma_semaphore, #tpu.memory_space<semaphore_mem>>
      %dma_start3A_49 = arith.constant 0 : i32
      %dma_start3A_50 = tpu.memref_slice %arg5[%arg0, %mul3A_43, %dma_start3A_49] : memref<2x10000x128xf32, #tpu.memory_space<hbm>> -> memref<1x624x128xf32, #tpu.memory_space<hbm>>
      %dma_start3A_51 = tpu.memref_squeeze %dma_start3A_50 : memref<1x624x128xf32, #tpu.memory_space<hbm>> -> memref<624x128xf32, #tpu.memory_space<hbm>>
      %dma_start3A_52 = arith.constant 0 : i32
      %dma_start3A_53 = tpu.memref_slice %arg12[%mul3A_43, %dma_start3A_52] : memref<10016x128xf32, #tpu.memory_space<vmem_shared>> -> memref<624x128xf32, #tpu.memory_space<vmem_shared>>
      tpu.enqueue_dma source(%dma_start3A_53 : memref<624x128xf32, #tpu.memory_space<vmem_shared>>) target(%dma_start3A_51 : memref<624x128xf32, #tpu.memory_space<hbm>>) target_semaphore(%run_scoped3A : memref<!tpu.dma_semaphore, #tpu.memory_space<semaphore_mem>>)
      %dma_wait3A_54 = arith.constant 0 : i32
      %dma_wait3A_55 = tpu.memref_slice %arg5[%arg0, %mul3A_43, %dma_wait3A_54] : memref<2x10000x128xf32, #tpu.memory_space<hbm>> -> memref<1x624x128xf32, #tpu.memory_space<hbm>>
      %dma_wait3A_56 = tpu.memref_squeeze %dma_wait3A_55 : memref<1x624x128xf32, #tpu.memory_space<hbm>> -> memref<624x128xf32, #tpu.memory_space<hbm>>
      %dma_wait3A_57 = arith.constant 0 : i32
      %dma_wait3A_58 = tpu.memref_slice %arg12[%mul3A_43, %dma_wait3A_57] : memref<10016x128xf32, #tpu.memory_space<vmem_shared>> -> memref<624x128xf32, #tpu.memory_space<vmem_shared>>
      tpu.wait_dma2 semaphore(%run_scoped3A : memref<!tpu.dma_semaphore, #tpu.memory_space<semaphore_mem>>) src(%dma_wait3A_58 : memref<624x128xf32, #tpu.memory_space<vmem_shared>>) dst(%dma_wait3A_56 : memref<624x128xf32, #tpu.memory_space<hbm>>)
      tpu.yield
    }) : () -> ()
    %eq3A_44 = arith.constant 0 : i32
    %eq3A_45 = arith.cmpi eq, %arg1, %eq3A_44 : i32
    %convert_element_type3A_46 = arith.extui %eq3A_45 : i1 to i32
    %cond3A_47 = arith.constant 0 : i32
    %cond3A_48 = arith.cmpi ne, %convert_element_type3A_46, %cond3A_47 : i32
    scf.if %cond3A_48 {
      "tpu.region"() ({
        %run_scoped3A = tpu.sem_alloc : memref<!tpu.dma_semaphore, #tpu.memory_space<semaphore_mem>>
        %dma_start3A_49 = arith.constant 9984 : i32
        %dma_start3A_50 = arith.constant 0 : i32
        %dma_start3A_51 = tpu.memref_slice %arg5[%arg0, %dma_start3A_49, %dma_start3A_50] : memref<2x10000x128xf32, #tpu.memory_space<hbm>> -> memref<1x16x128xf32, #tpu.memory_space<hbm>>
        %dma_start3A_52 = tpu.memref_squeeze %dma_start3A_51 : memref<1x16x128xf32, #tpu.memory_space<hbm>> -> memref<16x128xf32, #tpu.memory_space<hbm>>
        %dma_start3A_53 = arith.constant 9984 : i32
        %dma_start3A_54 = arith.constant 0 : i32
        %dma_start3A_55 = tpu.memref_slice %arg12[%dma_start3A_53, %dma_start3A_54] : memref<10016x128xf32, #tpu.memory_space<vmem_shared>> -> memref<16x128xf32, #tpu.memory_space<vmem_shared>>
        tpu.enqueue_dma source(%dma_start3A_55 : memref<16x128xf32, #tpu.memory_space<vmem_shared>>) target(%dma_start3A_52 : memref<16x128xf32, #tpu.memory_space<hbm>>) target_semaphore(%run_scoped3A : memref<!tpu.dma_semaphore, #tpu.memory_space<semaphore_mem>>)
        %dma_wait3A_56 = arith.constant 9984 : i32
        %dma_wait3A_57 = arith.constant 0 : i32
        %dma_wait3A_58 = tpu.memref_slice %arg5[%arg0, %dma_wait3A_56, %dma_wait3A_57] : memref<2x10000x128xf32, #tpu.memory_space<hbm>> -> memref<1x16x128xf32, #tpu.memory_space<hbm>>
        %dma_wait3A_59 = tpu.memref_squeeze %dma_wait3A_58 : memref<1x16x128xf32, #tpu.memory_space<hbm>> -> memref<16x128xf32, #tpu.memory_space<hbm>>
        %dma_wait3A_60 = arith.constant 9984 : i32
        %dma_wait3A_61 = arith.constant 0 : i32
        %dma_wait3A_62 = tpu.memref_slice %arg12[%dma_wait3A_60, %dma_wait3A_61] : memref<10016x128xf32, #tpu.memory_space<vmem_shared>> -> memref<16x128xf32, #tpu.memory_space<vmem_shared>>
        tpu.wait_dma2 semaphore(%run_scoped3A : memref<!tpu.dma_semaphore, #tpu.memory_space<semaphore_mem>>) src(%dma_wait3A_62 : memref<16x128xf32, #tpu.memory_space<vmem_shared>>) dst(%dma_wait3A_59 : memref<16x128xf32, #tpu.memory_space<hbm>>)
        tpu.yield
      }) : () -> ()
    } else {
    }
    return
  }
}

#map = affine_map<(d0, d1) -> (0)>
#map1 = affine_map<(d0, d1) -> (0, 0, 0)>
module attributes {stable_mosaic.version = 14 : i64} {
  func.func @deg_kernel(%arg0: i32, %arg1: i32, %arg2: memref<327680xi32, #tpu.memory_space<hbm>>, %arg3: memref<2x10000x16xf32, #tpu.memory_space<hbm>>, %arg4: memref<128xi32, #tpu.memory_space<vmem>>, %arg5: memref<128xi32, #tpu.memory_space<vmem>>, %arg6: memref<128xi32, #tpu.memory_space<vmem>>, %arg7: memref<128xi32, #tpu.memory_space<vmem>>, %arg8: memref<128xi32, #tpu.memory_space<vmem>>, %arg9: memref<128xi32, #tpu.memory_space<vmem>>, %arg10: memref<128xi32, #tpu.memory_space<vmem>>, %arg11: memref<128xi32, #tpu.memory_space<vmem>>, %arg12: memref<128x16xf32, #tpu.memory_space<vmem>>, %arg13: memref<10016x16xf32, #tpu.memory_space<vmem_shared>>, %arg14: memref<!tpu.dma_semaphore, #tpu.memory_space<semaphore_mem>>, %arg15: memref<!tpu.dma_semaphore, #tpu.memory_space<semaphore_mem>>, %arg16: memref<!tpu.dma_semaphore, #tpu.memory_space<semaphore_mem>>, %arg17: memref<!tpu.dma_semaphore, #tpu.memory_space<semaphore_mem>>, %arg18: memref<!tpu.dma_semaphore, #tpu.memory_space<semaphore_mem>>, %arg19: memref<!tpu.dma_semaphore, #tpu.memory_space<semaphore_mem>>, %arg20: memref<!tpu.dma_semaphore, #tpu.memory_space<semaphore_mem>>, %arg21: memref<!tpu.dma_semaphore, #tpu.memory_space<semaphore_mem>>, %arg22: memref<!tpu.dma_semaphore, #tpu.memory_space<semaphore_mem>>, %arg23: memref<!tpu.dma_semaphore, #tpu.memory_space<semaphore_mem>>, %arg24: memref<!tpu.dma_semaphore, #tpu.memory_space<semaphore_mem>>, %arg25: memref<!tpu.dma_semaphore, #tpu.memory_space<semaphore_mem>>) attributes {dimension_semantics = [#tpu.dimension_semantics<core_parallel>, #tpu.dimension_semantics<subcore_parallel>], iteration_bounds = array<i64: 2, 16>, scalar_prefetch = 0 : i64, scratch_operands = 22 : i64, tpu.core_type = #tpu.core_type<sc_vector_subcore>, window_params = [{transform_indices = #map}, {transform_indices = #map1}]} {
    %mul3A = arith.constant 16 : i32
    %mul3A_0 = arith.muli %arg0, %mul3A : i32
    %add3A = arith.addi %mul3A_0, %arg1 : i32
    %mul3A_1 = arith.constant 10240 : i32
    %mul3A_2 = arith.muli %add3A, %mul3A_1 : i32
    %broadcast_in_dim3A = arith.constant 0.000000e+00 : f32
    %broadcast_in_dim3A_3 = vector.broadcast %broadcast_in_dim3A : f32 to vector<16xf32>
    %scan3A = arith.constant 0 : i32
    %scan3A_4 = arith.constant 128 : i32
    %scan3A_5 = arith.addi %scan3A, %scan3A_4 : i32
    %scan3A_6 = arith.constant 1 : i32
    scf.for %scan3A_152 = %scan3A to %scan3A_5 step %scan3A_6  : i32 {
      %mul3A_153 = arith.constant 1 : i32
      %mul3A_154 = arith.muli %scan3A_152, %mul3A_153 : i32
      %add3A_155 = arith.constant 0 : i32
      %add3A_156 = arith.addi %add3A_155, %mul3A_154 : i32
      %scan3A_157 = arith.constant 0 : i32
      %mul3A_158 = arith.constant 1 : i32
      %mul3A_159 = arith.muli %scan3A_157, %mul3A_158 : i32
      %add3A_160 = arith.constant 0 : i32
      %add3A_161 = arith.addi %add3A_160, %mul3A_159 : i32
      %mul3A_162 = arith.constant 16 : i32
      %mul3A_163 = arith.muli %add3A_161, %mul3A_162 : i32
      %swap3A = arith.constant 0 : i32
      %swap3A_164 = tpu.memref_slice %arg12[%add3A_156, %swap3A] : memref<128x16xf32, #tpu.memory_space<vmem>> -> memref<1x16xf32, #tpu.memory_space<vmem>>
      %swap3A_165 = tpu.memref_squeeze %swap3A_164 : memref<1x16xf32, #tpu.memory_space<vmem>> -> memref<16xf32, #tpu.memory_space<vmem>>
      %swap3A_166 = arith.index_cast %mul3A_163 : i32 to index
      %swap3A_167 = tpu.vector_load %swap3A_165[%swap3A_166] {strides = array<i32>} : memref<16xf32, #tpu.memory_space<vmem>>, vector<16xf32>,
      %swap3A_168 = vector.shape_cast %swap3A_167 : vector<16xf32> to vector<16xf32>
      %swap3A_169 = vector.shape_cast %broadcast_in_dim3A_3 : vector<16xf32> to vector<16xf32>
      tpu.vector_store %swap3A_165[%swap3A_166], %swap3A_169 {strides = array<i32>} : memref<16xf32, #tpu.memory_space<vmem>>, vector<16xf32>,
      %scan3A_170 = arith.constant 1 : i32
    }
    %scan3A_7 = arith.constant 128 : i32
    %mul3A_8 = arith.constant 624 : i32
    %mul3A_9 = arith.muli %arg1, %mul3A_8 : i32
    %add3A_10 = arith.constant 0 : i32
    %add3A_11 = arith.addi %mul3A_9, %add3A_10 : i32
    "tpu.region"() ({
      %run_scoped3A = tpu.sem_alloc : memref<!tpu.dma_semaphore, #tpu.memory_space<semaphore_mem>>
      %dma_start3A_152 = arith.constant 0 : i32
      %dma_start3A_153 = arith.constant 0 : i32
      %dma_start3A_154 = tpu.memref_slice %arg12[%dma_start3A_152, %dma_start3A_153] : memref<128x16xf32, #tpu.memory_space<vmem>> -> memref<128x16xf32, #tpu.memory_space<vmem>>
      %dma_start3A_155 = arith.constant 0 : i32
      %dma_start3A_156 = tpu.memref_slice %arg13[%add3A_11, %dma_start3A_155] : memref<10016x16xf32, #tpu.memory_space<vmem_shared>> -> memref<128x16xf32, #tpu.memory_space<vmem_shared>>
      %dma_start3A_157 = arith.constant 0 : i32
      %dma_start3A_158 = tpu.memref_slice %arg13[%add3A_11, %dma_start3A_157] : memref<10016x16xf32, #tpu.memory_space<vmem_shared>> -> memref<128x16xf32, #tpu.memory_space<vmem_shared>>
      %dma_start3A_159 = arith.constant 0 : i32
      %dma_start3A_160 = arith.constant 0 : i32
      %dma_start3A_161 = tpu.memref_slice %arg12[%dma_start3A_159, %dma_start3A_160] : memref<128x16xf32, #tpu.memory_space<vmem>> -> memref<128x16xf32, #tpu.memory_space<vmem>>
      tpu.enqueue_dma source(%dma_start3A_161 : memref<128x16xf32, #tpu.memory_space<vmem>>) target(%dma_start3A_158 : memref<128x16xf32, #tpu.memory_space<vmem_shared>>) target_semaphore(%run_scoped3A : memref<!tpu.dma_semaphore, #tpu.memory_space<semaphore_mem>>)
      %dma_wait3A_162 = arith.constant 0 : i32
      %dma_wait3A_163 = arith.constant 0 : i32
      %dma_wait3A_164 = tpu.memref_slice %arg12[%dma_wait3A_162, %dma_wait3A_163] : memref<128x16xf32, #tpu.memory_space<vmem>> -> memref<128x16xf32, #tpu.memory_space<vmem>>
      %dma_wait3A_165 = arith.constant 0 : i32
      %dma_wait3A_166 = tpu.memref_slice %arg13[%add3A_11, %dma_wait3A_165] : memref<10016x16xf32, #tpu.memory_space<vmem_shared>> -> memref<128x16xf32, #tpu.memory_space<vmem_shared>>
      %dma_wait3A_167 = arith.constant 0 : i32
      %dma_wait3A_168 = tpu.memref_slice %arg13[%add3A_11, %dma_wait3A_167] : memref<10016x16xf32, #tpu.memory_space<vmem_shared>> -> memref<128x16xf32, #tpu.memory_space<vmem_shared>>
      %dma_wait3A_169 = arith.constant 0 : i32
      %dma_wait3A_170 = arith.constant 0 : i32
      %dma_wait3A_171 = tpu.memref_slice %arg12[%dma_wait3A_169, %dma_wait3A_170] : memref<128x16xf32, #tpu.memory_space<vmem>> -> memref<128x16xf32, #tpu.memory_space<vmem>>
      tpu.wait_dma2 semaphore(%run_scoped3A : memref<!tpu.dma_semaphore, #tpu.memory_space<semaphore_mem>>) src(%dma_wait3A_171 : memref<128x16xf32, #tpu.memory_space<vmem>>) dst(%dma_wait3A_168 : memref<128x16xf32, #tpu.memory_space<vmem_shared>>)
      tpu.yield
    }) : () -> ()
    %add3A_12 = arith.constant 128 : i32
    %add3A_13 = arith.addi %mul3A_9, %add3A_12 : i32
    "tpu.region"() ({
      %run_scoped3A = tpu.sem_alloc : memref<!tpu.dma_semaphore, #tpu.memory_space<semaphore_mem>>
      %dma_start3A_152 = arith.constant 0 : i32
      %dma_start3A_153 = arith.constant 0 : i32
      %dma_start3A_154 = tpu.memref_slice %arg12[%dma_start3A_152, %dma_start3A_153] : memref<128x16xf32, #tpu.memory_space<vmem>> -> memref<128x16xf32, #tpu.memory_space<vmem>>
      %dma_start3A_155 = arith.constant 0 : i32
      %dma_start3A_156 = tpu.memref_slice %arg13[%add3A_13, %dma_start3A_155] : memref<10016x16xf32, #tpu.memory_space<vmem_shared>> -> memref<128x16xf32, #tpu.memory_space<vmem_shared>>
      %dma_start3A_157 = arith.constant 0 : i32
      %dma_start3A_158 = tpu.memref_slice %arg13[%add3A_13, %dma_start3A_157] : memref<10016x16xf32, #tpu.memory_space<vmem_shared>> -> memref<128x16xf32, #tpu.memory_space<vmem_shared>>
      %dma_start3A_159 = arith.constant 0 : i32
      %dma_start3A_160 = arith.constant 0 : i32
      %dma_start3A_161 = tpu.memref_slice %arg12[%dma_start3A_159, %dma_start3A_160] : memref<128x16xf32, #tpu.memory_space<vmem>> -> memref<128x16xf32, #tpu.memory_space<vmem>>
      tpu.enqueue_dma source(%dma_start3A_161 : memref<128x16xf32, #tpu.memory_space<vmem>>) target(%dma_start3A_158 : memref<128x16xf32, #tpu.memory_space<vmem_shared>>) target_semaphore(%run_scoped3A : memref<!tpu.dma_semaphore, #tpu.memory_space<semaphore_mem>>)
      %dma_wait3A_162 = arith.constant 0 : i32
      %dma_wait3A_163 = arith.constant 0 : i32
      %dma_wait3A_164 = tpu.memref_slice %arg12[%dma_wait3A_162, %dma_wait3A_163] : memref<128x16xf32, #tpu.memory_space<vmem>> -> memref<128x16xf32, #tpu.memory_space<vmem>>
      %dma_wait3A_165 = arith.constant 0 : i32
      %dma_wait3A_166 = tpu.memref_slice %arg13[%add3A_13, %dma_wait3A_165] : memref<10016x16xf32, #tpu.memory_space<vmem_shared>> -> memref<128x16xf32, #tpu.memory_space<vmem_shared>>
      %dma_wait3A_167 = arith.constant 0 : i32
      %dma_wait3A_168 = tpu.memref_slice %arg13[%add3A_13, %dma_wait3A_167] : memref<10016x16xf32, #tpu.memory_space<vmem_shared>> -> memref<128x16xf32, #tpu.memory_space<vmem_shared>>
      %dma_wait3A_169 = arith.constant 0 : i32
      %dma_wait3A_170 = arith.constant 0 : i32
      %dma_wait3A_171 = tpu.memref_slice %arg12[%dma_wait3A_169, %dma_wait3A_170] : memref<128x16xf32, #tpu.memory_space<vmem>> -> memref<128x16xf32, #tpu.memory_space<vmem>>
      tpu.wait_dma2 semaphore(%run_scoped3A : memref<!tpu.dma_semaphore, #tpu.memory_space<semaphore_mem>>) src(%dma_wait3A_171 : memref<128x16xf32, #tpu.memory_space<vmem>>) dst(%dma_wait3A_168 : memref<128x16xf32, #tpu.memory_space<vmem_shared>>)
      tpu.yield
    }) : () -> ()
    %add3A_14 = arith.constant 256 : i32
    %add3A_15 = arith.addi %mul3A_9, %add3A_14 : i32
    "tpu.region"() ({
      %run_scoped3A = tpu.sem_alloc : memref<!tpu.dma_semaphore, #tpu.memory_space<semaphore_mem>>
      %dma_start3A_152 = arith.constant 0 : i32
      %dma_start3A_153 = arith.constant 0 : i32
      %dma_start3A_154 = tpu.memref_slice %arg12[%dma_start3A_152, %dma_start3A_153] : memref<128x16xf32, #tpu.memory_space<vmem>> -> memref<128x16xf32, #tpu.memory_space<vmem>>
      %dma_start3A_155 = arith.constant 0 : i32
      %dma_start3A_156 = tpu.memref_slice %arg13[%add3A_15, %dma_start3A_155] : memref<10016x16xf32, #tpu.memory_space<vmem_shared>> -> memref<128x16xf32, #tpu.memory_space<vmem_shared>>
      %dma_start3A_157 = arith.constant 0 : i32
      %dma_start3A_158 = tpu.memref_slice %arg13[%add3A_15, %dma_start3A_157] : memref<10016x16xf32, #tpu.memory_space<vmem_shared>> -> memref<128x16xf32, #tpu.memory_space<vmem_shared>>
      %dma_start3A_159 = arith.constant 0 : i32
      %dma_start3A_160 = arith.constant 0 : i32
      %dma_start3A_161 = tpu.memref_slice %arg12[%dma_start3A_159, %dma_start3A_160] : memref<128x16xf32, #tpu.memory_space<vmem>> -> memref<128x16xf32, #tpu.memory_space<vmem>>
      tpu.enqueue_dma source(%dma_start3A_161 : memref<128x16xf32, #tpu.memory_space<vmem>>) target(%dma_start3A_158 : memref<128x16xf32, #tpu.memory_space<vmem_shared>>) target_semaphore(%run_scoped3A : memref<!tpu.dma_semaphore, #tpu.memory_space<semaphore_mem>>)
      %dma_wait3A_162 = arith.constant 0 : i32
      %dma_wait3A_163 = arith.constant 0 : i32
      %dma_wait3A_164 = tpu.memref_slice %arg12[%dma_wait3A_162, %dma_wait3A_163] : memref<128x16xf32, #tpu.memory_space<vmem>> -> memref<128x16xf32, #tpu.memory_space<vmem>>
      %dma_wait3A_165 = arith.constant 0 : i32
      %dma_wait3A_166 = tpu.memref_slice %arg13[%add3A_15, %dma_wait3A_165] : memref<10016x16xf32, #tpu.memory_space<vmem_shared>> -> memref<128x16xf32, #tpu.memory_space<vmem_shared>>
      %dma_wait3A_167 = arith.constant 0 : i32
      %dma_wait3A_168 = tpu.memref_slice %arg13[%add3A_15, %dma_wait3A_167] : memref<10016x16xf32, #tpu.memory_space<vmem_shared>> -> memref<128x16xf32, #tpu.memory_space<vmem_shared>>
      %dma_wait3A_169 = arith.constant 0 : i32
      %dma_wait3A_170 = arith.constant 0 : i32
      %dma_wait3A_171 = tpu.memref_slice %arg12[%dma_wait3A_169, %dma_wait3A_170] : memref<128x16xf32, #tpu.memory_space<vmem>> -> memref<128x16xf32, #tpu.memory_space<vmem>>
      tpu.wait_dma2 semaphore(%run_scoped3A : memref<!tpu.dma_semaphore, #tpu.memory_space<semaphore_mem>>) src(%dma_wait3A_171 : memref<128x16xf32, #tpu.memory_space<vmem>>) dst(%dma_wait3A_168 : memref<128x16xf32, #tpu.memory_space<vmem_shared>>)
      tpu.yield
    }) : () -> ()
    %add3A_16 = arith.constant 384 : i32
    %add3A_17 = arith.addi %mul3A_9, %add3A_16 : i32
    "tpu.region"() ({
      %run_scoped3A = tpu.sem_alloc : memref<!tpu.dma_semaphore, #tpu.memory_space<semaphore_mem>>
      %dma_start3A_152 = arith.constant 0 : i32
      %dma_start3A_153 = arith.constant 0 : i32
      %dma_start3A_154 = tpu.memref_slice %arg12[%dma_start3A_152, %dma_start3A_153] : memref<128x16xf32, #tpu.memory_space<vmem>> -> memref<128x16xf32, #tpu.memory_space<vmem>>
      %dma_start3A_155 = arith.constant 0 : i32
      %dma_start3A_156 = tpu.memref_slice %arg13[%add3A_17, %dma_start3A_155] : memref<10016x16xf32, #tpu.memory_space<vmem_shared>> -> memref<128x16xf32, #tpu.memory_space<vmem_shared>>
      %dma_start3A_157 = arith.constant 0 : i32
      %dma_start3A_158 = tpu.memref_slice %arg13[%add3A_17, %dma_start3A_157] : memref<10016x16xf32, #tpu.memory_space<vmem_shared>> -> memref<128x16xf32, #tpu.memory_space<vmem_shared>>
      %dma_start3A_159 = arith.constant 0 : i32
      %dma_start3A_160 = arith.constant 0 : i32
      %dma_start3A_161 = tpu.memref_slice %arg12[%dma_start3A_159, %dma_start3A_160] : memref<128x16xf32, #tpu.memory_space<vmem>> -> memref<128x16xf32, #tpu.memory_space<vmem>>
      tpu.enqueue_dma source(%dma_start3A_161 : memref<128x16xf32, #tpu.memory_space<vmem>>) target(%dma_start3A_158 : memref<128x16xf32, #tpu.memory_space<vmem_shared>>) target_semaphore(%run_scoped3A : memref<!tpu.dma_semaphore, #tpu.memory_space<semaphore_mem>>)
      %dma_wait3A_162 = arith.constant 0 : i32
      %dma_wait3A_163 = arith.constant 0 : i32
      %dma_wait3A_164 = tpu.memref_slice %arg12[%dma_wait3A_162, %dma_wait3A_163] : memref<128x16xf32, #tpu.memory_space<vmem>> -> memref<128x16xf32, #tpu.memory_space<vmem>>
      %dma_wait3A_165 = arith.constant 0 : i32
      %dma_wait3A_166 = tpu.memref_slice %arg13[%add3A_17, %dma_wait3A_165] : memref<10016x16xf32, #tpu.memory_space<vmem_shared>> -> memref<128x16xf32, #tpu.memory_space<vmem_shared>>
      %dma_wait3A_167 = arith.constant 0 : i32
      %dma_wait3A_168 = tpu.memref_slice %arg13[%add3A_17, %dma_wait3A_167] : memref<10016x16xf32, #tpu.memory_space<vmem_shared>> -> memref<128x16xf32, #tpu.memory_space<vmem_shared>>
      %dma_wait3A_169 = arith.constant 0 : i32
      %dma_wait3A_170 = arith.constant 0 : i32
      %dma_wait3A_171 = tpu.memref_slice %arg12[%dma_wait3A_169, %dma_wait3A_170] : memref<128x16xf32, #tpu.memory_space<vmem>> -> memref<128x16xf32, #tpu.memory_space<vmem>>
      tpu.wait_dma2 semaphore(%run_scoped3A : memref<!tpu.dma_semaphore, #tpu.memory_space<semaphore_mem>>) src(%dma_wait3A_171 : memref<128x16xf32, #tpu.memory_space<vmem>>) dst(%dma_wait3A_168 : memref<128x16xf32, #tpu.memory_space<vmem_shared>>)
      tpu.yield
    }) : () -> ()
    %add3A_18 = arith.constant 512 : i32
    %add3A_19 = arith.addi %mul3A_9, %add3A_18 : i32
    "tpu.region"() ({
      %run_scoped3A = tpu.sem_alloc : memref<!tpu.dma_semaphore, #tpu.memory_space<semaphore_mem>>
      %dma_start3A_152 = arith.constant 0 : i32
      %dma_start3A_153 = arith.constant 0 : i32
      %dma_start3A_154 = tpu.memref_slice %arg12[%dma_start3A_152, %dma_start3A_153] : memref<128x16xf32, #tpu.memory_space<vmem>> -> memref<112x16xf32, #tpu.memory_space<vmem>>
      %dma_start3A_155 = arith.constant 0 : i32
      %dma_start3A_156 = tpu.memref_slice %arg13[%add3A_19, %dma_start3A_155] : memref<10016x16xf32, #tpu.memory_space<vmem_shared>> -> memref<112x16xf32, #tpu.memory_space<vmem_shared>>
      %dma_start3A_157 = arith.constant 0 : i32
      %dma_start3A_158 = tpu.memref_slice %arg13[%add3A_19, %dma_start3A_157] : memref<10016x16xf32, #tpu.memory_space<vmem_shared>> -> memref<112x16xf32, #tpu.memory_space<vmem_shared>>
      %dma_start3A_159 = arith.constant 0 : i32
      %dma_start3A_160 = arith.constant 0 : i32
      %dma_start3A_161 = tpu.memref_slice %arg12[%dma_start3A_159, %dma_start3A_160] : memref<128x16xf32, #tpu.memory_space<vmem>> -> memref<112x16xf32, #tpu.memory_space<vmem>>
      tpu.enqueue_dma source(%dma_start3A_161 : memref<112x16xf32, #tpu.memory_space<vmem>>) target(%dma_start3A_158 : memref<112x16xf32, #tpu.memory_space<vmem_shared>>) target_semaphore(%run_scoped3A : memref<!tpu.dma_semaphore, #tpu.memory_space<semaphore_mem>>)
      %dma_wait3A_162 = arith.constant 0 : i32
      %dma_wait3A_163 = arith.constant 0 : i32
      %dma_wait3A_164 = tpu.memref_slice %arg12[%dma_wait3A_162, %dma_wait3A_163] : memref<128x16xf32, #tpu.memory_space<vmem>> -> memref<112x16xf32, #tpu.memory_space<vmem>>
      %dma_wait3A_165 = arith.constant 0 : i32
      %dma_wait3A_166 = tpu.memref_slice %arg13[%add3A_19, %dma_wait3A_165] : memref<10016x16xf32, #tpu.memory_space<vmem_shared>> -> memref<112x16xf32, #tpu.memory_space<vmem_shared>>
      %dma_wait3A_167 = arith.constant 0 : i32
      %dma_wait3A_168 = tpu.memref_slice %arg13[%add3A_19, %dma_wait3A_167] : memref<10016x16xf32, #tpu.memory_space<vmem_shared>> -> memref<112x16xf32, #tpu.memory_space<vmem_shared>>
      %dma_wait3A_169 = arith.constant 0 : i32
      %dma_wait3A_170 = arith.constant 0 : i32
      %dma_wait3A_171 = tpu.memref_slice %arg12[%dma_wait3A_169, %dma_wait3A_170] : memref<128x16xf32, #tpu.memory_space<vmem>> -> memref<112x16xf32, #tpu.memory_space<vmem>>
      tpu.wait_dma2 semaphore(%run_scoped3A : memref<!tpu.dma_semaphore, #tpu.memory_space<semaphore_mem>>) src(%dma_wait3A_171 : memref<112x16xf32, #tpu.memory_space<vmem>>) dst(%dma_wait3A_168 : memref<112x16xf32, #tpu.memory_space<vmem_shared>>)
      tpu.yield
    }) : () -> ()
    %eq3A = arith.constant 0 : i32
    %eq3A_20 = arith.cmpi eq, %arg1, %eq3A : i32
    %convert_element_type3A = arith.extui %eq3A_20 : i1 to i32
    %cond3A = arith.constant 0 : i32
    %cond3A_21 = arith.cmpi ne, %convert_element_type3A, %cond3A : i32
    scf.if %cond3A_21 {
      "tpu.region"() ({
        %run_scoped3A = tpu.sem_alloc : memref<!tpu.dma_semaphore, #tpu.memory_space<semaphore_mem>>
        %dma_start3A_152 = arith.constant 0 : i32
        %dma_start3A_153 = arith.constant 0 : i32
        %dma_start3A_154 = tpu.memref_slice %arg12[%dma_start3A_152, %dma_start3A_153] : memref<128x16xf32, #tpu.memory_space<vmem>> -> memref<32x16xf32, #tpu.memory_space<vmem>>
        %dma_start3A_155 = arith.constant 9984 : i32
        %dma_start3A_156 = arith.constant 0 : i32
        %dma_start3A_157 = tpu.memref_slice %arg13[%dma_start3A_155, %dma_start3A_156] : memref<10016x16xf32, #tpu.memory_space<vmem_shared>> -> memref<32x16xf32, #tpu.memory_space<vmem_shared>>
        %dma_start3A_158 = arith.constant 9984 : i32
        %dma_start3A_159 = arith.constant 0 : i32
        %dma_start3A_160 = tpu.memref_slice %arg13[%dma_start3A_158, %dma_start3A_159] : memref<10016x16xf32, #tpu.memory_space<vmem_shared>> -> memref<32x16xf32, #tpu.memory_space<vmem_shared>>
        %dma_start3A_161 = arith.constant 0 : i32
        %dma_start3A_162 = arith.constant 0 : i32
        %dma_start3A_163 = tpu.memref_slice %arg12[%dma_start3A_161, %dma_start3A_162] : memref<128x16xf32, #tpu.memory_space<vmem>> -> memref<32x16xf32, #tpu.memory_space<vmem>>
        tpu.enqueue_dma source(%dma_start3A_163 : memref<32x16xf32, #tpu.memory_space<vmem>>) target(%dma_start3A_160 : memref<32x16xf32, #tpu.memory_space<vmem_shared>>) target_semaphore(%run_scoped3A : memref<!tpu.dma_semaphore, #tpu.memory_space<semaphore_mem>>)
        %dma_wait3A_164 = arith.constant 0 : i32
        %dma_wait3A_165 = arith.constant 0 : i32
        %dma_wait3A_166 = tpu.memref_slice %arg12[%dma_wait3A_164, %dma_wait3A_165] : memref<128x16xf32, #tpu.memory_space<vmem>> -> memref<32x16xf32, #tpu.memory_space<vmem>>
        %dma_wait3A_167 = arith.constant 9984 : i32
        %dma_wait3A_168 = arith.constant 0 : i32
        %dma_wait3A_169 = tpu.memref_slice %arg13[%dma_wait3A_167, %dma_wait3A_168] : memref<10016x16xf32, #tpu.memory_space<vmem_shared>> -> memref<32x16xf32, #tpu.memory_space<vmem_shared>>
        %dma_wait3A_170 = arith.constant 9984 : i32
        %dma_wait3A_171 = arith.constant 0 : i32
        %dma_wait3A_172 = tpu.memref_slice %arg13[%dma_wait3A_170, %dma_wait3A_171] : memref<10016x16xf32, #tpu.memory_space<vmem_shared>> -> memref<32x16xf32, #tpu.memory_space<vmem_shared>>
        %dma_wait3A_173 = arith.constant 0 : i32
        %dma_wait3A_174 = arith.constant 0 : i32
        %dma_wait3A_175 = tpu.memref_slice %arg12[%dma_wait3A_173, %dma_wait3A_174] : memref<128x16xf32, #tpu.memory_space<vmem>> -> memref<32x16xf32, #tpu.memory_space<vmem>>
        tpu.wait_dma2 semaphore(%run_scoped3A : memref<!tpu.dma_semaphore, #tpu.memory_space<semaphore_mem>>) src(%dma_wait3A_175 : memref<32x16xf32, #tpu.memory_space<vmem>>) dst(%dma_wait3A_172 : memref<32x16xf32, #tpu.memory_space<vmem_shared>>)
        tpu.yield
      }) : () -> ()
    } else {
    }
    %barrier3A = arith.constant 0 : index
    tpu.barrier barrier_id(%barrier3A)
    %broadcast_in_dim3A_22 = arith.constant 1.000000e+00 : f32
    %broadcast_in_dim3A_23 = vector.broadcast %broadcast_in_dim3A_22 : f32 to vector<16xf32>
    %scan3A_24 = arith.constant 0 : i32
    %scan3A_25 = arith.constant 128 : i32
    %scan3A_26 = arith.addi %scan3A_24, %scan3A_25 : i32
    %scan3A_27 = arith.constant 1 : i32
    scf.for %scan3A_152 = %scan3A_24 to %scan3A_26 step %scan3A_27  : i32 {
      %mul3A_153 = arith.constant 1 : i32
      %mul3A_154 = arith.muli %scan3A_152, %mul3A_153 : i32
      %add3A_155 = arith.constant 0 : i32
      %add3A_156 = arith.addi %add3A_155, %mul3A_154 : i32
      %scan3A_157 = arith.constant 0 : i32
      %mul3A_158 = arith.constant 1 : i32
      %mul3A_159 = arith.muli %scan3A_157, %mul3A_158 : i32
      %add3A_160 = arith.constant 0 : i32
      %add3A_161 = arith.addi %add3A_160, %mul3A_159 : i32
      %mul3A_162 = arith.constant 16 : i32
      %mul3A_163 = arith.muli %add3A_161, %mul3A_162 : i32
      %swap3A = arith.constant 0 : i32
      %swap3A_164 = tpu.memref_slice %arg12[%add3A_156, %swap3A] : memref<128x16xf32, #tpu.memory_space<vmem>> -> memref<1x16xf32, #tpu.memory_space<vmem>>
      %swap3A_165 = tpu.memref_squeeze %swap3A_164 : memref<1x16xf32, #tpu.memory_space<vmem>> -> memref<16xf32, #tpu.memory_space<vmem>>
      %swap3A_166 = arith.index_cast %mul3A_163 : i32 to index
      %swap3A_167 = tpu.vector_load %swap3A_165[%swap3A_166] {strides = array<i32>} : memref<16xf32, #tpu.memory_space<vmem>>, vector<16xf32>,
      %swap3A_168 = vector.shape_cast %swap3A_167 : vector<16xf32> to vector<16xf32>
      %swap3A_169 = vector.shape_cast %broadcast_in_dim3A_23 : vector<16xf32> to vector<16xf32>
      tpu.vector_store %swap3A_165[%swap3A_166], %swap3A_169 {strides = array<i32>} : memref<16xf32, #tpu.memory_space<vmem>>, vector<16xf32>,
      %scan3A_170 = arith.constant 1 : i32
    }
    %scan3A_28 = arith.constant 128 : i32
    %add3A_29 = arith.constant 0 : i32
    %add3A_30 = arith.addi %mul3A_2, %add3A_29 : i32
    %dma_start3A = tpu.memref_slice %arg2[%add3A_30] : memref<327680xi32, #tpu.memory_space<hbm>> -> memref<128xi32, #tpu.memory_space<hbm>>
    %dma_start3A_31 = tpu.memref_slice %arg2[%add3A_30] : memref<327680xi32, #tpu.memory_space<hbm>> -> memref<128xi32, #tpu.memory_space<hbm>>
    tpu.enqueue_dma source(%dma_start3A_31 : memref<128xi32, #tpu.memory_space<hbm>>) target(%arg4 : memref<128xi32, #tpu.memory_space<vmem>>) target_semaphore(%arg14 : memref<!tpu.dma_semaphore, #tpu.memory_space<semaphore_mem>>)
    %add3A_32 = arith.constant 128 : i32
    %add3A_33 = arith.addi %mul3A_2, %add3A_32 : i32
    %dma_start3A_34 = tpu.memref_slice %arg2[%add3A_33] : memref<327680xi32, #tpu.memory_space<hbm>> -> memref<128xi32, #tpu.memory_space<hbm>>
    %dma_start3A_35 = tpu.memref_slice %arg2[%add3A_33] : memref<327680xi32, #tpu.memory_space<hbm>> -> memref<128xi32, #tpu.memory_space<hbm>>
    tpu.enqueue_dma source(%dma_start3A_35 : memref<128xi32, #tpu.memory_space<hbm>>) target(%arg5 : memref<128xi32, #tpu.memory_space<vmem>>) target_semaphore(%arg15 : memref<!tpu.dma_semaphore, #tpu.memory_space<semaphore_mem>>)
    %add3A_36 = arith.constant 256 : i32
    %add3A_37 = arith.addi %mul3A_2, %add3A_36 : i32
    %dma_start3A_38 = tpu.memref_slice %arg2[%add3A_37] : memref<327680xi32, #tpu.memory_space<hbm>> -> memref<128xi32, #tpu.memory_space<hbm>>
    %dma_start3A_39 = tpu.memref_slice %arg2[%add3A_37] : memref<327680xi32, #tpu.memory_space<hbm>> -> memref<128xi32, #tpu.memory_space<hbm>>
    tpu.enqueue_dma source(%dma_start3A_39 : memref<128xi32, #tpu.memory_space<hbm>>) target(%arg6 : memref<128xi32, #tpu.memory_space<vmem>>) target_semaphore(%arg16 : memref<!tpu.dma_semaphore, #tpu.memory_space<semaphore_mem>>)
    %add3A_40 = arith.constant 384 : i32
    %add3A_41 = arith.addi %mul3A_2, %add3A_40 : i32
    %dma_start3A_42 = tpu.memref_slice %arg2[%add3A_41] : memref<327680xi32, #tpu.memory_space<hbm>> -> memref<128xi32, #tpu.memory_space<hbm>>
    %dma_start3A_43 = tpu.memref_slice %arg2[%add3A_41] : memref<327680xi32, #tpu.memory_space<hbm>> -> memref<128xi32, #tpu.memory_space<hbm>>
    tpu.enqueue_dma source(%dma_start3A_43 : memref<128xi32, #tpu.memory_space<hbm>>) target(%arg7 : memref<128xi32, #tpu.memory_space<vmem>>) target_semaphore(%arg17 : memref<!tpu.dma_semaphore, #tpu.memory_space<semaphore_mem>>)
    %dma_wait3A = arith.constant 0 : i32
    %dma_wait3A_44 = tpu.memref_slice %arg2[%dma_wait3A] : memref<327680xi32, #tpu.memory_space<hbm>> -> memref<128xi32, #tpu.memory_space<hbm>>
    %dma_wait3A_45 = arith.constant 0 : i32
    %dma_wait3A_46 = tpu.memref_slice %arg2[%dma_wait3A_45] : memref<327680xi32, #tpu.memory_space<hbm>> -> memref<128xi32, #tpu.memory_space<hbm>>
    tpu.wait_dma2 semaphore(%arg14 : memref<!tpu.dma_semaphore, #tpu.memory_space<semaphore_mem>>) src(%dma_wait3A_46 : memref<128xi32, #tpu.memory_space<hbm>>) dst(%arg4 : memref<128xi32, #tpu.memory_space<vmem>>)
    %dma_start3A_47 = arith.constant 0 : i32
    %dma_start3A_48 = arith.constant 0 : i32
    %dma_start3A_49 = tpu.memref_slice %arg13[%dma_start3A_47, %dma_start3A_48] : memref<10016x16xf32, #tpu.memory_space<vmem_shared>> -> memref<10016x16xf32, #tpu.memory_space<vmem_shared>>
    tpu.enqueue_indirect_dma source(%arg12 : memref<128x16xf32, #tpu.memory_space<vmem>>) target(%dma_start3A_49 : memref<10016x16xf32, #tpu.memory_space<vmem_shared>>) offsets(%arg4 : memref<128xi32, #tpu.memory_space<vmem>>) semaphore(%arg22 : memref<!tpu.dma_semaphore, #tpu.memory_space<semaphore_mem>>) {add = true}
    %add3A_50 = arith.constant 512 : i32
    %add3A_51 = arith.addi %mul3A_2, %add3A_50 : i32
    %dma_start3A_52 = tpu.memref_slice %arg2[%add3A_51] : memref<327680xi32, #tpu.memory_space<hbm>> -> memref<128xi32, #tpu.memory_space<hbm>>
    %dma_start3A_53 = tpu.memref_slice %arg2[%add3A_51] : memref<327680xi32, #tpu.memory_space<hbm>> -> memref<128xi32, #tpu.memory_space<hbm>>
    tpu.enqueue_dma source(%dma_start3A_53 : memref<128xi32, #tpu.memory_space<hbm>>) target(%arg8 : memref<128xi32, #tpu.memory_space<vmem>>) target_semaphore(%arg18 : memref<!tpu.dma_semaphore, #tpu.memory_space<semaphore_mem>>)
    %dma_wait3A_54 = arith.constant 0 : i32
    %dma_wait3A_55 = tpu.memref_slice %arg2[%dma_wait3A_54] : memref<327680xi32, #tpu.memory_space<hbm>> -> memref<128xi32, #tpu.memory_space<hbm>>
    %dma_wait3A_56 = arith.constant 0 : i32
    %dma_wait3A_57 = tpu.memref_slice %arg2[%dma_wait3A_56] : memref<327680xi32, #tpu.memory_space<hbm>> -> memref<128xi32, #tpu.memory_space<hbm>>
    tpu.wait_dma2 semaphore(%arg15 : memref<!tpu.dma_semaphore, #tpu.memory_space<semaphore_mem>>) src(%dma_wait3A_57 : memref<128xi32, #tpu.memory_space<hbm>>) dst(%arg5 : memref<128xi32, #tpu.memory_space<vmem>>)
    %dma_start3A_58 = arith.constant 0 : i32
    %dma_start3A_59 = arith.constant 0 : i32
    %dma_start3A_60 = tpu.memref_slice %arg13[%dma_start3A_58, %dma_start3A_59] : memref<10016x16xf32, #tpu.memory_space<vmem_shared>> -> memref<10016x16xf32, #tpu.memory_space<vmem_shared>>
    tpu.enqueue_indirect_dma source(%arg12 : memref<128x16xf32, #tpu.memory_space<vmem>>) target(%dma_start3A_60 : memref<10016x16xf32, #tpu.memory_space<vmem_shared>>) offsets(%arg5 : memref<128xi32, #tpu.memory_space<vmem>>) semaphore(%arg23 : memref<!tpu.dma_semaphore, #tpu.memory_space<semaphore_mem>>) {add = true}
    %add3A_61 = arith.constant 640 : i32
    %add3A_62 = arith.addi %mul3A_2, %add3A_61 : i32
    %dma_start3A_63 = tpu.memref_slice %arg2[%add3A_62] : memref<327680xi32, #tpu.memory_space<hbm>> -> memref<128xi32, #tpu.memory_space<hbm>>
    %dma_start3A_64 = tpu.memref_slice %arg2[%add3A_62] : memref<327680xi32, #tpu.memory_space<hbm>> -> memref<128xi32, #tpu.memory_space<hbm>>
    tpu.enqueue_dma source(%dma_start3A_64 : memref<128xi32, #tpu.memory_space<hbm>>) target(%arg9 : memref<128xi32, #tpu.memory_space<vmem>>) target_semaphore(%arg19 : memref<!tpu.dma_semaphore, #tpu.memory_space<semaphore_mem>>)
    %dma_wait3A_65 = arith.constant 0 : i32
    %dma_wait3A_66 = tpu.memref_slice %arg2[%dma_wait3A_65] : memref<327680xi32, #tpu.memory_space<hbm>> -> memref<128xi32, #tpu.memory_space<hbm>>
    %dma_wait3A_67 = arith.constant 0 : i32
    %dma_wait3A_68 = tpu.memref_slice %arg2[%dma_wait3A_67] : memref<327680xi32, #tpu.memory_space<hbm>> -> memref<128xi32, #tpu.memory_space<hbm>>
    tpu.wait_dma2 semaphore(%arg16 : memref<!tpu.dma_semaphore, #tpu.memory_space<semaphore_mem>>) src(%dma_wait3A_68 : memref<128xi32, #tpu.memory_space<hbm>>) dst(%arg6 : memref<128xi32, #tpu.memory_space<vmem>>)
    %dma_start3A_69 = arith.constant 0 : i32
    %dma_start3A_70 = arith.constant 0 : i32
    %dma_start3A_71 = tpu.memref_slice %arg13[%dma_start3A_69, %dma_start3A_70] : memref<10016x16xf32, #tpu.memory_space<vmem_shared>> -> memref<10016x16xf32, #tpu.memory_space<vmem_shared>>
    tpu.enqueue_indirect_dma source(%arg12 : memref<128x16xf32, #tpu.memory_space<vmem>>) target(%dma_start3A_71 : memref<10016x16xf32, #tpu.memory_space<vmem_shared>>) offsets(%arg6 : memref<128xi32, #tpu.memory_space<vmem>>) semaphore(%arg24 : memref<!tpu.dma_semaphore, #tpu.memory_space<semaphore_mem>>) {add = true}
    %add3A_72 = arith.constant 768 : i32
    %add3A_73 = arith.addi %mul3A_2, %add3A_72 : i32
    %dma_start3A_74 = tpu.memref_slice %arg2[%add3A_73] : memref<327680xi32, #tpu.memory_space<hbm>> -> memref<128xi32, #tpu.memory_space<hbm>>
    %dma_start3A_75 = tpu.memref_slice %arg2[%add3A_73] : memref<327680xi32, #tpu.memory_space<hbm>> -> memref<128xi32, #tpu.memory_space<hbm>>
    tpu.enqueue_dma source(%dma_start3A_75 : memref<128xi32, #tpu.memory_space<hbm>>) target(%arg10 : memref<128xi32, #tpu.memory_space<vmem>>) target_semaphore(%arg20 : memref<!tpu.dma_semaphore, #tpu.memory_space<semaphore_mem>>)
    %dma_wait3A_76 = arith.constant 0 : i32
    %dma_wait3A_77 = tpu.memref_slice %arg2[%dma_wait3A_76] : memref<327680xi32, #tpu.memory_space<hbm>> -> memref<128xi32, #tpu.memory_space<hbm>>
    %dma_wait3A_78 = arith.constant 0 : i32
    %dma_wait3A_79 = tpu.memref_slice %arg2[%dma_wait3A_78] : memref<327680xi32, #tpu.memory_space<hbm>> -> memref<128xi32, #tpu.memory_space<hbm>>
    tpu.wait_dma2 semaphore(%arg17 : memref<!tpu.dma_semaphore, #tpu.memory_space<semaphore_mem>>) src(%dma_wait3A_79 : memref<128xi32, #tpu.memory_space<hbm>>) dst(%arg7 : memref<128xi32, #tpu.memory_space<vmem>>)
    %dma_start3A_80 = arith.constant 0 : i32
    %dma_start3A_81 = arith.constant 0 : i32
    %dma_start3A_82 = tpu.memref_slice %arg13[%dma_start3A_80, %dma_start3A_81] : memref<10016x16xf32, #tpu.memory_space<vmem_shared>> -> memref<10016x16xf32, #tpu.memory_space<vmem_shared>>
    tpu.enqueue_indirect_dma source(%arg12 : memref<128x16xf32, #tpu.memory_space<vmem>>) target(%dma_start3A_82 : memref<10016x16xf32, #tpu.memory_space<vmem_shared>>) offsets(%arg7 : memref<128xi32, #tpu.memory_space<vmem>>) semaphore(%arg25 : memref<!tpu.dma_semaphore, #tpu.memory_space<semaphore_mem>>) {add = true}
    %add3A_83 = arith.constant 896 : i32
    %add3A_84 = arith.addi %mul3A_2, %add3A_83 : i32
    %dma_start3A_85 = tpu.memref_slice %arg2[%add3A_84] : memref<327680xi32, #tpu.memory_space<hbm>> -> memref<128xi32, #tpu.memory_space<hbm>>
    %dma_start3A_86 = tpu.memref_slice %arg2[%add3A_84] : memref<327680xi32, #tpu.memory_space<hbm>> -> memref<128xi32, #tpu.memory_space<hbm>>
    tpu.enqueue_dma source(%dma_start3A_86 : memref<128xi32, #tpu.memory_space<hbm>>) target(%arg11 : memref<128xi32, #tpu.memory_space<vmem>>) target_semaphore(%arg21 : memref<!tpu.dma_semaphore, #tpu.memory_space<semaphore_mem>>)
    %scan3A_87 = arith.constant 0 : i32
    %scan3A_88 = arith.constant 9 : i32
    %scan3A_89 = arith.addi %scan3A_87, %scan3A_88 : i32
    %scan3A_90 = arith.constant 1 : i32
    scf.for %scan3A_152 = %scan3A_87 to %scan3A_89 step %scan3A_90  : i32 {
      %mul3A_153 = arith.constant 1 : i32
      %mul3A_154 = arith.muli %scan3A_152, %mul3A_153 : i32
      %add3A_155 = arith.constant 0 : i32
      %add3A_156 = arith.addi %add3A_155, %mul3A_154 : i32
      %mul3A_157 = arith.constant 8 : i32
      %mul3A_158 = arith.muli %add3A_156, %mul3A_157 : i32
      %add3A_159 = arith.constant 4 : i32
      %add3A_160 = arith.addi %add3A_159, %mul3A_158 : i32
      %add3A_161 = arith.constant 0 : i32
      %add3A_162 = arith.addi %add3A_160, %add3A_161 : i32
      %dma_wait3A_163 = arith.constant 0 : i32
      %dma_wait3A_164 = arith.constant 0 : i32
      %dma_wait3A_165 = tpu.memref_slice %arg13[%dma_wait3A_163, %dma_wait3A_164] : memref<10016x16xf32, #tpu.memory_space<vmem_shared>> -> memref<10016x16xf32, #tpu.memory_space<vmem_shared>>
      tpu.wait_indirect_dma semaphore(%arg22 : memref<!tpu.dma_semaphore, #tpu.memory_space<semaphore_mem>>) src(%arg12 : memref<128x16xf32, #tpu.memory_space<vmem>>) dst(%dma_wait3A_165 : memref<10016x16xf32, #tpu.memory_space<vmem_shared>>)
      %dma_wait3A_166 = arith.constant 0 : i32
      %dma_wait3A_167 = tpu.memref_slice %arg2[%dma_wait3A_166] : memref<327680xi32, #tpu.memory_space<hbm>> -> memref<128xi32, #tpu.memory_space<hbm>>
      %dma_wait3A_168 = arith.constant 0 : i32
      %dma_wait3A_169 = tpu.memref_slice %arg2[%dma_wait3A_168] : memref<327680xi32, #tpu.memory_space<hbm>> -> memref<128xi32, #tpu.memory_space<hbm>>
      tpu.wait_dma2 semaphore(%arg18 : memref<!tpu.dma_semaphore, #tpu.memory_space<semaphore_mem>>) src(%dma_wait3A_169 : memref<128xi32, #tpu.memory_space<hbm>>) dst(%arg8 : memref<128xi32, #tpu.memory_space<vmem>>)
      %dma_start3A_170 = arith.constant 0 : i32
      %dma_start3A_171 = arith.constant 0 : i32
      %dma_start3A_172 = tpu.memref_slice %arg13[%dma_start3A_170, %dma_start3A_171] : memref<10016x16xf32, #tpu.memory_space<vmem_shared>> -> memref<10016x16xf32, #tpu.memory_space<vmem_shared>>
      tpu.enqueue_indirect_dma source(%arg12 : memref<128x16xf32, #tpu.memory_space<vmem>>) target(%dma_start3A_172 : memref<10016x16xf32, #tpu.memory_space<vmem_shared>>) offsets(%arg8 : memref<128xi32, #tpu.memory_space<vmem>>) semaphore(%arg22 : memref<!tpu.dma_semaphore, #tpu.memory_space<semaphore_mem>>) {add = true}
      %add3A_173 = arith.constant 4 : i32
      %add3A_174 = arith.addi %add3A_162, %add3A_173 : i32
      %mul3A_175 = arith.constant 128 : i32
      %mul3A_176 = arith.muli %add3A_174, %mul3A_175 : i32
      %add3A_177 = arith.addi %mul3A_2, %mul3A_176 : i32
      %dma_start3A_178 = tpu.memref_slice %arg2[%add3A_177] : memref<327680xi32, #tpu.memory_space<hbm>> -> memref<128xi32, #tpu.memory_space<hbm>>
      %dma_start3A_179 = tpu.memref_slice %arg2[%add3A_177] : memref<327680xi32, #tpu.memory_space<hbm>> -> memref<128xi32, #tpu.memory_space<hbm>>
      tpu.enqueue_dma source(%dma_start3A_179 : memref<128xi32, #tpu.memory_space<hbm>>) target(%arg4 : memref<128xi32, #tpu.memory_space<vmem>>) target_semaphore(%arg14 : memref<!tpu.dma_semaphore, #tpu.memory_space<semaphore_mem>>)
      %add3A_180 = arith.constant 1 : i32
      %add3A_181 = arith.addi %add3A_160, %add3A_180 : i32
      %dma_wait3A_182 = arith.constant 0 : i32
      %dma_wait3A_183 = arith.constant 0 : i32
      %dma_wait3A_184 = tpu.memref_slice %arg13[%dma_wait3A_182, %dma_wait3A_183] : memref<10016x16xf32, #tpu.memory_space<vmem_shared>> -> memref<10016x16xf32, #tpu.memory_space<vmem_shared>>
      tpu.wait_indirect_dma semaphore(%arg23 : memref<!tpu.dma_semaphore, #tpu.memory_space<semaphore_mem>>) src(%arg12 : memref<128x16xf32, #tpu.memory_space<vmem>>) dst(%dma_wait3A_184 : memref<10016x16xf32, #tpu.memory_space<vmem_shared>>)
      %dma_wait3A_185 = arith.constant 0 : i32
      %dma_wait3A_186 = tpu.memref_slice %arg2[%dma_wait3A_185] : memref<327680xi32, #tpu.memory_space<hbm>> -> memref<128xi32, #tpu.memory_space<hbm>>
      %dma_wait3A_187 = arith.constant 0 : i32
      %dma_wait3A_188 = tpu.memref_slice %arg2[%dma_wait3A_187] : memref<327680xi32, #tpu.memory_space<hbm>> -> memref<128xi32, #tpu.memory_space<hbm>>
      tpu.wait_dma2 semaphore(%arg19 : memref<!tpu.dma_semaphore, #tpu.memory_space<semaphore_mem>>) src(%dma_wait3A_188 : memref<128xi32, #tpu.memory_space<hbm>>) dst(%arg9 : memref<128xi32, #tpu.memory_space<vmem>>)
      %dma_start3A_189 = arith.constant 0 : i32
      %dma_start3A_190 = arith.constant 0 : i32
      %dma_start3A_191 = tpu.memref_slice %arg13[%dma_start3A_189, %dma_start3A_190] : memref<10016x16xf32, #tpu.memory_space<vmem_shared>> -> memref<10016x16xf32, #tpu.memory_space<vmem_shared>>
      tpu.enqueue_indirect_dma source(%arg12 : memref<128x16xf32, #tpu.memory_space<vmem>>) target(%dma_start3A_191 : memref<10016x16xf32, #tpu.memory_space<vmem_shared>>) offsets(%arg9 : memref<128xi32, #tpu.memory_space<vmem>>) semaphore(%arg23 : memref<!tpu.dma_semaphore, #tpu.memory_space<semaphore_mem>>) {add = true}
      %add3A_192 = arith.constant 4 : i32
      %add3A_193 = arith.addi %add3A_181, %add3A_192 : i32
      %mul3A_194 = arith.constant 128 : i32
      %mul3A_195 = arith.muli %add3A_193, %mul3A_194 : i32
      %add3A_196 = arith.addi %mul3A_2, %mul3A_195 : i32
      %dma_start3A_197 = tpu.memref_slice %arg2[%add3A_196] : memref<327680xi32, #tpu.memory_space<hbm>> -> memref<128xi32, #tpu.memory_space<hbm>>
      %dma_start3A_198 = tpu.memref_slice %arg2[%add3A_196] : memref<327680xi32, #tpu.memory_space<hbm>> -> memref<128xi32, #tpu.memory_space<hbm>>
      tpu.enqueue_dma source(%dma_start3A_198 : memref<128xi32, #tpu.memory_space<hbm>>) target(%arg5 : memref<128xi32, #tpu.memory_space<vmem>>) target_semaphore(%arg15 : memref<!tpu.dma_semaphore, #tpu.memory_space<semaphore_mem>>)
      %add3A_199 = arith.constant 2 : i32
      %add3A_200 = arith.addi %add3A_160, %add3A_199 : i32
      %dma_wait3A_201 = arith.constant 0 : i32
      %dma_wait3A_202 = arith.constant 0 : i32
      %dma_wait3A_203 = tpu.memref_slice %arg13[%dma_wait3A_201, %dma_wait3A_202] : memref<10016x16xf32, #tpu.memory_space<vmem_shared>> -> memref<10016x16xf32, #tpu.memory_space<vmem_shared>>
      tpu.wait_indirect_dma semaphore(%arg24 : memref<!tpu.dma_semaphore, #tpu.memory_space<semaphore_mem>>) src(%arg12 : memref<128x16xf32, #tpu.memory_space<vmem>>) dst(%dma_wait3A_203 : memref<10016x16xf32, #tpu.memory_space<vmem_shared>>)
      %dma_wait3A_204 = arith.constant 0 : i32
      %dma_wait3A_205 = tpu.memref_slice %arg2[%dma_wait3A_204] : memref<327680xi32, #tpu.memory_space<hbm>> -> memref<128xi32, #tpu.memory_space<hbm>>
      %dma_wait3A_206 = arith.constant 0 : i32
      %dma_wait3A_207 = tpu.memref_slice %arg2[%dma_wait3A_206] : memref<327680xi32, #tpu.memory_space<hbm>> -> memref<128xi32, #tpu.memory_space<hbm>>
      tpu.wait_dma2 semaphore(%arg20 : memref<!tpu.dma_semaphore, #tpu.memory_space<semaphore_mem>>) src(%dma_wait3A_207 : memref<128xi32, #tpu.memory_space<hbm>>) dst(%arg10 : memref<128xi32, #tpu.memory_space<vmem>>)
      %dma_start3A_208 = arith.constant 0 : i32
      %dma_start3A_209 = arith.constant 0 : i32
      %dma_start3A_210 = tpu.memref_slice %arg13[%dma_start3A_208, %dma_start3A_209] : memref<10016x16xf32, #tpu.memory_space<vmem_shared>> -> memref<10016x16xf32, #tpu.memory_space<vmem_shared>>
      tpu.enqueue_indirect_dma source(%arg12 : memref<128x16xf32, #tpu.memory_space<vmem>>) target(%dma_start3A_210 : memref<10016x16xf32, #tpu.memory_space<vmem_shared>>) offsets(%arg10 : memref<128xi32, #tpu.memory_space<vmem>>) semaphore(%arg24 : memref<!tpu.dma_semaphore, #tpu.memory_space<semaphore_mem>>) {add = true}
      %add3A_211 = arith.constant 4 : i32
      %add3A_212 = arith.addi %add3A_200, %add3A_211 : i32
      %mul3A_213 = arith.constant 128 : i32
      %mul3A_214 = arith.muli %add3A_212, %mul3A_213 : i32
      %add3A_215 = arith.addi %mul3A_2, %mul3A_214 : i32
      %dma_start3A_216 = tpu.memref_slice %arg2[%add3A_215] : memref<327680xi32, #tpu.memory_space<hbm>> -> memref<128xi32, #tpu.memory_space<hbm>>
      %dma_start3A_217 = tpu.memref_slice %arg2[%add3A_215] : memref<327680xi32, #tpu.memory_space<hbm>> -> memref<128xi32, #tpu.memory_space<hbm>>
      tpu.enqueue_dma source(%dma_start3A_217 : memref<128xi32, #tpu.memory_space<hbm>>) target(%arg6 : memref<128xi32, #tpu.memory_space<vmem>>) target_semaphore(%arg16 : memref<!tpu.dma_semaphore, #tpu.memory_space<semaphore_mem>>)
      %add3A_218 = arith.constant 3 : i32
      %add3A_219 = arith.addi %add3A_160, %add3A_218 : i32
      %dma_wait3A_220 = arith.constant 0 : i32
      %dma_wait3A_221 = arith.constant 0 : i32
      %dma_wait3A_222 = tpu.memref_slice %arg13[%dma_wait3A_220, %dma_wait3A_221] : memref<10016x16xf32, #tpu.memory_space<vmem_shared>> -> memref<10016x16xf32, #tpu.memory_space<vmem_shared>>
      tpu.wait_indirect_dma semaphore(%arg25 : memref<!tpu.dma_semaphore, #tpu.memory_space<semaphore_mem>>) src(%arg12 : memref<128x16xf32, #tpu.memory_space<vmem>>) dst(%dma_wait3A_222 : memref<10016x16xf32, #tpu.memory_space<vmem_shared>>)
      %dma_wait3A_223 = arith.constant 0 : i32
      %dma_wait3A_224 = tpu.memref_slice %arg2[%dma_wait3A_223] : memref<327680xi32, #tpu.memory_space<hbm>> -> memref<128xi32, #tpu.memory_space<hbm>>
      %dma_wait3A_225 = arith.constant 0 : i32
      %dma_wait3A_226 = tpu.memref_slice %arg2[%dma_wait3A_225] : memref<327680xi32, #tpu.memory_space<hbm>> -> memref<128xi32, #tpu.memory_space<hbm>>
      tpu.wait_dma2 semaphore(%arg21 : memref<!tpu.dma_semaphore, #tpu.memory_space<semaphore_mem>>) src(%dma_wait3A_226 : memref<128xi32, #tpu.memory_space<hbm>>) dst(%arg11 : memref<128xi32, #tpu.memory_space<vmem>>)
      %dma_start3A_227 = arith.constant 0 : i32
      %dma_start3A_228 = arith.constant 0 : i32
      %dma_start3A_229 = tpu.memref_slice %arg13[%dma_start3A_227, %dma_start3A_228] : memref<10016x16xf32, #tpu.memory_space<vmem_shared>> -> memref<10016x16xf32, #tpu.memory_space<vmem_shared>>
      tpu.enqueue_indirect_dma source(%arg12 : memref<128x16xf32, #tpu.memory_space<vmem>>) target(%dma_start3A_229 : memref<10016x16xf32, #tpu.memory_space<vmem_shared>>) offsets(%arg11 : memref<128xi32, #tpu.memory_space<vmem>>) semaphore(%arg25 : memref<!tpu.dma_semaphore, #tpu.memory_space<semaphore_mem>>) {add = true}
      %add3A_230 = arith.constant 4 : i32
      %add3A_231 = arith.addi %add3A_219, %add3A_230 : i32
      %mul3A_232 = arith.constant 128 : i32
      %mul3A_233 = arith.muli %add3A_231, %mul3A_232 : i32
      %add3A_234 = arith.addi %mul3A_2, %mul3A_233 : i32
      %dma_start3A_235 = tpu.memref_slice %arg2[%add3A_234] : memref<327680xi32, #tpu.memory_space<hbm>> -> memref<128xi32, #tpu.memory_space<hbm>>
      %dma_start3A_236 = tpu.memref_slice %arg2[%add3A_234] : memref<327680xi32, #tpu.memory_space<hbm>> -> memref<128xi32, #tpu.memory_space<hbm>>
      tpu.enqueue_dma source(%dma_start3A_236 : memref<128xi32, #tpu.memory_space<hbm>>) target(%arg7 : memref<128xi32, #tpu.memory_space<vmem>>) target_semaphore(%arg17 : memref<!tpu.dma_semaphore, #tpu.memory_space<semaphore_mem>>)
      %add3A_237 = arith.constant 4 : i32
      %add3A_238 = arith.addi %add3A_160, %add3A_237 : i32
      %dma_wait3A_239 = arith.constant 0 : i32
      %dma_wait3A_240 = arith.constant 0 : i32
      %dma_wait3A_241 = tpu.memref_slice %arg13[%dma_wait3A_239, %dma_wait3A_240] : memref<10016x16xf32, #tpu.memory_space<vmem_shared>> -> memref<10016x16xf32, #tpu.memory_space<vmem_shared>>
      tpu.wait_indirect_dma semaphore(%arg22 : memref<!tpu.dma_semaphore, #tpu.memory_space<semaphore_mem>>) src(%arg12 : memref<128x16xf32, #tpu.memory_space<vmem>>) dst(%dma_wait3A_241 : memref<10016x16xf32, #tpu.memory_space<vmem_shared>>)
      %dma_wait3A_242 = arith.constant 0 : i32
      %dma_wait3A_243 = tpu.memref_slice %arg2[%dma_wait3A_242] : memref<327680xi32, #tpu.memory_space<hbm>> -> memref<128xi32, #tpu.memory_space<hbm>>
      %dma_wait3A_244 = arith.constant 0 : i32
      %dma_wait3A_245 = tpu.memref_slice %arg2[%dma_wait3A_244] : memref<327680xi32, #tpu.memory_space<hbm>> -> memref<128xi32, #tpu.memory_space<hbm>>
      tpu.wait_dma2 semaphore(%arg14 : memref<!tpu.dma_semaphore, #tpu.memory_space<semaphore_mem>>) src(%dma_wait3A_245 : memref<128xi32, #tpu.memory_space<hbm>>) dst(%arg4 : memref<128xi32, #tpu.memory_space<vmem>>)
      %dma_start3A_246 = arith.constant 0 : i32
      %dma_start3A_247 = arith.constant 0 : i32
      %dma_start3A_248 = tpu.memref_slice %arg13[%dma_start3A_246, %dma_start3A_247] : memref<10016x16xf32, #tpu.memory_space<vmem_shared>> -> memref<10016x16xf32, #tpu.memory_space<vmem_shared>>
      tpu.enqueue_indirect_dma source(%arg12 : memref<128x16xf32, #tpu.memory_space<vmem>>) target(%dma_start3A_248 : memref<10016x16xf32, #tpu.memory_space<vmem_shared>>) offsets(%arg4 : memref<128xi32, #tpu.memory_space<vmem>>) semaphore(%arg22 : memref<!tpu.dma_semaphore, #tpu.memory_space<semaphore_mem>>) {add = true}
      %add3A_249 = arith.constant 4 : i32
      %add3A_250 = arith.addi %add3A_238, %add3A_249 : i32
      %mul3A_251 = arith.constant 128 : i32
      %mul3A_252 = arith.muli %add3A_250, %mul3A_251 : i32
      %add3A_253 = arith.addi %mul3A_2, %mul3A_252 : i32
      %dma_start3A_254 = tpu.memref_slice %arg2[%add3A_253] : memref<327680xi32, #tpu.memory_space<hbm>> -> memref<128xi32, #tpu.memory_space<hbm>>
      %dma_start3A_255 = tpu.memref_slice %arg2[%add3A_253] : memref<327680xi32, #tpu.memory_space<hbm>> -> memref<128xi32, #tpu.memory_space<hbm>>
      tpu.enqueue_dma source(%dma_start3A_255 : memref<128xi32, #tpu.memory_space<hbm>>) target(%arg8 : memref<128xi32, #tpu.memory_space<vmem>>) target_semaphore(%arg18 : memref<!tpu.dma_semaphore, #tpu.memory_space<semaphore_mem>>)
      %add3A_256 = arith.constant 5 : i32
      %add3A_257 = arith.addi %add3A_160, %add3A_256 : i32
      %dma_wait3A_258 = arith.constant 0 : i32
      %dma_wait3A_259 = arith.constant 0 : i32
      %dma_wait3A_260 = tpu.memref_slice %arg13[%dma_wait3A_258, %dma_wait3A_259] : memref<10016x16xf32, #tpu.memory_space<vmem_shared>> -> memref<10016x16xf32, #tpu.memory_space<vmem_shared>>
      tpu.wait_indirect_dma semaphore(%arg23 : memref<!tpu.dma_semaphore, #tpu.memory_space<semaphore_mem>>) src(%arg12 : memref<128x16xf32, #tpu.memory_space<vmem>>) dst(%dma_wait3A_260 : memref<10016x16xf32, #tpu.memory_space<vmem_shared>>)
      %dma_wait3A_261 = arith.constant 0 : i32
      %dma_wait3A_262 = tpu.memref_slice %arg2[%dma_wait3A_261] : memref<327680xi32, #tpu.memory_space<hbm>> -> memref<128xi32, #tpu.memory_space<hbm>>
      %dma_wait3A_263 = arith.constant 0 : i32
      %dma_wait3A_264 = tpu.memref_slice %arg2[%dma_wait3A_263] : memref<327680xi32, #tpu.memory_space<hbm>> -> memref<128xi32, #tpu.memory_space<hbm>>
      tpu.wait_dma2 semaphore(%arg15 : memref<!tpu.dma_semaphore, #tpu.memory_space<semaphore_mem>>) src(%dma_wait3A_264 : memref<128xi32, #tpu.memory_space<hbm>>) dst(%arg5 : memref<128xi32, #tpu.memory_space<vmem>>)
      %dma_start3A_265 = arith.constant 0 : i32
      %dma_start3A_266 = arith.constant 0 : i32
      %dma_start3A_267 = tpu.memref_slice %arg13[%dma_start3A_265, %dma_start3A_266] : memref<10016x16xf32, #tpu.memory_space<vmem_shared>> -> memref<10016x16xf32, #tpu.memory_space<vmem_shared>>
      tpu.enqueue_indirect_dma source(%arg12 : memref<128x16xf32, #tpu.memory_space<vmem>>) target(%dma_start3A_267 : memref<10016x16xf32, #tpu.memory_space<vmem_shared>>) offsets(%arg5 : memref<128xi32, #tpu.memory_space<vmem>>) semaphore(%arg23 : memref<!tpu.dma_semaphore, #tpu.memory_space<semaphore_mem>>) {add = true}
      %add3A_268 = arith.constant 4 : i32
      %add3A_269 = arith.addi %add3A_257, %add3A_268 : i32
      %mul3A_270 = arith.constant 128 : i32
      %mul3A_271 = arith.muli %add3A_269, %mul3A_270 : i32
      %add3A_272 = arith.addi %mul3A_2, %mul3A_271 : i32
      %dma_start3A_273 = tpu.memref_slice %arg2[%add3A_272] : memref<327680xi32, #tpu.memory_space<hbm>> -> memref<128xi32, #tpu.memory_space<hbm>>
      %dma_start3A_274 = tpu.memref_slice %arg2[%add3A_272] : memref<327680xi32, #tpu.memory_space<hbm>> -> memref<128xi32, #tpu.memory_space<hbm>>
      tpu.enqueue_dma source(%dma_start3A_274 : memref<128xi32, #tpu.memory_space<hbm>>) target(%arg9 : memref<128xi32, #tpu.memory_space<vmem>>) target_semaphore(%arg19 : memref<!tpu.dma_semaphore, #tpu.memory_space<semaphore_mem>>)
      %add3A_275 = arith.constant 6 : i32
      %add3A_276 = arith.addi %add3A_160, %add3A_275 : i32
      %dma_wait3A_277 = arith.constant 0 : i32
      %dma_wait3A_278 = arith.constant 0 : i32
      %dma_wait3A_279 = tpu.memref_slice %arg13[%dma_wait3A_277, %dma_wait3A_278] : memref<10016x16xf32, #tpu.memory_space<vmem_shared>> -> memref<10016x16xf32, #tpu.memory_space<vmem_shared>>
      tpu.wait_indirect_dma semaphore(%arg24 : memref<!tpu.dma_semaphore, #tpu.memory_space<semaphore_mem>>) src(%arg12 : memref<128x16xf32, #tpu.memory_space<vmem>>) dst(%dma_wait3A_279 : memref<10016x16xf32, #tpu.memory_space<vmem_shared>>)
      %dma_wait3A_280 = arith.constant 0 : i32
      %dma_wait3A_281 = tpu.memref_slice %arg2[%dma_wait3A_280] : memref<327680xi32, #tpu.memory_space<hbm>> -> memref<128xi32, #tpu.memory_space<hbm>>
      %dma_wait3A_282 = arith.constant 0 : i32
      %dma_wait3A_283 = tpu.memref_slice %arg2[%dma_wait3A_282] : memref<327680xi32, #tpu.memory_space<hbm>> -> memref<128xi32, #tpu.memory_space<hbm>>
      tpu.wait_dma2 semaphore(%arg16 : memref<!tpu.dma_semaphore, #tpu.memory_space<semaphore_mem>>) src(%dma_wait3A_283 : memref<128xi32, #tpu.memory_space<hbm>>) dst(%arg6 : memref<128xi32, #tpu.memory_space<vmem>>)
      %dma_start3A_284 = arith.constant 0 : i32
      %dma_start3A_285 = arith.constant 0 : i32
      %dma_start3A_286 = tpu.memref_slice %arg13[%dma_start3A_284, %dma_start3A_285] : memref<10016x16xf32, #tpu.memory_space<vmem_shared>> -> memref<10016x16xf32, #tpu.memory_space<vmem_shared>>
      tpu.enqueue_indirect_dma source(%arg12 : memref<128x16xf32, #tpu.memory_space<vmem>>) target(%dma_start3A_286 : memref<10016x16xf32, #tpu.memory_space<vmem_shared>>) offsets(%arg6 : memref<128xi32, #tpu.memory_space<vmem>>) semaphore(%arg24 : memref<!tpu.dma_semaphore, #tpu.memory_space<semaphore_mem>>) {add = true}
      %add3A_287 = arith.constant 4 : i32
      %add3A_288 = arith.addi %add3A_276, %add3A_287 : i32
      %mul3A_289 = arith.constant 128 : i32
      %mul3A_290 = arith.muli %add3A_288, %mul3A_289 : i32
      %add3A_291 = arith.addi %mul3A_2, %mul3A_290 : i32
      %dma_start3A_292 = tpu.memref_slice %arg2[%add3A_291] : memref<327680xi32, #tpu.memory_space<hbm>> -> memref<128xi32, #tpu.memory_space<hbm>>
      %dma_start3A_293 = tpu.memref_slice %arg2[%add3A_291] : memref<327680xi32, #tpu.memory_space<hbm>> -> memref<128xi32, #tpu.memory_space<hbm>>
      tpu.enqueue_dma source(%dma_start3A_293 : memref<128xi32, #tpu.memory_space<hbm>>) target(%arg10 : memref<128xi32, #tpu.memory_space<vmem>>) target_semaphore(%arg20 : memref<!tpu.dma_semaphore, #tpu.memory_space<semaphore_mem>>)
      %add3A_294 = arith.constant 7 : i32
      %add3A_295 = arith.addi %add3A_160, %add3A_294 : i32
      %dma_wait3A_296 = arith.constant 0 : i32
      %dma_wait3A_297 = arith.constant 0 : i32
      %dma_wait3A_298 = tpu.memref_slice %arg13[%dma_wait3A_296, %dma_wait3A_297] : memref<10016x16xf32, #tpu.memory_space<vmem_shared>> -> memref<10016x16xf32, #tpu.memory_space<vmem_shared>>
      tpu.wait_indirect_dma semaphore(%arg25 : memref<!tpu.dma_semaphore, #tpu.memory_space<semaphore_mem>>) src(%arg12 : memref<128x16xf32, #tpu.memory_space<vmem>>) dst(%dma_wait3A_298 : memref<10016x16xf32, #tpu.memory_space<vmem_shared>>)
      %dma_wait3A_299 = arith.constant 0 : i32
      %dma_wait3A_300 = tpu.memref_slice %arg2[%dma_wait3A_299] : memref<327680xi32, #tpu.memory_space<hbm>> -> memref<128xi32, #tpu.memory_space<hbm>>
      %dma_wait3A_301 = arith.constant 0 : i32
      %dma_wait3A_302 = tpu.memref_slice %arg2[%dma_wait3A_301] : memref<327680xi32, #tpu.memory_space<hbm>> -> memref<128xi32, #tpu.memory_space<hbm>>
      tpu.wait_dma2 semaphore(%arg17 : memref<!tpu.dma_semaphore, #tpu.memory_space<semaphore_mem>>) src(%dma_wait3A_302 : memref<128xi32, #tpu.memory_space<hbm>>) dst(%arg7 : memref<128xi32, #tpu.memory_space<vmem>>)
      %dma_start3A_303 = arith.constant 0 : i32
      %dma_start3A_304 = arith.constant 0 : i32
      %dma_start3A_305 = tpu.memref_slice %arg13[%dma_start3A_303, %dma_start3A_304] : memref<10016x16xf32, #tpu.memory_space<vmem_shared>> -> memref<10016x16xf32, #tpu.memory_space<vmem_shared>>
      tpu.enqueue_indirect_dma source(%arg12 : memref<128x16xf32, #tpu.memory_space<vmem>>) target(%dma_start3A_305 : memref<10016x16xf32, #tpu.memory_space<vmem_shared>>) offsets(%arg7 : memref<128xi32, #tpu.memory_space<vmem>>) semaphore(%arg25 : memref<!tpu.dma_semaphore, #tpu.memory_space<semaphore_mem>>) {add = true}
      %add3A_306 = arith.constant 4 : i32
      %add3A_307 = arith.addi %add3A_295, %add3A_306 : i32
      %mul3A_308 = arith.constant 128 : i32
      %mul3A_309 = arith.muli %add3A_307, %mul3A_308 : i32
      %add3A_310 = arith.addi %mul3A_2, %mul3A_309 : i32
      %dma_start3A_311 = tpu.memref_slice %arg2[%add3A_310] : memref<327680xi32, #tpu.memory_space<hbm>> -> memref<128xi32, #tpu.memory_space<hbm>>
      %dma_start3A_312 = tpu.memref_slice %arg2[%add3A_310] : memref<327680xi32, #tpu.memory_space<hbm>> -> memref<128xi32, #tpu.memory_space<hbm>>
      tpu.enqueue_dma source(%dma_start3A_312 : memref<128xi32, #tpu.memory_space<hbm>>) target(%arg11 : memref<128xi32, #tpu.memory_space<vmem>>) target_semaphore(%arg21 : memref<!tpu.dma_semaphore, #tpu.memory_space<semaphore_mem>>)
    }
    %scan3A_91 = arith.constant 9 : i32
    %dma_wait3A_92 = arith.constant 0 : i32
    %dma_wait3A_93 = arith.constant 0 : i32
    %dma_wait3A_94 = tpu.memref_slice %arg13[%dma_wait3A_92, %dma_wait3A_93] : memref<10016x16xf32, #tpu.memory_space<vmem_shared>> -> memref<10016x16xf32, #tpu.memory_space<vmem_shared>>
    tpu.wait_indirect_dma semaphore(%arg22 : memref<!tpu.dma_semaphore, #tpu.memory_space<semaphore_mem>>) src(%arg12 : memref<128x16xf32, #tpu.memory_space<vmem>>) dst(%dma_wait3A_94 : memref<10016x16xf32, #tpu.memory_space<vmem_shared>>)
    %dma_wait3A_95 = arith.constant 0 : i32
    %dma_wait3A_96 = tpu.memref_slice %arg2[%dma_wait3A_95] : memref<327680xi32, #tpu.memory_space<hbm>> -> memref<128xi32, #tpu.memory_space<hbm>>
    %dma_wait3A_97 = arith.constant 0 : i32
    %dma_wait3A_98 = tpu.memref_slice %arg2[%dma_wait3A_97] : memref<327680xi32, #tpu.memory_space<hbm>> -> memref<128xi32, #tpu.memory_space<hbm>>
    tpu.wait_dma2 semaphore(%arg18 : memref<!tpu.dma_semaphore, #tpu.memory_space<semaphore_mem>>) src(%dma_wait3A_98 : memref<128xi32, #tpu.memory_space<hbm>>) dst(%arg8 : memref<128xi32, #tpu.memory_space<vmem>>)
    %dma_start3A_99 = arith.constant 0 : i32
    %dma_start3A_100 = arith.constant 0 : i32
    %dma_start3A_101 = tpu.memref_slice %arg13[%dma_start3A_99, %dma_start3A_100] : memref<10016x16xf32, #tpu.memory_space<vmem_shared>> -> memref<10016x16xf32, #tpu.memory_space<vmem_shared>>
    tpu.enqueue_indirect_dma source(%arg12 : memref<128x16xf32, #tpu.memory_space<vmem>>) target(%dma_start3A_101 : memref<10016x16xf32, #tpu.memory_space<vmem_shared>>) offsets(%arg8 : memref<128xi32, #tpu.memory_space<vmem>>) semaphore(%arg22 : memref<!tpu.dma_semaphore, #tpu.memory_space<semaphore_mem>>) {add = true}
    %dma_wait3A_102 = arith.constant 0 : i32
    %dma_wait3A_103 = arith.constant 0 : i32
    %dma_wait3A_104 = tpu.memref_slice %arg13[%dma_wait3A_102, %dma_wait3A_103] : memref<10016x16xf32, #tpu.memory_space<vmem_shared>> -> memref<10016x16xf32, #tpu.memory_space<vmem_shared>>
    tpu.wait_indirect_dma semaphore(%arg23 : memref<!tpu.dma_semaphore, #tpu.memory_space<semaphore_mem>>) src(%arg12 : memref<128x16xf32, #tpu.memory_space<vmem>>) dst(%dma_wait3A_104 : memref<10016x16xf32, #tpu.memory_space<vmem_shared>>)
    %dma_wait3A_105 = arith.constant 0 : i32
    %dma_wait3A_106 = tpu.memref_slice %arg2[%dma_wait3A_105] : memref<327680xi32, #tpu.memory_space<hbm>> -> memref<128xi32, #tpu.memory_space<hbm>>
    %dma_wait3A_107 = arith.constant 0 : i32
    %dma_wait3A_108 = tpu.memref_slice %arg2[%dma_wait3A_107] : memref<327680xi32, #tpu.memory_space<hbm>> -> memref<128xi32, #tpu.memory_space<hbm>>
    tpu.wait_dma2 semaphore(%arg19 : memref<!tpu.dma_semaphore, #tpu.memory_space<semaphore_mem>>) src(%dma_wait3A_108 : memref<128xi32, #tpu.memory_space<hbm>>) dst(%arg9 : memref<128xi32, #tpu.memory_space<vmem>>)
    %dma_start3A_109 = arith.constant 0 : i32
    %dma_start3A_110 = arith.constant 0 : i32
    %dma_start3A_111 = tpu.memref_slice %arg13[%dma_start3A_109, %dma_start3A_110] : memref<10016x16xf32, #tpu.memory_space<vmem_shared>> -> memref<10016x16xf32, #tpu.memory_space<vmem_shared>>
    tpu.enqueue_indirect_dma source(%arg12 : memref<128x16xf32, #tpu.memory_space<vmem>>) target(%dma_start3A_111 : memref<10016x16xf32, #tpu.memory_space<vmem_shared>>) offsets(%arg9 : memref<128xi32, #tpu.memory_space<vmem>>) semaphore(%arg23 : memref<!tpu.dma_semaphore, #tpu.memory_space<semaphore_mem>>) {add = true}
    %dma_wait3A_112 = arith.constant 0 : i32
    %dma_wait3A_113 = arith.constant 0 : i32
    %dma_wait3A_114 = tpu.memref_slice %arg13[%dma_wait3A_112, %dma_wait3A_113] : memref<10016x16xf32, #tpu.memory_space<vmem_shared>> -> memref<10016x16xf32, #tpu.memory_space<vmem_shared>>
    tpu.wait_indirect_dma semaphore(%arg24 : memref<!tpu.dma_semaphore, #tpu.memory_space<semaphore_mem>>) src(%arg12 : memref<128x16xf32, #tpu.memory_space<vmem>>) dst(%dma_wait3A_114 : memref<10016x16xf32, #tpu.memory_space<vmem_shared>>)
    %dma_wait3A_115 = arith.constant 0 : i32
    %dma_wait3A_116 = tpu.memref_slice %arg2[%dma_wait3A_115] : memref<327680xi32, #tpu.memory_space<hbm>> -> memref<128xi32, #tpu.memory_space<hbm>>
    %dma_wait3A_117 = arith.constant 0 : i32
    %dma_wait3A_118 = tpu.memref_slice %arg2[%dma_wait3A_117] : memref<327680xi32, #tpu.memory_space<hbm>> -> memref<128xi32, #tpu.memory_space<hbm>>
    tpu.wait_dma2 semaphore(%arg20 : memref<!tpu.dma_semaphore, #tpu.memory_space<semaphore_mem>>) src(%dma_wait3A_118 : memref<128xi32, #tpu.memory_space<hbm>>) dst(%arg10 : memref<128xi32, #tpu.memory_space<vmem>>)
    %dma_start3A_119 = arith.constant 0 : i32
    %dma_start3A_120 = arith.constant 0 : i32
    %dma_start3A_121 = tpu.memref_slice %arg13[%dma_start3A_119, %dma_start3A_120] : memref<10016x16xf32, #tpu.memory_space<vmem_shared>> -> memref<10016x16xf32, #tpu.memory_space<vmem_shared>>
    tpu.enqueue_indirect_dma source(%arg12 : memref<128x16xf32, #tpu.memory_space<vmem>>) target(%dma_start3A_121 : memref<10016x16xf32, #tpu.memory_space<vmem_shared>>) offsets(%arg10 : memref<128xi32, #tpu.memory_space<vmem>>) semaphore(%arg24 : memref<!tpu.dma_semaphore, #tpu.memory_space<semaphore_mem>>) {add = true}
    %dma_wait3A_122 = arith.constant 0 : i32
    %dma_wait3A_123 = arith.constant 0 : i32
    %dma_wait3A_124 = tpu.memref_slice %arg13[%dma_wait3A_122, %dma_wait3A_123] : memref<10016x16xf32, #tpu.memory_space<vmem_shared>> -> memref<10016x16xf32, #tpu.memory_space<vmem_shared>>
    tpu.wait_indirect_dma semaphore(%arg25 : memref<!tpu.dma_semaphore, #tpu.memory_space<semaphore_mem>>) src(%arg12 : memref<128x16xf32, #tpu.memory_space<vmem>>) dst(%dma_wait3A_124 : memref<10016x16xf32, #tpu.memory_space<vmem_shared>>)
    %dma_wait3A_125 = arith.constant 0 : i32
    %dma_wait3A_126 = tpu.memref_slice %arg2[%dma_wait3A_125] : memref<327680xi32, #tpu.memory_space<hbm>> -> memref<128xi32, #tpu.memory_space<hbm>>
    %dma_wait3A_127 = arith.constant 0 : i32
    %dma_wait3A_128 = tpu.memref_slice %arg2[%dma_wait3A_127] : memref<327680xi32, #tpu.memory_space<hbm>> -> memref<128xi32, #tpu.memory_space<hbm>>
    tpu.wait_dma2 semaphore(%arg21 : memref<!tpu.dma_semaphore, #tpu.memory_space<semaphore_mem>>) src(%dma_wait3A_128 : memref<128xi32, #tpu.memory_space<hbm>>) dst(%arg11 : memref<128xi32, #tpu.memory_space<vmem>>)
    %dma_start3A_129 = arith.constant 0 : i32
    %dma_start3A_130 = arith.constant 0 : i32
    %dma_start3A_131 = tpu.memref_slice %arg13[%dma_start3A_129, %dma_start3A_130] : memref<10016x16xf32, #tpu.memory_space<vmem_shared>> -> memref<10016x16xf32, #tpu.memory_space<vmem_shared>>
    tpu.enqueue_indirect_dma source(%arg12 : memref<128x16xf32, #tpu.memory_space<vmem>>) target(%dma_start3A_131 : memref<10016x16xf32, #tpu.memory_space<vmem_shared>>) offsets(%arg11 : memref<128xi32, #tpu.memory_space<vmem>>) semaphore(%arg25 : memref<!tpu.dma_semaphore, #tpu.memory_space<semaphore_mem>>) {add = true}
    %dma_wait3A_132 = arith.constant 0 : i32
    %dma_wait3A_133 = arith.constant 0 : i32
    %dma_wait3A_134 = tpu.memref_slice %arg13[%dma_wait3A_132, %dma_wait3A_133] : memref<10016x16xf32, #tpu.memory_space<vmem_shared>> -> memref<10016x16xf32, #tpu.memory_space<vmem_shared>>
    tpu.wait_indirect_dma semaphore(%arg22 : memref<!tpu.dma_semaphore, #tpu.memory_space<semaphore_mem>>) src(%arg12 : memref<128x16xf32, #tpu.memory_space<vmem>>) dst(%dma_wait3A_134 : memref<10016x16xf32, #tpu.memory_space<vmem_shared>>)
    %dma_wait3A_135 = arith.constant 0 : i32
    %dma_wait3A_136 = arith.constant 0 : i32
    %dma_wait3A_137 = tpu.memref_slice %arg13[%dma_wait3A_135, %dma_wait3A_136] : memref<10016x16xf32, #tpu.memory_space<vmem_shared>> -> memref<10016x16xf32, #tpu.memory_space<vmem_shared>>
    tpu.wait_indirect_dma semaphore(%arg23 : memref<!tpu.dma_semaphore, #tpu.memory_space<semaphore_mem>>) src(%arg12 : memref<128x16xf32, #tpu.memory_space<vmem>>) dst(%dma_wait3A_137 : memref<10016x16xf32, #tpu.memory_space<vmem_shared>>)
    %dma_wait3A_138 = arith.constant 0 : i32
    %dma_wait3A_139 = arith.constant 0 : i32
    %dma_wait3A_140 = tpu.memref_slice %arg13[%dma_wait3A_138, %dma_wait3A_139] : memref<10016x16xf32, #tpu.memory_space<vmem_shared>> -> memref<10016x16xf32, #tpu.memory_space<vmem_shared>>
    tpu.wait_indirect_dma semaphore(%arg24 : memref<!tpu.dma_semaphore, #tpu.memory_space<semaphore_mem>>) src(%arg12 : memref<128x16xf32, #tpu.memory_space<vmem>>) dst(%dma_wait3A_140 : memref<10016x16xf32, #tpu.memory_space<vmem_shared>>)
    %dma_wait3A_141 = arith.constant 0 : i32
    %dma_wait3A_142 = arith.constant 0 : i32
    %dma_wait3A_143 = tpu.memref_slice %arg13[%dma_wait3A_141, %dma_wait3A_142] : memref<10016x16xf32, #tpu.memory_space<vmem_shared>> -> memref<10016x16xf32, #tpu.memory_space<vmem_shared>>
    tpu.wait_indirect_dma semaphore(%arg25 : memref<!tpu.dma_semaphore, #tpu.memory_space<semaphore_mem>>) src(%arg12 : memref<128x16xf32, #tpu.memory_space<vmem>>) dst(%dma_wait3A_143 : memref<10016x16xf32, #tpu.memory_space<vmem_shared>>)
    %barrier3A_144 = arith.constant 0 : index
    tpu.barrier barrier_id(%barrier3A_144)
    %mul3A_145 = arith.constant 624 : i32
    %mul3A_146 = arith.muli %arg1, %mul3A_145 : i32
    "tpu.region"() ({
      %run_scoped3A = tpu.sem_alloc : memref<!tpu.dma_semaphore, #tpu.memory_space<semaphore_mem>>
      %dma_start3A_152 = arith.constant 0 : i32
      %dma_start3A_153 = tpu.memref_slice %arg3[%arg0, %mul3A_146, %dma_start3A_152] : memref<2x10000x16xf32, #tpu.memory_space<hbm>> -> memref<1x624x16xf32, #tpu.memory_space<hbm>>
      %dma_start3A_154 = tpu.memref_squeeze %dma_start3A_153 : memref<1x624x16xf32, #tpu.memory_space<hbm>> -> memref<624x16xf32, #tpu.memory_space<hbm>>
      %dma_start3A_155 = arith.constant 0 : i32
      %dma_start3A_156 = tpu.memref_slice %arg13[%mul3A_146, %dma_start3A_155] : memref<10016x16xf32, #tpu.memory_space<vmem_shared>> -> memref<624x16xf32, #tpu.memory_space<vmem_shared>>
      tpu.enqueue_dma source(%dma_start3A_156 : memref<624x16xf32, #tpu.memory_space<vmem_shared>>) target(%dma_start3A_154 : memref<624x16xf32, #tpu.memory_space<hbm>>) target_semaphore(%run_scoped3A : memref<!tpu.dma_semaphore, #tpu.memory_space<semaphore_mem>>)
      %dma_wait3A_157 = arith.constant 0 : i32
      %dma_wait3A_158 = tpu.memref_slice %arg3[%arg0, %mul3A_146, %dma_wait3A_157] : memref<2x10000x16xf32, #tpu.memory_space<hbm>> -> memref<1x624x16xf32, #tpu.memory_space<hbm>>
      %dma_wait3A_159 = tpu.memref_squeeze %dma_wait3A_158 : memref<1x624x16xf32, #tpu.memory_space<hbm>> -> memref<624x16xf32, #tpu.memory_space<hbm>>
      %dma_wait3A_160 = arith.constant 0 : i32
      %dma_wait3A_161 = tpu.memref_slice %arg13[%mul3A_146, %dma_wait3A_160] : memref<10016x16xf32, #tpu.memory_space<vmem_shared>> -> memref<624x16xf32, #tpu.memory_space<vmem_shared>>
      tpu.wait_dma2 semaphore(%run_scoped3A : memref<!tpu.dma_semaphore, #tpu.memory_space<semaphore_mem>>) src(%dma_wait3A_161 : memref<624x16xf32, #tpu.memory_space<vmem_shared>>) dst(%dma_wait3A_159 : memref<624x16xf32, #tpu.memory_space<hbm>>)
      tpu.yield
    }) : () -> ()
    %eq3A_147 = arith.constant 0 : i32
    %eq3A_148 = arith.cmpi eq, %arg1, %eq3A_147 : i32
    %convert_element_type3A_149 = arith.extui %eq3A_148 : i1 to i32
    %cond3A_150 = arith.constant 0 : i32
    %cond3A_151 = arith.cmpi ne, %convert_element_type3A_149, %cond3A_150 : i32
    scf.if %cond3A_151 {
      "tpu.region"() ({
        %run_scoped3A = tpu.sem_alloc : memref<!tpu.dma_semaphore, #tpu.memory_space<semaphore_mem>>
        %dma_start3A_152 = arith.constant 9984 : i32
        %dma_start3A_153 = arith.constant 0 : i32
        %dma_start3A_154 = tpu.memref_slice %arg3[%arg0, %dma_start3A_152, %dma_start3A_153] : memref<2x10000x16xf32, #tpu.memory_space<hbm>> -> memref<1x16x16xf32, #tpu.memory_space<hbm>>
        %dma_start3A_155 = tpu.memref_squeeze %dma_start3A_154 : memref<1x16x16xf32, #tpu.memory_space<hbm>> -> memref<16x16xf32, #tpu.memory_space<hbm>>
        %dma_start3A_156 = arith.constant 9984 : i32
        %dma_start3A_157 = arith.constant 0 : i32
        %dma_start3A_158 = tpu.memref_slice %arg13[%dma_start3A_156, %dma_start3A_157] : memref<10016x16xf32, #tpu.memory_space<vmem_shared>> -> memref<16x16xf32, #tpu.memory_space<vmem_shared>>
        tpu.enqueue_dma source(%dma_start3A_158 : memref<16x16xf32, #tpu.memory_space<vmem_shared>>) target(%dma_start3A_155 : memref<16x16xf32, #tpu.memory_space<hbm>>) target_semaphore(%run_scoped3A : memref<!tpu.dma_semaphore, #tpu.memory_space<semaphore_mem>>)
        %dma_wait3A_159 = arith.constant 9984 : i32
        %dma_wait3A_160 = arith.constant 0 : i32
        %dma_wait3A_161 = tpu.memref_slice %arg3[%arg0, %dma_wait3A_159, %dma_wait3A_160] : memref<2x10000x16xf32, #tpu.memory_space<hbm>> -> memref<1x16x16xf32, #tpu.memory_space<hbm>>
        %dma_wait3A_162 = tpu.memref_squeeze %dma_wait3A_161 : memref<1x16x16xf32, #tpu.memory_space<hbm>> -> memref<16x16xf32, #tpu.memory_space<hbm>>
        %dma_wait3A_163 = arith.constant 9984 : i32
        %dma_wait3A_164 = arith.constant 0 : i32
        %dma_wait3A_165 = tpu.memref_slice %arg13[%dma_wait3A_163, %dma_wait3A_164] : memref<10016x16xf32, #tpu.memory_space<vmem_shared>> -> memref<16x16xf32, #tpu.memory_space<vmem_shared>>
        tpu.wait_dma2 semaphore(%run_scoped3A : memref<!tpu.dma_semaphore, #tpu.memory_space<semaphore_mem>>) src(%dma_wait3A_165 : memref<16x16xf32, #tpu.memory_space<vmem_shared>>) dst(%dma_wait3A_162 : memref<16x16xf32, #tpu.memory_space<hbm>>)
        tpu.yield
      }) : () -> ()
    } else {
    }
    return
  }
}

#map = affine_map<(d0, d1) -> (0, 0)>
#map1 = affine_map<(d0, d1) -> (0)>
#map2 = affine_map<(d0, d1) -> (0, 0, 0)>
module attributes {stable_mosaic.version = 14 : i64} {
  func.func @agg_kernel(%arg0: i32, %arg1: i32, %arg2: memref<10000x128xf32, #tpu.memory_space<hbm>>, %arg3: memref<327680xi32, #tpu.memory_space<hbm>>, %arg4: memref<327680xi32, #tpu.memory_space<hbm>>, %arg5: memref<2x10000x128xf32, #tpu.memory_space<hbm>>, %arg6: memref<128xi32, #tpu.memory_space<vmem>>, %arg7: memref<128xi32, #tpu.memory_space<vmem>>, %arg8: memref<128xi32, #tpu.memory_space<vmem>>, %arg9: memref<128xi32, #tpu.memory_space<vmem>>, %arg10: memref<128x128xf32, #tpu.memory_space<vmem>>, %arg11: memref<128x128xf32, #tpu.memory_space<vmem>>, %arg12: memref<10016x128xf32, #tpu.memory_space<vmem_shared>>, %arg13: memref<!tpu.dma_semaphore, #tpu.memory_space<semaphore_mem>>, %arg14: memref<!tpu.dma_semaphore, #tpu.memory_space<semaphore_mem>>) attributes {dimension_semantics = [#tpu.dimension_semantics<core_parallel>, #tpu.dimension_semantics<subcore_parallel>], iteration_bounds = array<i64: 2, 16>, scalar_prefetch = 0 : i64, scratch_operands = 9 : i64, tpu.core_type = #tpu.core_type<sc_vector_subcore>, window_params = [{transform_indices = #map}, {transform_indices = #map1}, {transform_indices = #map1}, {transform_indices = #map2}]} {
    %mul3A = arith.constant 16 : i32
    %mul3A_0 = arith.muli %arg0, %mul3A : i32
    %add3A = arith.addi %mul3A_0, %arg1 : i32
    %mul3A_1 = arith.constant 10240 : i32
    %mul3A_2 = arith.muli %add3A, %mul3A_1 : i32
    %broadcast_in_dim3A = arith.constant 0.000000e+00 : f32
    %broadcast_in_dim3A_3 = vector.broadcast %broadcast_in_dim3A : f32 to vector<16xf32>
    %scan3A = arith.constant 0 : i32
    %scan3A_4 = arith.constant 128 : i32
    %scan3A_5 = arith.addi %scan3A, %scan3A_4 : i32
    %scan3A_6 = arith.constant 1 : i32
    scf.for %scan3A_49 = %scan3A to %scan3A_5 step %scan3A_6  : i32 {
      %mul3A_50 = arith.constant 1 : i32
      %mul3A_51 = arith.muli %scan3A_49, %mul3A_50 : i32
      %add3A_52 = arith.constant 0 : i32
      %add3A_53 = arith.addi %add3A_52, %mul3A_51 : i32
      %scan3A_54 = arith.constant 0 : i32
      %scan3A_55 = arith.constant 8 : i32
      %scan3A_56 = arith.addi %scan3A_54, %scan3A_55 : i32
      %scan3A_57 = arith.constant 1 : i32
      scf.for %scan3A_59 = %scan3A_54 to %scan3A_56 step %scan3A_57  : i32 {
        %mul3A_60 = arith.constant 1 : i32
        %mul3A_61 = arith.muli %scan3A_59, %mul3A_60 : i32
        %add3A_62 = arith.constant 0 : i32
        %add3A_63 = arith.addi %add3A_62, %mul3A_61 : i32
        %mul3A_64 = arith.constant 16 : i32
        %mul3A_65 = arith.muli %add3A_63, %mul3A_64 : i32
        %swap3A = arith.constant 0 : i32
        %swap3A_66 = tpu.memref_slice %arg10[%add3A_53, %swap3A] : memref<128x128xf32, #tpu.memory_space<vmem>> -> memref<1x128xf32, #tpu.memory_space<vmem>>
        %swap3A_67 = tpu.memref_squeeze %swap3A_66 : memref<1x128xf32, #tpu.memory_space<vmem>> -> memref<128xf32, #tpu.memory_space<vmem>>
        %swap3A_68 = arith.index_cast %mul3A_65 : i32 to index
        %swap3A_69 = tpu.vector_load %swap3A_67[%swap3A_68] {strides = array<i32>} : memref<128xf32, #tpu.memory_space<vmem>>, vector<16xf32>,
        %swap3A_70 = vector.shape_cast %swap3A_69 : vector<16xf32> to vector<16xf32>
        %swap3A_71 = vector.shape_cast %broadcast_in_dim3A_3 : vector<16xf32> to vector<16xf32>
        tpu.vector_store %swap3A_67[%swap3A_68], %swap3A_71 {strides = array<i32>} : memref<128xf32, #tpu.memory_space<vmem>>, vector<16xf32>,
      }
      %scan3A_58 = arith.constant 8 : i32
    }
    %scan3A_7 = arith.constant 128 : i32
    %mul3A_8 = arith.constant 624 : i32
    %mul3A_9 = arith.muli %arg1, %mul3A_8 : i32
    %add3A_10 = arith.constant 0 : i32
    %add3A_11 = arith.addi %mul3A_9, %add3A_10 : i32
    "tpu.region"() ({
      %run_scoped3A = tpu.sem_alloc : memref<!tpu.dma_semaphore, #tpu.memory_space<semaphore_mem>>
      %dma_start3A_49 = arith.constant 0 : i32
      %dma_start3A_50 = arith.constant 0 : i32
      %dma_start3A_51 = tpu.memref_slice %arg10[%dma_start3A_49, %dma_start3A_50] : memref<128x128xf32, #tpu.memory_space<vmem>> -> memref<128x128xf32, #tpu.memory_space<vmem>>
      %dma_start3A_52 = arith.constant 0 : i32
      %dma_start3A_53 = tpu.memref_slice %arg12[%add3A_11, %dma_start3A_52] : memref<10016x128xf32, #tpu.memory_space<vmem_shared>> -> memref<128x128xf32, #tpu.memory_space<vmem_shared>>
      %dma_start3A_54 = arith.constant 0 : i32
      %dma_start3A_55 = tpu.memref_slice %arg12[%add3A_11, %dma_start3A_54] : memref<10016x128xf32, #tpu.memory_space<vmem_shared>> -> memref<128x128xf32, #tpu.memory_space<vmem_shared>>
      %dma_start3A_56 = arith.constant 0 : i32
      %dma_start3A_57 = arith.constant 0 : i32
      %dma_start3A_58 = tpu.memref_slice %arg10[%dma_start3A_56, %dma_start3A_57] : memref<128x128xf32, #tpu.memory_space<vmem>> -> memref<128x128xf32, #tpu.memory_space<vmem>>
      tpu.enqueue_dma source(%dma_start3A_58 : memref<128x128xf32, #tpu.memory_space<vmem>>) target(%dma_start3A_55 : memref<128x128xf32, #tpu.memory_space<vmem_shared>>) target_semaphore(%run_scoped3A : memref<!tpu.dma_semaphore, #tpu.memory_space<semaphore_mem>>)
      %dma_wait3A_59 = arith.constant 0 : i32
      %dma_wait3A_60 = arith.constant 0 : i32
      %dma_wait3A_61 = tpu.memref_slice %arg10[%dma_wait3A_59, %dma_wait3A_60] : memref<128x128xf32, #tpu.memory_space<vmem>> -> memref<128x128xf32, #tpu.memory_space<vmem>>
      %dma_wait3A_62 = arith.constant 0 : i32
      %dma_wait3A_63 = tpu.memref_slice %arg12[%add3A_11, %dma_wait3A_62] : memref<10016x128xf32, #tpu.memory_space<vmem_shared>> -> memref<128x128xf32, #tpu.memory_space<vmem_shared>>
      %dma_wait3A_64 = arith.constant 0 : i32
      %dma_wait3A_65 = tpu.memref_slice %arg12[%add3A_11, %dma_wait3A_64] : memref<10016x128xf32, #tpu.memory_space<vmem_shared>> -> memref<128x128xf32, #tpu.memory_space<vmem_shared>>
      %dma_wait3A_66 = arith.constant 0 : i32
      %dma_wait3A_67 = arith.constant 0 : i32
      %dma_wait3A_68 = tpu.memref_slice %arg10[%dma_wait3A_66, %dma_wait3A_67] : memref<128x128xf32, #tpu.memory_space<vmem>> -> memref<128x128xf32, #tpu.memory_space<vmem>>
      tpu.wait_dma2 semaphore(%run_scoped3A : memref<!tpu.dma_semaphore, #tpu.memory_space<semaphore_mem>>) src(%dma_wait3A_68 : memref<128x128xf32, #tpu.memory_space<vmem>>) dst(%dma_wait3A_65 : memref<128x128xf32, #tpu.memory_space<vmem_shared>>)
      tpu.yield
    }) : () -> ()
    %add3A_12 = arith.constant 128 : i32
    %add3A_13 = arith.addi %mul3A_9, %add3A_12 : i32
    "tpu.region"() ({
      %run_scoped3A = tpu.sem_alloc : memref<!tpu.dma_semaphore, #tpu.memory_space<semaphore_mem>>
      %dma_start3A_49 = arith.constant 0 : i32
      %dma_start3A_50 = arith.constant 0 : i32
      %dma_start3A_51 = tpu.memref_slice %arg10[%dma_start3A_49, %dma_start3A_50] : memref<128x128xf32, #tpu.memory_space<vmem>> -> memref<128x128xf32, #tpu.memory_space<vmem>>
      %dma_start3A_52 = arith.constant 0 : i32
      %dma_start3A_53 = tpu.memref_slice %arg12[%add3A_13, %dma_start3A_52] : memref<10016x128xf32, #tpu.memory_space<vmem_shared>> -> memref<128x128xf32, #tpu.memory_space<vmem_shared>>
      %dma_start3A_54 = arith.constant 0 : i32
      %dma_start3A_55 = tpu.memref_slice %arg12[%add3A_13, %dma_start3A_54] : memref<10016x128xf32, #tpu.memory_space<vmem_shared>> -> memref<128x128xf32, #tpu.memory_space<vmem_shared>>
      %dma_start3A_56 = arith.constant 0 : i32
      %dma_start3A_57 = arith.constant 0 : i32
      %dma_start3A_58 = tpu.memref_slice %arg10[%dma_start3A_56, %dma_start3A_57] : memref<128x128xf32, #tpu.memory_space<vmem>> -> memref<128x128xf32, #tpu.memory_space<vmem>>
      tpu.enqueue_dma source(%dma_start3A_58 : memref<128x128xf32, #tpu.memory_space<vmem>>) target(%dma_start3A_55 : memref<128x128xf32, #tpu.memory_space<vmem_shared>>) target_semaphore(%run_scoped3A : memref<!tpu.dma_semaphore, #tpu.memory_space<semaphore_mem>>)
      %dma_wait3A_59 = arith.constant 0 : i32
      %dma_wait3A_60 = arith.constant 0 : i32
      %dma_wait3A_61 = tpu.memref_slice %arg10[%dma_wait3A_59, %dma_wait3A_60] : memref<128x128xf32, #tpu.memory_space<vmem>> -> memref<128x128xf32, #tpu.memory_space<vmem>>
      %dma_wait3A_62 = arith.constant 0 : i32
      %dma_wait3A_63 = tpu.memref_slice %arg12[%add3A_13, %dma_wait3A_62] : memref<10016x128xf32, #tpu.memory_space<vmem_shared>> -> memref<128x128xf32, #tpu.memory_space<vmem_shared>>
      %dma_wait3A_64 = arith.constant 0 : i32
      %dma_wait3A_65 = tpu.memref_slice %arg12[%add3A_13, %dma_wait3A_64] : memref<10016x128xf32, #tpu.memory_space<vmem_shared>> -> memref<128x128xf32, #tpu.memory_space<vmem_shared>>
      %dma_wait3A_66 = arith.constant 0 : i32
      %dma_wait3A_67 = arith.constant 0 : i32
      %dma_wait3A_68 = tpu.memref_slice %arg10[%dma_wait3A_66, %dma_wait3A_67] : memref<128x128xf32, #tpu.memory_space<vmem>> -> memref<128x128xf32, #tpu.memory_space<vmem>>
      tpu.wait_dma2 semaphore(%run_scoped3A : memref<!tpu.dma_semaphore, #tpu.memory_space<semaphore_mem>>) src(%dma_wait3A_68 : memref<128x128xf32, #tpu.memory_space<vmem>>) dst(%dma_wait3A_65 : memref<128x128xf32, #tpu.memory_space<vmem_shared>>)
      tpu.yield
    }) : () -> ()
    %add3A_14 = arith.constant 256 : i32
    %add3A_15 = arith.addi %mul3A_9, %add3A_14 : i32
    "tpu.region"() ({
      %run_scoped3A = tpu.sem_alloc : memref<!tpu.dma_semaphore, #tpu.memory_space<semaphore_mem>>
      %dma_start3A_49 = arith.constant 0 : i32
      %dma_start3A_50 = arith.constant 0 : i32
      %dma_start3A_51 = tpu.memref_slice %arg10[%dma_start3A_49, %dma_start3A_50] : memref<128x128xf32, #tpu.memory_space<vmem>> -> memref<128x128xf32, #tpu.memory_space<vmem>>
      %dma_start3A_52 = arith.constant 0 : i32
      %dma_start3A_53 = tpu.memref_slice %arg12[%add3A_15, %dma_start3A_52] : memref<10016x128xf32, #tpu.memory_space<vmem_shared>> -> memref<128x128xf32, #tpu.memory_space<vmem_shared>>
      %dma_start3A_54 = arith.constant 0 : i32
      %dma_start3A_55 = tpu.memref_slice %arg12[%add3A_15, %dma_start3A_54] : memref<10016x128xf32, #tpu.memory_space<vmem_shared>> -> memref<128x128xf32, #tpu.memory_space<vmem_shared>>
      %dma_start3A_56 = arith.constant 0 : i32
      %dma_start3A_57 = arith.constant 0 : i32
      %dma_start3A_58 = tpu.memref_slice %arg10[%dma_start3A_56, %dma_start3A_57] : memref<128x128xf32, #tpu.memory_space<vmem>> -> memref<128x128xf32, #tpu.memory_space<vmem>>
      tpu.enqueue_dma source(%dma_start3A_58 : memref<128x128xf32, #tpu.memory_space<vmem>>) target(%dma_start3A_55 : memref<128x128xf32, #tpu.memory_space<vmem_shared>>) target_semaphore(%run_scoped3A : memref<!tpu.dma_semaphore, #tpu.memory_space<semaphore_mem>>)
      %dma_wait3A_59 = arith.constant 0 : i32
      %dma_wait3A_60 = arith.constant 0 : i32
      %dma_wait3A_61 = tpu.memref_slice %arg10[%dma_wait3A_59, %dma_wait3A_60] : memref<128x128xf32, #tpu.memory_space<vmem>> -> memref<128x128xf32, #tpu.memory_space<vmem>>
      %dma_wait3A_62 = arith.constant 0 : i32
      %dma_wait3A_63 = tpu.memref_slice %arg12[%add3A_15, %dma_wait3A_62] : memref<10016x128xf32, #tpu.memory_space<vmem_shared>> -> memref<128x128xf32, #tpu.memory_space<vmem_shared>>
      %dma_wait3A_64 = arith.constant 0 : i32
      %dma_wait3A_65 = tpu.memref_slice %arg12[%add3A_15, %dma_wait3A_64] : memref<10016x128xf32, #tpu.memory_space<vmem_shared>> -> memref<128x128xf32, #tpu.memory_space<vmem_shared>>
      %dma_wait3A_66 = arith.constant 0 : i32
      %dma_wait3A_67 = arith.constant 0 : i32
      %dma_wait3A_68 = tpu.memref_slice %arg10[%dma_wait3A_66, %dma_wait3A_67] : memref<128x128xf32, #tpu.memory_space<vmem>> -> memref<128x128xf32, #tpu.memory_space<vmem>>
      tpu.wait_dma2 semaphore(%run_scoped3A : memref<!tpu.dma_semaphore, #tpu.memory_space<semaphore_mem>>) src(%dma_wait3A_68 : memref<128x128xf32, #tpu.memory_space<vmem>>) dst(%dma_wait3A_65 : memref<128x128xf32, #tpu.memory_space<vmem_shared>>)
      tpu.yield
    }) : () -> ()
    %add3A_16 = arith.constant 384 : i32
    %add3A_17 = arith.addi %mul3A_9, %add3A_16 : i32
    "tpu.region"() ({
      %run_scoped3A = tpu.sem_alloc : memref<!tpu.dma_semaphore, #tpu.memory_space<semaphore_mem>>
      %dma_start3A_49 = arith.constant 0 : i32
      %dma_start3A_50 = arith.constant 0 : i32
      %dma_start3A_51 = tpu.memref_slice %arg10[%dma_start3A_49, %dma_start3A_50] : memref<128x128xf32, #tpu.memory_space<vmem>> -> memref<128x128xf32, #tpu.memory_space<vmem>>
      %dma_start3A_52 = arith.constant 0 : i32
      %dma_start3A_53 = tpu.memref_slice %arg12[%add3A_17, %dma_start3A_52] : memref<10016x128xf32, #tpu.memory_space<vmem_shared>> -> memref<128x128xf32, #tpu.memory_space<vmem_shared>>
      %dma_start3A_54 = arith.constant 0 : i32
      %dma_start3A_55 = tpu.memref_slice %arg12[%add3A_17, %dma_start3A_54] : memref<10016x128xf32, #tpu.memory_space<vmem_shared>> -> memref<128x128xf32, #tpu.memory_space<vmem_shared>>
      %dma_start3A_56 = arith.constant 0 : i32
      %dma_start3A_57 = arith.constant 0 : i32
      %dma_start3A_58 = tpu.memref_slice %arg10[%dma_start3A_56, %dma_start3A_57] : memref<128x128xf32, #tpu.memory_space<vmem>> -> memref<128x128xf32, #tpu.memory_space<vmem>>
      tpu.enqueue_dma source(%dma_start3A_58 : memref<128x128xf32, #tpu.memory_space<vmem>>) target(%dma_start3A_55 : memref<128x128xf32, #tpu.memory_space<vmem_shared>>) target_semaphore(%run_scoped3A : memref<!tpu.dma_semaphore, #tpu.memory_space<semaphore_mem>>)
      %dma_wait3A_59 = arith.constant 0 : i32
      %dma_wait3A_60 = arith.constant 0 : i32
      %dma_wait3A_61 = tpu.memref_slice %arg10[%dma_wait3A_59, %dma_wait3A_60] : memref<128x128xf32, #tpu.memory_space<vmem>> -> memref<128x128xf32, #tpu.memory_space<vmem>>
      %dma_wait3A_62 = arith.constant 0 : i32
      %dma_wait3A_63 = tpu.memref_slice %arg12[%add3A_17, %dma_wait3A_62] : memref<10016x128xf32, #tpu.memory_space<vmem_shared>> -> memref<128x128xf32, #tpu.memory_space<vmem_shared>>
      %dma_wait3A_64 = arith.constant 0 : i32
      %dma_wait3A_65 = tpu.memref_slice %arg12[%add3A_17, %dma_wait3A_64] : memref<10016x128xf32, #tpu.memory_space<vmem_shared>> -> memref<128x128xf32, #tpu.memory_space<vmem_shared>>
      %dma_wait3A_66 = arith.constant 0 : i32
      %dma_wait3A_67 = arith.constant 0 : i32
      %dma_wait3A_68 = tpu.memref_slice %arg10[%dma_wait3A_66, %dma_wait3A_67] : memref<128x128xf32, #tpu.memory_space<vmem>> -> memref<128x128xf32, #tpu.memory_space<vmem>>
      tpu.wait_dma2 semaphore(%run_scoped3A : memref<!tpu.dma_semaphore, #tpu.memory_space<semaphore_mem>>) src(%dma_wait3A_68 : memref<128x128xf32, #tpu.memory_space<vmem>>) dst(%dma_wait3A_65 : memref<128x128xf32, #tpu.memory_space<vmem_shared>>)
      tpu.yield
    }) : () -> ()
    %add3A_18 = arith.constant 512 : i32
    %add3A_19 = arith.addi %mul3A_9, %add3A_18 : i32
    "tpu.region"() ({
      %run_scoped3A = tpu.sem_alloc : memref<!tpu.dma_semaphore, #tpu.memory_space<semaphore_mem>>
      %dma_start3A_49 = arith.constant 0 : i32
      %dma_start3A_50 = arith.constant 0 : i32
      %dma_start3A_51 = tpu.memref_slice %arg10[%dma_start3A_49, %dma_start3A_50] : memref<128x128xf32, #tpu.memory_space<vmem>> -> memref<112x128xf32, #tpu.memory_space<vmem>>
      %dma_start3A_52 = arith.constant 0 : i32
      %dma_start3A_53 = tpu.memref_slice %arg12[%add3A_19, %dma_start3A_52] : memref<10016x128xf32, #tpu.memory_space<vmem_shared>> -> memref<112x128xf32, #tpu.memory_space<vmem_shared>>
      %dma_start3A_54 = arith.constant 0 : i32
      %dma_start3A_55 = tpu.memref_slice %arg12[%add3A_19, %dma_start3A_54] : memref<10016x128xf32, #tpu.memory_space<vmem_shared>> -> memref<112x128xf32, #tpu.memory_space<vmem_shared>>
      %dma_start3A_56 = arith.constant 0 : i32
      %dma_start3A_57 = arith.constant 0 : i32
      %dma_start3A_58 = tpu.memref_slice %arg10[%dma_start3A_56, %dma_start3A_57] : memref<128x128xf32, #tpu.memory_space<vmem>> -> memref<112x128xf32, #tpu.memory_space<vmem>>
      tpu.enqueue_dma source(%dma_start3A_58 : memref<112x128xf32, #tpu.memory_space<vmem>>) target(%dma_start3A_55 : memref<112x128xf32, #tpu.memory_space<vmem_shared>>) target_semaphore(%run_scoped3A : memref<!tpu.dma_semaphore, #tpu.memory_space<semaphore_mem>>)
      %dma_wait3A_59 = arith.constant 0 : i32
      %dma_wait3A_60 = arith.constant 0 : i32
      %dma_wait3A_61 = tpu.memref_slice %arg10[%dma_wait3A_59, %dma_wait3A_60] : memref<128x128xf32, #tpu.memory_space<vmem>> -> memref<112x128xf32, #tpu.memory_space<vmem>>
      %dma_wait3A_62 = arith.constant 0 : i32
      %dma_wait3A_63 = tpu.memref_slice %arg12[%add3A_19, %dma_wait3A_62] : memref<10016x128xf32, #tpu.memory_space<vmem_shared>> -> memref<112x128xf32, #tpu.memory_space<vmem_shared>>
      %dma_wait3A_64 = arith.constant 0 : i32
      %dma_wait3A_65 = tpu.memref_slice %arg12[%add3A_19, %dma_wait3A_64] : memref<10016x128xf32, #tpu.memory_space<vmem_shared>> -> memref<112x128xf32, #tpu.memory_space<vmem_shared>>
      %dma_wait3A_66 = arith.constant 0 : i32
      %dma_wait3A_67 = arith.constant 0 : i32
      %dma_wait3A_68 = tpu.memref_slice %arg10[%dma_wait3A_66, %dma_wait3A_67] : memref<128x128xf32, #tpu.memory_space<vmem>> -> memref<112x128xf32, #tpu.memory_space<vmem>>
      tpu.wait_dma2 semaphore(%run_scoped3A : memref<!tpu.dma_semaphore, #tpu.memory_space<semaphore_mem>>) src(%dma_wait3A_68 : memref<112x128xf32, #tpu.memory_space<vmem>>) dst(%dma_wait3A_65 : memref<112x128xf32, #tpu.memory_space<vmem_shared>>)
      tpu.yield
    }) : () -> ()
    %eq3A = arith.constant 0 : i32
    %eq3A_20 = arith.cmpi eq, %arg1, %eq3A : i32
    %convert_element_type3A = arith.extui %eq3A_20 : i1 to i32
    %cond3A = arith.constant 0 : i32
    %cond3A_21 = arith.cmpi ne, %convert_element_type3A, %cond3A : i32
    scf.if %cond3A_21 {
      "tpu.region"() ({
        %run_scoped3A = tpu.sem_alloc : memref<!tpu.dma_semaphore, #tpu.memory_space<semaphore_mem>>
        %dma_start3A_49 = arith.constant 0 : i32
        %dma_start3A_50 = arith.constant 0 : i32
        %dma_start3A_51 = tpu.memref_slice %arg10[%dma_start3A_49, %dma_start3A_50] : memref<128x128xf32, #tpu.memory_space<vmem>> -> memref<32x128xf32, #tpu.memory_space<vmem>>
        %dma_start3A_52 = arith.constant 9984 : i32
        %dma_start3A_53 = arith.constant 0 : i32
        %dma_start3A_54 = tpu.memref_slice %arg12[%dma_start3A_52, %dma_start3A_53] : memref<10016x128xf32, #tpu.memory_space<vmem_shared>> -> memref<32x128xf32, #tpu.memory_space<vmem_shared>>
        %dma_start3A_55 = arith.constant 9984 : i32
        %dma_start3A_56 = arith.constant 0 : i32
        %dma_start3A_57 = tpu.memref_slice %arg12[%dma_start3A_55, %dma_start3A_56] : memref<10016x128xf32, #tpu.memory_space<vmem_shared>> -> memref<32x128xf32, #tpu.memory_space<vmem_shared>>
        %dma_start3A_58 = arith.constant 0 : i32
        %dma_start3A_59 = arith.constant 0 : i32
        %dma_start3A_60 = tpu.memref_slice %arg10[%dma_start3A_58, %dma_start3A_59] : memref<128x128xf32, #tpu.memory_space<vmem>> -> memref<32x128xf32, #tpu.memory_space<vmem>>
        tpu.enqueue_dma source(%dma_start3A_60 : memref<32x128xf32, #tpu.memory_space<vmem>>) target(%dma_start3A_57 : memref<32x128xf32, #tpu.memory_space<vmem_shared>>) target_semaphore(%run_scoped3A : memref<!tpu.dma_semaphore, #tpu.memory_space<semaphore_mem>>)
        %dma_wait3A_61 = arith.constant 0 : i32
        %dma_wait3A_62 = arith.constant 0 : i32
        %dma_wait3A_63 = tpu.memref_slice %arg10[%dma_wait3A_61, %dma_wait3A_62] : memref<128x128xf32, #tpu.memory_space<vmem>> -> memref<32x128xf32, #tpu.memory_space<vmem>>
        %dma_wait3A_64 = arith.constant 9984 : i32
        %dma_wait3A_65 = arith.constant 0 : i32
        %dma_wait3A_66 = tpu.memref_slice %arg12[%dma_wait3A_64, %dma_wait3A_65] : memref<10016x128xf32, #tpu.memory_space<vmem_shared>> -> memref<32x128xf32, #tpu.memory_space<vmem_shared>>
        %dma_wait3A_67 = arith.constant 9984 : i32
        %dma_wait3A_68 = arith.constant 0 : i32
        %dma_wait3A_69 = tpu.memref_slice %arg12[%dma_wait3A_67, %dma_wait3A_68] : memref<10016x128xf32, #tpu.memory_space<vmem_shared>> -> memref<32x128xf32, #tpu.memory_space<vmem_shared>>
        %dma_wait3A_70 = arith.constant 0 : i32
        %dma_wait3A_71 = arith.constant 0 : i32
        %dma_wait3A_72 = tpu.memref_slice %arg10[%dma_wait3A_70, %dma_wait3A_71] : memref<128x128xf32, #tpu.memory_space<vmem>> -> memref<32x128xf32, #tpu.memory_space<vmem>>
        tpu.wait_dma2 semaphore(%run_scoped3A : memref<!tpu.dma_semaphore, #tpu.memory_space<semaphore_mem>>) src(%dma_wait3A_72 : memref<32x128xf32, #tpu.memory_space<vmem>>) dst(%dma_wait3A_69 : memref<32x128xf32, #tpu.memory_space<vmem_shared>>)
        tpu.yield
      }) : () -> ()
    } else {
    }
    %barrier3A = arith.constant 0 : index
    tpu.barrier barrier_id(%barrier3A)
    %add3A_22 = arith.constant 0 : i32
    %add3A_23 = arith.addi %mul3A_2, %add3A_22 : i32
    "tpu.region"() ({
      %run_scoped3A = tpu.sem_alloc : memref<!tpu.dma_semaphore, #tpu.memory_space<semaphore_mem>>
      %dma_start3A_49 = tpu.memref_slice %arg3[%add3A_23] : memref<327680xi32, #tpu.memory_space<hbm>> -> memref<128xi32, #tpu.memory_space<hbm>>
      %dma_start3A_50 = tpu.memref_slice %arg3[%add3A_23] : memref<327680xi32, #tpu.memory_space<hbm>> -> memref<128xi32, #tpu.memory_space<hbm>>
      tpu.enqueue_dma source(%dma_start3A_50 : memref<128xi32, #tpu.memory_space<hbm>>) target(%arg6 : memref<128xi32, #tpu.memory_space<vmem>>) target_semaphore(%run_scoped3A : memref<!tpu.dma_semaphore, #tpu.memory_space<semaphore_mem>>)
      %dma_wait3A_51 = tpu.memref_slice %arg3[%add3A_23] : memref<327680xi32, #tpu.memory_space<hbm>> -> memref<128xi32, #tpu.memory_space<hbm>>
      %dma_wait3A_52 = tpu.memref_slice %arg3[%add3A_23] : memref<327680xi32, #tpu.memory_space<hbm>> -> memref<128xi32, #tpu.memory_space<hbm>>
      tpu.wait_dma2 semaphore(%run_scoped3A : memref<!tpu.dma_semaphore, #tpu.memory_space<semaphore_mem>>) src(%dma_wait3A_52 : memref<128xi32, #tpu.memory_space<hbm>>) dst(%arg6 : memref<128xi32, #tpu.memory_space<vmem>>)
      tpu.yield
    }) : () -> ()
    "tpu.region"() ({
      %run_scoped3A = tpu.sem_alloc : memref<!tpu.dma_semaphore, #tpu.memory_space<semaphore_mem>>
      %dma_start3A_49 = tpu.memref_slice %arg4[%add3A_23] : memref<327680xi32, #tpu.memory_space<hbm>> -> memref<128xi32, #tpu.memory_space<hbm>>
      %dma_start3A_50 = tpu.memref_slice %arg4[%add3A_23] : memref<327680xi32, #tpu.memory_space<hbm>> -> memref<128xi32, #tpu.memory_space<hbm>>
      tpu.enqueue_dma source(%dma_start3A_50 : memref<128xi32, #tpu.memory_space<hbm>>) target(%arg8 : memref<128xi32, #tpu.memory_space<vmem>>) target_semaphore(%run_scoped3A : memref<!tpu.dma_semaphore, #tpu.memory_space<semaphore_mem>>)
      %dma_wait3A_51 = tpu.memref_slice %arg4[%add3A_23] : memref<327680xi32, #tpu.memory_space<hbm>> -> memref<128xi32, #tpu.memory_space<hbm>>
      %dma_wait3A_52 = tpu.memref_slice %arg4[%add3A_23] : memref<327680xi32, #tpu.memory_space<hbm>> -> memref<128xi32, #tpu.memory_space<hbm>>
      tpu.wait_dma2 semaphore(%run_scoped3A : memref<!tpu.dma_semaphore, #tpu.memory_space<semaphore_mem>>) src(%dma_wait3A_52 : memref<128xi32, #tpu.memory_space<hbm>>) dst(%arg8 : memref<128xi32, #tpu.memory_space<vmem>>)
      tpu.yield
    }) : () -> ()
    %add3A_24 = arith.constant 128 : i32
    %add3A_25 = arith.addi %mul3A_2, %add3A_24 : i32
    "tpu.region"() ({
      %run_scoped3A = tpu.sem_alloc : memref<!tpu.dma_semaphore, #tpu.memory_space<semaphore_mem>>
      %dma_start3A_49 = tpu.memref_slice %arg3[%add3A_25] : memref<327680xi32, #tpu.memory_space<hbm>> -> memref<128xi32, #tpu.memory_space<hbm>>
      %dma_start3A_50 = tpu.memref_slice %arg3[%add3A_25] : memref<327680xi32, #tpu.memory_space<hbm>> -> memref<128xi32, #tpu.memory_space<hbm>>
      tpu.enqueue_dma source(%dma_start3A_50 : memref<128xi32, #tpu.memory_space<hbm>>) target(%arg7 : memref<128xi32, #tpu.memory_space<vmem>>) target_semaphore(%run_scoped3A : memref<!tpu.dma_semaphore, #tpu.memory_space<semaphore_mem>>)
      %dma_wait3A_51 = tpu.memref_slice %arg3[%add3A_25] : memref<327680xi32, #tpu.memory_space<hbm>> -> memref<128xi32, #tpu.memory_space<hbm>>
      %dma_wait3A_52 = tpu.memref_slice %arg3[%add3A_25] : memref<327680xi32, #tpu.memory_space<hbm>> -> memref<128xi32, #tpu.memory_space<hbm>>
      tpu.wait_dma2 semaphore(%run_scoped3A : memref<!tpu.dma_semaphore, #tpu.memory_space<semaphore_mem>>) src(%dma_wait3A_52 : memref<128xi32, #tpu.memory_space<hbm>>) dst(%arg7 : memref<128xi32, #tpu.memory_space<vmem>>)
      tpu.yield
    }) : () -> ()
    "tpu.region"() ({
      %run_scoped3A = tpu.sem_alloc : memref<!tpu.dma_semaphore, #tpu.memory_space<semaphore_mem>>
      %dma_start3A_49 = tpu.memref_slice %arg4[%add3A_25] : memref<327680xi32, #tpu.memory_space<hbm>> -> memref<128xi32, #tpu.memory_space<hbm>>
      %dma_start3A_50 = tpu.memref_slice %arg4[%add3A_25] : memref<327680xi32, #tpu.memory_space<hbm>> -> memref<128xi32, #tpu.memory_space<hbm>>
      tpu.enqueue_dma source(%dma_start3A_50 : memref<128xi32, #tpu.memory_space<hbm>>) target(%arg9 : memref<128xi32, #tpu.memory_space<vmem>>) target_semaphore(%run_scoped3A : memref<!tpu.dma_semaphore, #tpu.memory_space<semaphore_mem>>)
      %dma_wait3A_51 = tpu.memref_slice %arg4[%add3A_25] : memref<327680xi32, #tpu.memory_space<hbm>> -> memref<128xi32, #tpu.memory_space<hbm>>
      %dma_wait3A_52 = tpu.memref_slice %arg4[%add3A_25] : memref<327680xi32, #tpu.memory_space<hbm>> -> memref<128xi32, #tpu.memory_space<hbm>>
      tpu.wait_dma2 semaphore(%run_scoped3A : memref<!tpu.dma_semaphore, #tpu.memory_space<semaphore_mem>>) src(%dma_wait3A_52 : memref<128xi32, #tpu.memory_space<hbm>>) dst(%arg9 : memref<128xi32, #tpu.memory_space<vmem>>)
      tpu.yield
    }) : () -> ()
    %dma_start3A = arith.constant 0 : i32
    %dma_start3A_26 = arith.constant 0 : i32
    %dma_start3A_27 = tpu.memref_slice %arg2[%dma_start3A, %dma_start3A_26] : memref<10000x128xf32, #tpu.memory_space<hbm>> -> memref<10000x128xf32, #tpu.memory_space<hbm>>
    tpu.enqueue_indirect_dma source(%dma_start3A_27 : memref<10000x128xf32, #tpu.memory_space<hbm>>) target(%arg10 : memref<128x128xf32, #tpu.memory_space<vmem>>) offsets(%arg6 : memref<128xi32, #tpu.memory_space<vmem>>) semaphore(%arg13 : memref<!tpu.dma_semaphore, #tpu.memory_space<semaphore_mem>>)
    %scan3A_28 = arith.constant 0 : i32
    %scan3A_29 = arith.constant 39 : i32
    %scan3A_30 = arith.addi %scan3A_28, %scan3A_29 : i32
    %scan3A_31 = arith.constant 1 : i32
    scf.for %scan3A_49 = %scan3A_28 to %scan3A_30 step %scan3A_31  : i32 {
      %mul3A_50 = arith.constant 1 : i32
      %mul3A_51 = arith.muli %scan3A_49, %mul3A_50 : i32
      %add3A_52 = arith.constant 0 : i32
      %add3A_53 = arith.addi %add3A_52, %mul3A_51 : i32
      %mul3A_54 = arith.constant 2 : i32
      %mul3A_55 = arith.muli %mul3A_54, %add3A_53 : i32
      %dma_wait3A_56 = arith.constant 0 : i32
      %dma_wait3A_57 = arith.constant 0 : i32
      %dma_wait3A_58 = tpu.memref_slice %arg2[%dma_wait3A_56, %dma_wait3A_57] : memref<10000x128xf32, #tpu.memory_space<hbm>> -> memref<10000x128xf32, #tpu.memory_space<hbm>>
      tpu.wait_indirect_dma semaphore(%arg13 : memref<!tpu.dma_semaphore, #tpu.memory_space<semaphore_mem>>) src(%dma_wait3A_58 : memref<10000x128xf32, #tpu.memory_space<hbm>>) dst(%arg10 : memref<128x128xf32, #tpu.memory_space<vmem>>)
      %dma_start3A_59 = arith.constant 0 : i32
      %dma_start3A_60 = arith.constant 0 : i32
      %dma_start3A_61 = tpu.memref_slice %arg2[%dma_start3A_59, %dma_start3A_60] : memref<10000x128xf32, #tpu.memory_space<hbm>> -> memref<10000x128xf32, #tpu.memory_space<hbm>>
      tpu.enqueue_indirect_dma source(%dma_start3A_61 : memref<10000x128xf32, #tpu.memory_space<hbm>>) target(%arg11 : memref<128x128xf32, #tpu.memory_space<vmem>>) offsets(%arg7 : memref<128xi32, #tpu.memory_space<vmem>>) semaphore(%arg14 : memref<!tpu.dma_semaphore, #tpu.memory_space<semaphore_mem>>)
      "tpu.region"() ({
        %run_scoped3A = tpu.sem_alloc : memref<!tpu.dma_semaphore, #tpu.memory_space<semaphore_mem>>
        %dma_start3A_78 = arith.constant 0 : i32
        %dma_start3A_79 = arith.constant 0 : i32
        %dma_start3A_80 = tpu.memref_slice %arg12[%dma_start3A_78, %dma_start3A_79] : memref<10016x128xf32, #tpu.memory_space<vmem_shared>> -> memref<10016x128xf32, #tpu.memory_space<vmem_shared>>
        tpu.enqueue_indirect_dma source(%arg10 : memref<128x128xf32, #tpu.memory_space<vmem>>) target(%dma_start3A_80 : memref<10016x128xf32, #tpu.memory_space<vmem_shared>>) offsets(%arg8 : memref<128xi32, #tpu.memory_space<vmem>>) semaphore(%run_scoped3A : memref<!tpu.dma_semaphore, #tpu.memory_space<semaphore_mem>>) {add = true}
        %dma_wait3A_81 = arith.constant 0 : i32
        %dma_wait3A_82 = arith.constant 0 : i32
        %dma_wait3A_83 = tpu.memref_slice %arg12[%dma_wait3A_81, %dma_wait3A_82] : memref<10016x128xf32, #tpu.memory_space<vmem_shared>> -> memref<10016x128xf32, #tpu.memory_space<vmem_shared>>
        tpu.wait_indirect_dma semaphore(%run_scoped3A : memref<!tpu.dma_semaphore, #tpu.memory_space<semaphore_mem>>) src(%arg10 : memref<128x128xf32, #tpu.memory_space<vmem>>) dst(%dma_wait3A_83 : memref<10016x128xf32, #tpu.memory_space<vmem_shared>>)
        tpu.yield
      }) : () -> ()
      %add3A_62 = arith.constant 2 : i32
      %add3A_63 = arith.addi %mul3A_55, %add3A_62 : i32
      %mul3A_64 = arith.constant 128 : i32
      %mul3A_65 = arith.muli %add3A_63, %mul3A_64 : i32
      %add3A_66 = arith.addi %mul3A_2, %mul3A_65 : i32
      "tpu.region"() ({
        %run_scoped3A = tpu.sem_alloc : memref<!tpu.dma_semaphore, #tpu.memory_space<semaphore_mem>>
        %dma_start3A_78 = tpu.memref_slice %arg3[%add3A_66] : memref<327680xi32, #tpu.memory_space<hbm>> -> memref<128xi32, #tpu.memory_space<hbm>>
        %dma_start3A_79 = tpu.memref_slice %arg3[%add3A_66] : memref<327680xi32, #tpu.memory_space<hbm>> -> memref<128xi32, #tpu.memory_space<hbm>>
        tpu.enqueue_dma source(%dma_start3A_79 : memref<128xi32, #tpu.memory_space<hbm>>) target(%arg6 : memref<128xi32, #tpu.memory_space<vmem>>) target_semaphore(%run_scoped3A : memref<!tpu.dma_semaphore, #tpu.memory_space<semaphore_mem>>)
        %dma_wait3A_80 = tpu.memref_slice %arg3[%add3A_66] : memref<327680xi32, #tpu.memory_space<hbm>> -> memref<128xi32, #tpu.memory_space<hbm>>
        %dma_wait3A_81 = tpu.memref_slice %arg3[%add3A_66] : memref<327680xi32, #tpu.memory_space<hbm>> -> memref<128xi32, #tpu.memory_space<hbm>>
        tpu.wait_dma2 semaphore(%run_scoped3A : memref<!tpu.dma_semaphore, #tpu.memory_space<semaphore_mem>>) src(%dma_wait3A_81 : memref<128xi32, #tpu.memory_space<hbm>>) dst(%arg6 : memref<128xi32, #tpu.memory_space<vmem>>)
        tpu.yield
      }) : () -> ()
      "tpu.region"() ({
        %run_scoped3A = tpu.sem_alloc : memref<!tpu.dma_semaphore, #tpu.memory_space<semaphore_mem>>
        %dma_start3A_78 = tpu.memref_slice %arg4[%add3A_66] : memref<327680xi32, #tpu.memory_space<hbm>> -> memref<128xi32, #tpu.memory_space<hbm>>
        %dma_start3A_79 = tpu.memref_slice %arg4[%add3A_66] : memref<327680xi32, #tpu.memory_space<hbm>> -> memref<128xi32, #tpu.memory_space<hbm>>
        tpu.enqueue_dma source(%dma_start3A_79 : memref<128xi32, #tpu.memory_space<hbm>>) target(%arg8 : memref<128xi32, #tpu.memory_space<vmem>>) target_semaphore(%run_scoped3A : memref<!tpu.dma_semaphore, #tpu.memory_space<semaphore_mem>>)
        %dma_wait3A_80 = tpu.memref_slice %arg4[%add3A_66] : memref<327680xi32, #tpu.memory_space<hbm>> -> memref<128xi32, #tpu.memory_space<hbm>>
        %dma_wait3A_81 = tpu.memref_slice %arg4[%add3A_66] : memref<327680xi32, #tpu.memory_space<hbm>> -> memref<128xi32, #tpu.memory_space<hbm>>
        tpu.wait_dma2 semaphore(%run_scoped3A : memref<!tpu.dma_semaphore, #tpu.memory_space<semaphore_mem>>) src(%dma_wait3A_81 : memref<128xi32, #tpu.memory_space<hbm>>) dst(%arg8 : memref<128xi32, #tpu.memory_space<vmem>>)
        tpu.yield
      }) : () -> ()
      %dma_wait3A_67 = arith.constant 0 : i32
      %dma_wait3A_68 = arith.constant 0 : i32
      %dma_wait3A_69 = tpu.memref_slice %arg2[%dma_wait3A_67, %dma_wait3A_68] : memref<10000x128xf32, #tpu.memory_space<hbm>> -> memref<10000x128xf32, #tpu.memory_space<hbm>>
      tpu.wait_indirect_dma semaphore(%arg14 : memref<!tpu.dma_semaphore, #tpu.memory_space<semaphore_mem>>) src(%dma_wait3A_69 : memref<10000x128xf32, #tpu.memory_space<hbm>>) dst(%arg11 : memref<128x128xf32, #tpu.memory_space<vmem>>)
      %dma_start3A_70 = arith.constant 0 : i32
      %dma_start3A_71 = arith.constant 0 : i32
      %dma_start3A_72 = tpu.memref_slice %arg2[%dma_start3A_70, %dma_start3A_71] : memref<10000x128xf32, #tpu.memory_space<hbm>> -> memref<10000x128xf32, #tpu.memory_space<hbm>>
      tpu.enqueue_indirect_dma source(%dma_start3A_72 : memref<10000x128xf32, #tpu.memory_space<hbm>>) target(%arg10 : memref<128x128xf32, #tpu.memory_space<vmem>>) offsets(%arg6 : memref<128xi32, #tpu.memory_space<vmem>>) semaphore(%arg13 : memref<!tpu.dma_semaphore, #tpu.memory_space<semaphore_mem>>)
      "tpu.region"() ({
        %run_scoped3A = tpu.sem_alloc : memref<!tpu.dma_semaphore, #tpu.memory_space<semaphore_mem>>
        %dma_start3A_78 = arith.constant 0 : i32
        %dma_start3A_79 = arith.constant 0 : i32
        %dma_start3A_80 = tpu.memref_slice %arg12[%dma_start3A_78, %dma_start3A_79] : memref<10016x128xf32, #tpu.memory_space<vmem_shared>> -> memref<10016x128xf32, #tpu.memory_space<vmem_shared>>
        tpu.enqueue_indirect_dma source(%arg11 : memref<128x128xf32, #tpu.memory_space<vmem>>) target(%dma_start3A_80 : memref<10016x128xf32, #tpu.memory_space<vmem_shared>>) offsets(%arg9 : memref<128xi32, #tpu.memory_space<vmem>>) semaphore(%run_scoped3A : memref<!tpu.dma_semaphore, #tpu.memory_space<semaphore_mem>>) {add = true}
        %dma_wait3A_81 = arith.constant 0 : i32
        %dma_wait3A_82 = arith.constant 0 : i32
        %dma_wait3A_83 = tpu.memref_slice %arg12[%dma_wait3A_81, %dma_wait3A_82] : memref<10016x128xf32, #tpu.memory_space<vmem_shared>> -> memref<10016x128xf32, #tpu.memory_space<vmem_shared>>
        tpu.wait_indirect_dma semaphore(%run_scoped3A : memref<!tpu.dma_semaphore, #tpu.memory_space<semaphore_mem>>) src(%arg11 : memref<128x128xf32, #tpu.memory_space<vmem>>) dst(%dma_wait3A_83 : memref<10016x128xf32, #tpu.memory_space<vmem_shared>>)
        tpu.yield
      }) : () -> ()
      %add3A_73 = arith.constant 3 : i32
      %add3A_74 = arith.addi %mul3A_55, %add3A_73 : i32
      %mul3A_75 = arith.constant 128 : i32
      %mul3A_76 = arith.muli %add3A_74, %mul3A_75 : i32
      %add3A_77 = arith.addi %mul3A_2, %mul3A_76 : i32
      "tpu.region"() ({
        %run_scoped3A = tpu.sem_alloc : memref<!tpu.dma_semaphore, #tpu.memory_space<semaphore_mem>>
        %dma_start3A_78 = tpu.memref_slice %arg3[%add3A_77] : memref<327680xi32, #tpu.memory_space<hbm>> -> memref<128xi32, #tpu.memory_space<hbm>>
        %dma_start3A_79 = tpu.memref_slice %arg3[%add3A_77] : memref<327680xi32, #tpu.memory_space<hbm>> -> memref<128xi32, #tpu.memory_space<hbm>>
        tpu.enqueue_dma source(%dma_start3A_79 : memref<128xi32, #tpu.memory_space<hbm>>) target(%arg7 : memref<128xi32, #tpu.memory_space<vmem>>) target_semaphore(%run_scoped3A : memref<!tpu.dma_semaphore, #tpu.memory_space<semaphore_mem>>)
        %dma_wait3A_80 = tpu.memref_slice %arg3[%add3A_77] : memref<327680xi32, #tpu.memory_space<hbm>> -> memref<128xi32, #tpu.memory_space<hbm>>
        %dma_wait3A_81 = tpu.memref_slice %arg3[%add3A_77] : memref<327680xi32, #tpu.memory_space<hbm>> -> memref<128xi32, #tpu.memory_space<hbm>>
        tpu.wait_dma2 semaphore(%run_scoped3A : memref<!tpu.dma_semaphore, #tpu.memory_space<semaphore_mem>>) src(%dma_wait3A_81 : memref<128xi32, #tpu.memory_space<hbm>>) dst(%arg7 : memref<128xi32, #tpu.memory_space<vmem>>)
        tpu.yield
      }) : () -> ()
      "tpu.region"() ({
        %run_scoped3A = tpu.sem_alloc : memref<!tpu.dma_semaphore, #tpu.memory_space<semaphore_mem>>
        %dma_start3A_78 = tpu.memref_slice %arg4[%add3A_77] : memref<327680xi32, #tpu.memory_space<hbm>> -> memref<128xi32, #tpu.memory_space<hbm>>
        %dma_start3A_79 = tpu.memref_slice %arg4[%add3A_77] : memref<327680xi32, #tpu.memory_space<hbm>> -> memref<128xi32, #tpu.memory_space<hbm>>
        tpu.enqueue_dma source(%dma_start3A_79 : memref<128xi32, #tpu.memory_space<hbm>>) target(%arg9 : memref<128xi32, #tpu.memory_space<vmem>>) target_semaphore(%run_scoped3A : memref<!tpu.dma_semaphore, #tpu.memory_space<semaphore_mem>>)
        %dma_wait3A_80 = tpu.memref_slice %arg4[%add3A_77] : memref<327680xi32, #tpu.memory_space<hbm>> -> memref<128xi32, #tpu.memory_space<hbm>>
        %dma_wait3A_81 = tpu.memref_slice %arg4[%add3A_77] : memref<327680xi32, #tpu.memory_space<hbm>> -> memref<128xi32, #tpu.memory_space<hbm>>
        tpu.wait_dma2 semaphore(%run_scoped3A : memref<!tpu.dma_semaphore, #tpu.memory_space<semaphore_mem>>) src(%dma_wait3A_81 : memref<128xi32, #tpu.memory_space<hbm>>) dst(%arg9 : memref<128xi32, #tpu.memory_space<vmem>>)
        tpu.yield
      }) : () -> ()
    }
    %scan3A_32 = arith.constant 39 : i32
    %dma_wait3A = arith.constant 0 : i32
    %dma_wait3A_33 = arith.constant 0 : i32
    %dma_wait3A_34 = tpu.memref_slice %arg2[%dma_wait3A, %dma_wait3A_33] : memref<10000x128xf32, #tpu.memory_space<hbm>> -> memref<10000x128xf32, #tpu.memory_space<hbm>>
    tpu.wait_indirect_dma semaphore(%arg13 : memref<!tpu.dma_semaphore, #tpu.memory_space<semaphore_mem>>) src(%dma_wait3A_34 : memref<10000x128xf32, #tpu.memory_space<hbm>>) dst(%arg10 : memref<128x128xf32, #tpu.memory_space<vmem>>)
    %dma_start3A_35 = arith.constant 0 : i32
    %dma_start3A_36 = arith.constant 0 : i32
    %dma_start3A_37 = tpu.memref_slice %arg2[%dma_start3A_35, %dma_start3A_36] : memref<10000x128xf32, #tpu.memory_space<hbm>> -> memref<10000x128xf32, #tpu.memory_space<hbm>>
    tpu.enqueue_indirect_dma source(%dma_start3A_37 : memref<10000x128xf32, #tpu.memory_space<hbm>>) target(%arg11 : memref<128x128xf32, #tpu.memory_space<vmem>>) offsets(%arg7 : memref<128xi32, #tpu.memory_space<vmem>>) semaphore(%arg14 : memref<!tpu.dma_semaphore, #tpu.memory_space<semaphore_mem>>)
    "tpu.region"() ({
      %run_scoped3A = tpu.sem_alloc : memref<!tpu.dma_semaphore, #tpu.memory_space<semaphore_mem>>
      %dma_start3A_49 = arith.constant 0 : i32
      %dma_start3A_50 = arith.constant 0 : i32
      %dma_start3A_51 = tpu.memref_slice %arg12[%dma_start3A_49, %dma_start3A_50] : memref<10016x128xf32, #tpu.memory_space<vmem_shared>> -> memref<10016x128xf32, #tpu.memory_space<vmem_shared>>
      tpu.enqueue_indirect_dma source(%arg10 : memref<128x128xf32, #tpu.memory_space<vmem>>) target(%dma_start3A_51 : memref<10016x128xf32, #tpu.memory_space<vmem_shared>>) offsets(%arg8 : memref<128xi32, #tpu.memory_space<vmem>>) semaphore(%run_scoped3A : memref<!tpu.dma_semaphore, #tpu.memory_space<semaphore_mem>>) {add = true}
      %dma_wait3A_52 = arith.constant 0 : i32
      %dma_wait3A_53 = arith.constant 0 : i32
      %dma_wait3A_54 = tpu.memref_slice %arg12[%dma_wait3A_52, %dma_wait3A_53] : memref<10016x128xf32, #tpu.memory_space<vmem_shared>> -> memref<10016x128xf32, #tpu.memory_space<vmem_shared>>
      tpu.wait_indirect_dma semaphore(%run_scoped3A : memref<!tpu.dma_semaphore, #tpu.memory_space<semaphore_mem>>) src(%arg10 : memref<128x128xf32, #tpu.memory_space<vmem>>) dst(%dma_wait3A_54 : memref<10016x128xf32, #tpu.memory_space<vmem_shared>>)
      tpu.yield
    }) : () -> ()
    %dma_wait3A_38 = arith.constant 0 : i32
    %dma_wait3A_39 = arith.constant 0 : i32
    %dma_wait3A_40 = tpu.memref_slice %arg2[%dma_wait3A_38, %dma_wait3A_39] : memref<10000x128xf32, #tpu.memory_space<hbm>> -> memref<10000x128xf32, #tpu.memory_space<hbm>>
    tpu.wait_indirect_dma semaphore(%arg14 : memref<!tpu.dma_semaphore, #tpu.memory_space<semaphore_mem>>) src(%dma_wait3A_40 : memref<10000x128xf32, #tpu.memory_space<hbm>>) dst(%arg11 : memref<128x128xf32, #tpu.memory_space<vmem>>)
    "tpu.region"() ({
      %run_scoped3A = tpu.sem_alloc : memref<!tpu.dma_semaphore, #tpu.memory_space<semaphore_mem>>
      %dma_start3A_49 = arith.constant 0 : i32
      %dma_start3A_50 = arith.constant 0 : i32
      %dma_start3A_51 = tpu.memref_slice %arg12[%dma_start3A_49, %dma_start3A_50] : memref<10016x128xf32, #tpu.memory_space<vmem_shared>> -> memref<10016x128xf32, #tpu.memory_space<vmem_shared>>
      tpu.enqueue_indirect_dma source(%arg11 : memref<128x128xf32, #tpu.memory_space<vmem>>) target(%dma_start3A_51 : memref<10016x128xf32, #tpu.memory_space<vmem_shared>>) offsets(%arg9 : memref<128xi32, #tpu.memory_space<vmem>>) semaphore(%run_scoped3A : memref<!tpu.dma_semaphore, #tpu.memory_space<semaphore_mem>>) {add = true}
      %dma_wait3A_52 = arith.constant 0 : i32
      %dma_wait3A_53 = arith.constant 0 : i32
      %dma_wait3A_54 = tpu.memref_slice %arg12[%dma_wait3A_52, %dma_wait3A_53] : memref<10016x128xf32, #tpu.memory_space<vmem_shared>> -> memref<10016x128xf32, #tpu.memory_space<vmem_shared>>
      tpu.wait_indirect_dma semaphore(%run_scoped3A : memref<!tpu.dma_semaphore, #tpu.memory_space<semaphore_mem>>) src(%arg11 : memref<128x128xf32, #tpu.memory_space<vmem>>) dst(%dma_wait3A_54 : memref<10016x128xf32, #tpu.memory_space<vmem_shared>>)
      tpu.yield
    }) : () -> ()
    %barrier3A_41 = arith.constant 0 : index
    tpu.barrier barrier_id(%barrier3A_41)
    %mul3A_42 = arith.constant 624 : i32
    %mul3A_43 = arith.muli %arg1, %mul3A_42 : i32
    "tpu.region"() ({
      %run_scoped3A = tpu.sem_alloc : memref<!tpu.dma_semaphore, #tpu.memory_space<semaphore_mem>>
      %dma_start3A_49 = arith.constant 0 : i32
      %dma_start3A_50 = tpu.memref_slice %arg5[%arg0, %mul3A_43, %dma_start3A_49] : memref<2x10000x128xf32, #tpu.memory_space<hbm>> -> memref<1x624x128xf32, #tpu.memory_space<hbm>>
      %dma_start3A_51 = tpu.memref_squeeze %dma_start3A_50 : memref<1x624x128xf32, #tpu.memory_space<hbm>> -> memref<624x128xf32, #tpu.memory_space<hbm>>
      %dma_start3A_52 = arith.constant 0 : i32
      %dma_start3A_53 = tpu.memref_slice %arg12[%mul3A_43, %dma_start3A_52] : memref<10016x128xf32, #tpu.memory_space<vmem_shared>> -> memref<624x128xf32, #tpu.memory_space<vmem_shared>>
      tpu.enqueue_dma source(%dma_start3A_53 : memref<624x128xf32, #tpu.memory_space<vmem_shared>>) target(%dma_start3A_51 : memref<624x128xf32, #tpu.memory_space<hbm>>) target_semaphore(%run_scoped3A : memref<!tpu.dma_semaphore, #tpu.memory_space<semaphore_mem>>)
      %dma_wait3A_54 = arith.constant 0 : i32
      %dma_wait3A_55 = tpu.memref_slice %arg5[%arg0, %mul3A_43, %dma_wait3A_54] : memref<2x10000x128xf32, #tpu.memory_space<hbm>> -> memref<1x624x128xf32, #tpu.memory_space<hbm>>
      %dma_wait3A_56 = tpu.memref_squeeze %dma_wait3A_55 : memref<1x624x128xf32, #tpu.memory_space<hbm>> -> memref<624x128xf32, #tpu.memory_space<hbm>>
      %dma_wait3A_57 = arith.constant 0 : i32
      %dma_wait3A_58 = tpu.memref_slice %arg12[%mul3A_43, %dma_wait3A_57] : memref<10016x128xf32, #tpu.memory_space<vmem_shared>> -> memref<624x128xf32, #tpu.memory_space<vmem_shared>>
      tpu.wait_dma2 semaphore(%run_scoped3A : memref<!tpu.dma_semaphore, #tpu.memory_space<semaphore_mem>>) src(%dma_wait3A_58 : memref<624x128xf32, #tpu.memory_space<vmem_shared>>) dst(%dma_wait3A_56 : memref<624x128xf32, #tpu.memory_space<hbm>>)
      tpu.yield
    }) : () -> ()
    %eq3A_44 = arith.constant 0 : i32
    %eq3A_45 = arith.cmpi eq, %arg1, %eq3A_44 : i32
    %convert_element_type3A_46 = arith.extui %eq3A_45 : i1 to i32
    %cond3A_47 = arith.constant 0 : i32
    %cond3A_48 = arith.cmpi ne, %convert_element_type3A_46, %cond3A_47 : i32
    scf.if %cond3A_48 {
      "tpu.region"() ({
        %run_scoped3A = tpu.sem_alloc : memref<!tpu.dma_semaphore, #tpu.memory_space<semaphore_mem>>
        %dma_start3A_49 = arith.constant 9984 : i32
        %dma_start3A_50 = arith.constant 0 : i32
        %dma_start3A_51 = tpu.memref_slice %arg5[%arg0, %dma_start3A_49, %dma_start3A_50] : memref<2x10000x128xf32, #tpu.memory_space<hbm>> -> memref<1x16x128xf32, #tpu.memory_space<hbm>>
        %dma_start3A_52 = tpu.memref_squeeze %dma_start3A_51 : memref<1x16x128xf32, #tpu.memory_space<hbm>> -> memref<16x128xf32, #tpu.memory_space<hbm>>
        %dma_start3A_53 = arith.constant 9984 : i32
        %dma_start3A_54 = arith.constant 0 : i32
        %dma_start3A_55 = tpu.memref_slice %arg12[%dma_start3A_53, %dma_start3A_54] : memref<10016x128xf32, #tpu.memory_space<vmem_shared>> -> memref<16x128xf32, #tpu.memory_space<vmem_shared>>
        tpu.enqueue_dma source(%dma_start3A_55 : memref<16x128xf32, #tpu.memory_space<vmem_shared>>) target(%dma_start3A_52 : memref<16x128xf32, #tpu.memory_space<hbm>>) target_semaphore(%run_scoped3A : memref<!tpu.dma_semaphore, #tpu.memory_space<semaphore_mem>>)
        %dma_wait3A_56 = arith.constant 9984 : i32
        %dma_wait3A_57 = arith.constant 0 : i32
        %dma_wait3A_58 = tpu.memref_slice %arg5[%arg0, %dma_wait3A_56, %dma_wait3A_57] : memref<2x10000x128xf32, #tpu.memory_space<hbm>> -> memref<1x16x128xf32, #tpu.memory_space<hbm>>
        %dma_wait3A_59 = tpu.memref_squeeze %dma_wait3A_58 : memref<1x16x128xf32, #tpu.memory_space<hbm>> -> memref<16x128xf32, #tpu.memory_space<hbm>>
        %dma_wait3A_60 = arith.constant 9984 : i32
        %dma_wait3A_61 = arith.constant 0 : i32
        %dma_wait3A_62 = tpu.memref_slice %arg12[%dma_wait3A_60, %dma_wait3A_61] : memref<10016x128xf32, #tpu.memory_space<vmem_shared>> -> memref<16x128xf32, #tpu.memory_space<vmem_shared>>
        tpu.wait_dma2 semaphore(%run_scoped3A : memref<!tpu.dma_semaphore, #tpu.memory_space<semaphore_mem>>) src(%dma_wait3A_62 : memref<16x128xf32, #tpu.memory_space<vmem_shared>>) dst(%dma_wait3A_59 : memref<16x128xf32, #tpu.memory_space<hbm>>)
        tpu.yield
      }) : () -> ()
    } else {
    }
    return
  }
}

module attributes {stable_mosaic.version = 14 : i64} {
  func.func @_m2_body(%arg0: memref<2x10000x128xf32, #tpu.memory_space<vmem>>, %arg1: memref<10000x128xf32, #tpu.memory_space<vmem>>, %arg2: memref<10000x1xf32, #tpu.memory_space<vmem>>, %arg3: memref<1x128xf32, #tpu.memory_space<vmem>>, %arg4: memref<10000x128xf32, #tpu.memory_space<vmem>>) attributes {dimension_semantics = [], scalar_prefetch = 0 : i64, scratch_operands = 0 : i64, tpu.core_type = #tpu.core_type<tc>} {
    %get3A = arith.constant 0 : index
    %get3A_0 = arith.constant 0 : index
    %get3A_1 = arith.constant 0 : index
    %get3A_2 = vector.load %arg0[%get3A, %get3A_0, %get3A_1] : memref<2x10000x128xf32, #tpu.memory_space<vmem>>, vector<1x10000x128xf32>
    %get3A_3 = vector.shape_cast %get3A_2 : vector<1x10000x128xf32> to vector<10000x128xf32>
    %get3A_4 = arith.constant 1 : index
    %get3A_5 = arith.constant 0 : index
    %get3A_6 = arith.constant 0 : index
    %get3A_7 = vector.load %arg0[%get3A_4, %get3A_5, %get3A_6] : memref<2x10000x128xf32, #tpu.memory_space<vmem>>, vector<1x10000x128xf32>
    %get3A_8 = vector.shape_cast %get3A_7 : vector<1x10000x128xf32> to vector<10000x128xf32>
    %add3A = arith.addf %get3A_3, %get3A_8 : vector<10000x128xf32>
    %get3A_9 = arith.constant 0 : index
    %get3A_10 = arith.constant 0 : index
    %get3A_11 = vector.load %arg1[%get3A_9, %get3A_10] : memref<10000x128xf32, #tpu.memory_space<vmem>>, vector<10000x128xf32>
    %add3A_12 = arith.addf %add3A, %get3A_11 : vector<10000x128xf32>
    %get3A_13 = arith.constant 0 : index
    %get3A_14 = arith.constant 0 : index
    %get3A_15 = vector.load %arg2[%get3A_13, %get3A_14] : memref<10000x1xf32, #tpu.memory_space<vmem>>, vector<10000x1xf32>
    %mul3A = vector.broadcast %get3A_15 : vector<10000x1xf32> to vector<10000x128xf32>
    %mul3A_16 = arith.mulf %add3A_12, %mul3A : vector<10000x128xf32>
    %get3A_17 = arith.constant 0 : index
    %get3A_18 = arith.constant 0 : index
    %get3A_19 = vector.load %arg3[%get3A_17, %get3A_18] : memref<1x128xf32, #tpu.memory_space<vmem>>, vector<1x128xf32>
    %add3A_20 = vector.broadcast %get3A_19 : vector<1x128xf32> to vector<10000x128xf32>
    %add3A_21 = arith.addf %mul3A_16, %add3A_20 : vector<10000x128xf32>
    %max3A = arith.constant 0.000000e+00 : f32
    %max3A_22 = vector.broadcast %max3A : f32 to vector<10000x128xf32>
    %max3A_23 = arith.maximumf %add3A_21, %max3A_22 : vector<10000x128xf32>
    %mul3A_24 = vector.broadcast %get3A_15 : vector<10000x1xf32> to vector<10000x128xf32>
    %mul3A_25 = arith.mulf %max3A_23, %mul3A_24 : vector<10000x128xf32>
    %swap3A = arith.constant 0 : index
    %swap3A_26 = arith.constant 0 : index
    %swap3A_27 = vector.load %arg4[%swap3A, %swap3A_26] : memref<10000x128xf32, #tpu.memory_space<vmem>>, vector<10000x128xf32>
    tpu.vector_store %arg4[%swap3A, %swap3A_26], %mul3A_25 {strides = array<i32>} : memref<10000x128xf32, #tpu.memory_space<vmem>>, vector<10000x128xf32>,
    return
  }
}

module attributes {stable_mosaic.version = 14 : i64} {
  func.func @_m1_body(%arg0: memref<10000x128xf32, #tpu.memory_space<vmem>>, %arg1: memref<128x128xf32, #tpu.memory_space<vmem>>, %arg2: memref<2x10000x16xf32, #tpu.memory_space<vmem>>, %arg3: memref<10000x128xf32, #tpu.memory_space<vmem>>, %arg4: memref<10000x1xf32, #tpu.memory_space<vmem>>) attributes {dimension_semantics = [], scalar_prefetch = 0 : i64, scratch_operands = 0 : i64, tpu.core_type = #tpu.core_type<tc>} {
    %get3A = arith.constant 0 : index
    %get3A_0 = arith.constant 0 : index
    %get3A_1 = arith.constant 0 : index
    %get3A_2 = vector.load %arg2[%get3A, %get3A_0, %get3A_1] : memref<2x10000x16xf32, #tpu.memory_space<vmem>>, vector<1x10000x1xf32>
    %get3A_3 = vector.shape_cast %get3A_2 : vector<1x10000x1xf32> to vector<10000x1xf32>
    %get3A_4 = arith.constant 1 : index
    %get3A_5 = arith.constant 0 : index
    %get3A_6 = arith.constant 0 : index
    %get3A_7 = vector.load %arg2[%get3A_4, %get3A_5, %get3A_6] : memref<2x10000x16xf32, #tpu.memory_space<vmem>>, vector<1x10000x1xf32>
    %get3A_8 = vector.shape_cast %get3A_7 : vector<1x10000x1xf32> to vector<10000x1xf32>
    %add3A = arith.addf %get3A_3, %get3A_8 : vector<10000x1xf32>
    %add3A_9 = arith.constant 1.000000e+00 : f32
    %add3A_10 = vector.broadcast %add3A_9 : f32 to vector<10000x1xf32>
    %add3A_11 = arith.addf %add3A, %add3A_10 : vector<10000x1xf32>
    %rsqrt3A = math.rsqrt %add3A_11 : vector<10000x1xf32>
    %swap3A = arith.constant 0 : index
    %swap3A_12 = arith.constant 0 : index
    %swap3A_13 = vector.load %arg4[%swap3A, %swap3A_12] : memref<10000x1xf32, #tpu.memory_space<vmem>>, vector<10000x1xf32>
    tpu.vector_store %arg4[%swap3A, %swap3A_12], %rsqrt3A {strides = array<i32>} : memref<10000x1xf32, #tpu.memory_space<vmem>>, vector<10000x1xf32>,
    %get3A_14 = arith.constant 0 : index
    %get3A_15 = arith.constant 0 : index
    %get3A_16 = vector.load %arg0[%get3A_14, %get3A_15] : memref<10000x128xf32, #tpu.memory_space<vmem>>, vector<10000x128xf32>
    %get3A_17 = arith.constant 0 : index
    %get3A_18 = arith.constant 0 : index
    %get3A_19 = vector.load %arg1[%get3A_17, %get3A_18] : memref<128x128xf32, #tpu.memory_space<vmem>>, vector<128x128xf32>
    %dot_general3A = arith.constant dense<0.000000e+00> : vector<10000x128xf32>
    %dot_general3A_20 = tpu.matmul %get3A_16, %get3A_19, %dot_general3A {dimension_numbers = #tpu.dot_dimension_numbers<[1], [0], [0], [1], [0, 0, 1, 1], [], []>, transpose_lhs_hint = false} : vector<10000x128xf32>, vector<128x128xf32>, vector<10000x128xf32> -> vector<10000x128xf32>
    %mul3A = vector.broadcast %rsqrt3A : vector<10000x1xf32> to vector<10000x128xf32>
    %mul3A_21 = arith.mulf %dot_general3A_20, %mul3A : vector<10000x128xf32>
    %swap3A_22 = arith.constant 0 : index
    %swap3A_23 = arith.constant 0 : index
    %swap3A_24 = vector.load %arg3[%swap3A_22, %swap3A_23] : memref<10000x128xf32, #tpu.memory_space<vmem>>, vector<10000x128xf32>
    tpu.vector_store %arg3[%swap3A_22, %swap3A_23], %mul3A_21 {strides = array<i32>} : memref<10000x128xf32, #tpu.memory_space<vmem>>, vector<10000x128xf32>,
    return
  }
}

module attributes {stable_mosaic.version = 14 : i64} {
  func.func @_e3_body(%arg0: memref<2x10000x128xf32, #tpu.memory_space<vmem>>, %arg1: memref<10000x128xf32, #tpu.memory_space<vmem>>, %arg2: memref<10000x1xf32, #tpu.memory_space<vmem>>, %arg3: memref<1x48xf32, #tpu.memory_space<vmem>>, %arg4: memref<128x48xf32, #tpu.memory_space<vmem>>, %arg5: memref<10000x48xf32, #tpu.memory_space<vmem>>) attributes {dimension_semantics = [], scalar_prefetch = 0 : i64, scratch_operands = 0 : i64, tpu.core_type = #tpu.core_type<tc>} {
    %get3A = arith.constant 0 : index
    %get3A_0 = arith.constant 0 : index
    %get3A_1 = arith.constant 0 : index
    %get3A_2 = vector.load %arg0[%get3A, %get3A_0, %get3A_1] : memref<2x10000x128xf32, #tpu.memory_space<vmem>>, vector<1x10000x128xf32>
    %get3A_3 = vector.shape_cast %get3A_2 : vector<1x10000x128xf32> to vector<10000x128xf32>
    %get3A_4 = arith.constant 1 : index
    %get3A_5 = arith.constant 0 : index
    %get3A_6 = arith.constant 0 : index
    %get3A_7 = vector.load %arg0[%get3A_4, %get3A_5, %get3A_6] : memref<2x10000x128xf32, #tpu.memory_space<vmem>>, vector<1x10000x128xf32>
    %get3A_8 = vector.shape_cast %get3A_7 : vector<1x10000x128xf32> to vector<10000x128xf32>
    %add3A = arith.addf %get3A_3, %get3A_8 : vector<10000x128xf32>
    %get3A_9 = arith.constant 0 : index
    %get3A_10 = arith.constant 0 : index
    %get3A_11 = vector.load %arg1[%get3A_9, %get3A_10] : memref<10000x128xf32, #tpu.memory_space<vmem>>, vector<10000x128xf32>
    %add3A_12 = arith.addf %add3A, %get3A_11 : vector<10000x128xf32>
    %get3A_13 = arith.constant 0 : index
    %get3A_14 = arith.constant 0 : index
    %get3A_15 = vector.load %arg4[%get3A_13, %get3A_14] : memref<128x48xf32, #tpu.memory_space<vmem>>, vector<128x48xf32>
    %dot_general3A = arith.constant dense<0.000000e+00> : vector<10000x48xf32>
    %dot_general3A_16 = tpu.matmul %add3A_12, %get3A_15, %dot_general3A {dimension_numbers = #tpu.dot_dimension_numbers<[1], [0], [0], [1], [0, 0, 1, 1], [], []>, transpose_lhs_hint = false} : vector<10000x128xf32>, vector<128x48xf32>, vector<10000x48xf32> -> vector<10000x48xf32>
    %get3A_17 = arith.constant 0 : index
    %get3A_18 = arith.constant 0 : index
    %get3A_19 = vector.load %arg2[%get3A_17, %get3A_18] : memref<10000x1xf32, #tpu.memory_space<vmem>>, vector<10000x1xf32>
    %mul3A = vector.broadcast %get3A_19 : vector<10000x1xf32> to vector<10000x48xf32>
    %mul3A_20 = arith.mulf %dot_general3A_16, %mul3A : vector<10000x48xf32>
    %get3A_21 = arith.constant 0 : index
    %get3A_22 = arith.constant 0 : index
    %get3A_23 = vector.load %arg3[%get3A_21, %get3A_22] : memref<1x48xf32, #tpu.memory_space<vmem>>, vector<1x48xf32>
    %add3A_24 = vector.broadcast %get3A_23 : vector<1x48xf32> to vector<10000x48xf32>
    %add3A_25 = arith.addf %mul3A_20, %add3A_24 : vector<10000x48xf32>
    %swap3A = arith.constant 0 : index
    %swap3A_26 = arith.constant 0 : index
    %swap3A_27 = vector.load %arg5[%swap3A, %swap3A_26] : memref<10000x48xf32, #tpu.memory_space<vmem>>, vector<10000x48xf32>
    tpu.vector_store %arg5[%swap3A, %swap3A_26], %add3A_25 {strides = array<i32>} : memref<10000x48xf32, #tpu.memory_space<vmem>>, vector<10000x48xf32>,
    return
  }
}

</mosaic_0001>

<sc_bundles>
// kernel: _run.11.cloned.1.call-start
scs
__scs_entry_jumppad:
0x0: {  	(pc) =	sbr.rel $0x88, $3  }
0x1: {  	(tag) =	ssettag $0x0;
	lr =	simm.s32 $0x1  }
0x2: {  	[smem:$0x3F9B] =	sst lr;
	_ =	strace $0xD0000000  }
0x3: {  	_ = 	snop  }
0x4: {  	_ = 	snop  }
0x5: {  	_ = 	snop  }
0x6: {  	_ = 	snop  }
0x7: {  	_ = 	snop  }
__scs_overlays_trampoline_lowered:
0x8: {  	[smem:$0x3FAA] =	sst s0  }
0x9: {  	[smem:$0x3FAB] =	sst s1  }
0xa: {  	[smem:$0x3FAC] =	sst s2  }
0xb: {  	[smem:$0x3FAD] =	sst s3  }
0xc: {  	[smem:$0x3FAE] =	sst s4  }
0xd: {  	[smem:$0x3FAF] =	sst s5  }
0xe: {  	[smem:$0x3FB0] =	sst s6  }
0xf: {  	[smem:$0x3FB1] =	sst s7  }
0x10: {  	[smem:$0x3FB2] =	sst s8  }
0x11: {  	[smem:$0x3FB3] =	sst s9;
	s0 =	simm.s32 @!p0 $0x0  }
0x12: {  	s1 =	sld [smem:$0x3F99];
	s0 =	simm.s32 @p0 $0x1  }
0x13: {  	[smem:$0x3FB4] =	sst s0;
	s0 =	simm.s32 @!p1 $0x0  }
0x14: {  	s2 =	sld [smem:$0x3F98];
	s0 =	simm.s32 @p1 $0x1  }
0x15: {  	[smem:$0x3FB5] =	sst s0;
	s0 =	simm.s32 @!p2 $0x0  }
0x16: {  	s3 =	sld [smem:$0x3FDB];
	s0 =	simm.s32 @p2 $0x1  }
0x17: {  	s4 =	simm.s32 $0x1BF5;
	[smem:$0x3FB7] =	sst s0  }
0x18: {  	s0 =	sld [smem:$0x3F9A];
	_ =	swait.ge [sflag:s4], $0x0  }
0x19: {  	s7 =	sld [smem:$0x3F9B]  }
0x1a: {  	s8 =	sadd.s32 $0xFFFFE003, lr  }
0x1b: {  	s9 =	sadd.s32 $0xFFFFFEF7, lr;
	s5 =	simm.s32 $0xFFFFFFFF;
	p2 =	slt.u32 s8, $0xFFFFF086  }
0x1c: {  	p1 =	slt.u32 s9, $0xF7A;
	s5 =	simm.s32 @!p2 $0x0  }
0x1d: {  	s5 =	simm.s32 @p1 $0x1;
	p0 =	seq.s32 s7, s2  }
0x1e: {  	s7 =	smul.u32 @!p0 $0xF7A, s2;
	p2 =	seq.s32 @!p0 s5, $0x0  }
0x1f: {  	s9 =	smul.u32 $0xF7A, s1;
	s8 =	simm.s32 @!p0 $0x1BF5;
	p2 =	por !p2, p0  }
0x20: {  	[sflag:s8] =	ssyncset.s32 @!p0 $0xFFFFF086;
	s6 =	sadd.s32 @!p0 s3, s7;
	s7 =	simm.s32 @!p0 $0x108  }
0x21: {  	s3 =	sadd.s32 s3, s9;
	s6 =	sadd.s32 @!p0 $0x88, s6;
	s7 =	simm.s32 @p2 $0x1082  }
0x22: {  	[simem:s7], [sflag:s8] =	dma.local @!p0 [hbm:s6], $0xF7A  }
0x23: {  	s9 =	sor.u32 $0xD0000000, s2;
	s6 =	simm.s32 $0x108;
	_ =	swait.ge @!p0 [sflag:s8], $0x0  }
0x24: {  	s3 =	sadd.s32 $0x88, s3;
	s6 =	simm.s32 @!p1 $0x1082;
	[sflag:s4] =	ssyncset.s32 $0xFFFFF086  }
0x25: {  	[simem:s6], [sflag:s4] =	dma.local [hbm:s3], $0xF7A  }
0x26: {  	[smem:$0x3F9B] =	sst s1;
	(tag) =	ssettag s2;
	_ =	strace s9  }
0x27: {  	s1 =	sld [smem:$0x3FAB]  }
0x28: {  	s2 =	sld [smem:$0x3FAC]  }
0x29: {  	s4 =	sld [smem:$0x3FAE]  }
0x2a: {  	p0 =	seq.s32 s5, $0x0;
	s5 =	sld [smem:$0x3FAF]  }
0x2b: {  	s6 =	sld [smem:$0x3FB0]  }
0x2c: {  	s7 =	sld [smem:$0x3FB1]  }
0x2d: {  	s3 =	simm.s32 $0x108;
	s8 =	sld [smem:$0x3FB2]  }
0x2e: {  	s3 =	simm.s32 @!p0 $0x1082;
	s9 =	sld [smem:$0x3FB3]  }
0x2f: {  	lr =	sadd.s32 s0, s3;
	s0 =	sld [smem:$0x3FAA]  }
0x30: {  	s3 =	sld [smem:$0x3FAD]  }
0x31: {  	[smem:$0x3FB6] =	sst s10  }
0x32: {  	s10 =	sld [smem:$0x3FB4];
	_ =	sdelay $0x3  }
0x33: {  	p0 =	seq.s32 s10, $0x1;
	s10 =	sld [smem:$0x3FB6];
	_ =	sdelay $0x3  }
0x34: {  	[smem:$0x3FB6] =	sst s10  }
0x35: {  	s10 =	sld [smem:$0x3FB5];
	_ =	sdelay $0x3  }
0x36: {  	p1 =	seq.s32 s10, $0x1;
	s10 =	sld [smem:$0x3FB6];
	_ =	sdelay $0x3  }
0x37: {  	[smem:$0x3FB6] =	sst s10  }
0x38: {  	s10 =	sld [smem:$0x3FB7]  }
0x39: {  	_ = 	snop;
	(pc) =	sbr.ind lr, $3  }
0x3a: {  	_ = 	snop  }
0x3b: {  	_ = 	snop  }
0x3c: {  	p2 =	seq.s32 s10, $0x1;
	s10 =	sld [smem:$0x3FB6]  }
0x3d: {  	_ =	shalt  }
0x3e: {  	_ =	shalt  }
0x3f: {  	_ =	shalt  }
0x40: {  	_ =	shalt  }
0x41: {  	_ =	shalt  }
0x42: {  	_ =	shalt  }
0x43: {  	_ =	shalt  }
0x44: {  	_ =	shalt  }
0x45: {  	_ =	shalt  }
0x46: {  	_ =	shalt  }
0x47: {  	_ =	shalt  }
0x48: {  	_ =	shalt  }
0x49: {  	_ =	shalt  }
0x4a: {  	_ =	shalt  }
0x4b: {  	_ =	shalt  }
0x4c: {  	_ =	shalt  }
0x4d: {  	_ =	shalt  }
0x4e: {  	_ =	shalt  }
0x4f: {  	_ =	shalt  }
0x50: {  	_ =	shalt  }
0x51: {  	_ =	shalt  }
0x52: {  	_ =	shalt  }
0x53: {  	_ =	shalt  }
0x54: {  	_ =	shalt  }
0x55: {  	_ =	shalt  }
0x56: {  	_ =	shalt  }
0x57: {  	_ =	shalt  }
0x58: {  	_ =	shalt  }
0x59: {  	_ =	shalt  }
0x5a: {  	_ =	shalt  }
0x5b: {  	_ =	shalt  }
0x5c: {  	_ =	shalt  }
0x5d: {  	_ =	shalt  }
0x5e: {  	_ =	shalt  }
0x5f: {  	_ =	shalt  }
0x60: {  	_ =	shalt  }
0x61: {  	_ =	shalt  }
0x62: {  	_ =	shalt  }
0x63: {  	_ =	shalt  }
0x64: {  	_ =	shalt  }
0x65: {  	_ =	shalt  }
0x66: {  	_ =	shalt  }
0x67: {  	_ =	shalt  }
0x68: {  	_ =	shalt  }
0x69: {  	_ =	shalt  }
0x6a: {  	_ =	shalt  }
0x6b: {  	_ =	shalt  }
0x6c: {  	_ =	shalt  }
0x6d: {  	_ =	shalt  }
0x6e: {  	_ =	shalt  }
0x6f: {  	_ =	shalt  }
0x70: {  	_ =	shalt  }
0x71: {  	_ =	shalt  }
0x72: {  	_ =	shalt  }
0x73: {  	_ =	shalt  }
0x74: {  	_ =	shalt  }
0x75: {  	_ =	shalt  }
0x76: {  	_ =	shalt  }
0x77: {  	_ =	shalt  }
0x78: {  	_ =	shalt  }
0x79: {  	_ =	shalt  }
0x7a: {  	_ =	shalt  }
0x7b: {  	_ =	shalt  }
0x7c: {  	_ =	shalt  }
0x7d: {  	_ =	shalt  }
0x7e: {  	_ =	shalt  }
0x7f: {  	_ =	shalt  }
0x80: {  	_ =	shalt  }
0x81: {  	_ =	shalt  }
0x82: {  	_ =	shalt  }
0x83: {  	_ =	shalt  }
0x84: {  	_ =	shalt  }
0x85: {  	_ =	shalt  }
0x86: {  	_ =	shalt  }
0x87: {  	_ =	shalt  }
.Lfunc_end0:
.L_simem_size_0:
called_computation.1_lowered:
.L_overlay_start_0:
0x88: {  	s2 =	sld [smem:$0x3FD9]  }
0x89: {  	s3 =	sld [smem:$0x3FFE];
	_ =	sdelay $0x1  }
0x8a: {  	s1 =	srdreg.scid  }
0x8b: {  	s0 =	sand.u32 $0x1, s1  }
0x8c: {  	s17 =	sshll.u32 s0, $0xA;
	s2 =	sadd.s32 s3, s2  }
0x8d: {  	s2 =	sadd.s32 s2, s17  }
0x8e: {  	[smem:$0x3FC2] =	sst s2  }
0x8f: {  	_ = 	snop  }
0x90: {  	s2 =	sld [smem:$0x3FD0];
	(tm) =	ssettm $0x1  }
0x91: {  	s18 =	sld [smem:$0x3FFB];
	_ =	sdelay $0x3  }
0x92: {  	_ =	strace s18  }
0x93: {  	s3 =	sld [smem:$0x3FFC];
	_ =	sdelay $0x3  }
0x94: {  	_ =	strace s3  }
0x95: {  	s3 =	sld [smem:$0x3FFD];
	_ =	sdelay $0x3  }
0x96: {  	_ =	strace s3  }
0x97: {  	_ =	strace $0x8FFFFFFF  }
0x98: {  	s19 =	sld [smem:$0x3FDB];
	_ =	sdelay $0x1  }
0x99: {  	s4 =	simm.s32 $_scs_section_size  }
0x9a: {  	s5 =	simm.s32 $_size__tile_overlayer_lowered;
	s6 =	simm.s32 $_tile_overlayer_lowered  }
0x9b: {  	s22 =	simm.s32 $0x1BFF;
	s21 =	sshll.u32 s6, $0x1;
	s3 =	sadd.s32 s4, s19  }
0x9c: {  	s7 =	simm.s32 $0x0;
	s20 =	sshll.u32 s5, $0x1;
	s5 =	sadd.s32 s21, s3  }
0x9d: {  	[timem:s7], [sflag:s22] =	dma.local [hbm:s5], s20  }
0x9e: {  	_ =	swait.ge [sflag:s22], s20  }
0x9f: {  	s4 =	ssub.s32 $0x0, s20;
	[sflag:s22] =	ssyncset.done $0x0  }
0xa0: {  	[sflag:s22] =	ssyncadd.s32 s4;
	_ =	sdelay $0x1  }
0xa1: {  	s23 =	simm.s32 $0x1B8B  }
0xa2: {  	_ =	swait.ge [sflag:s23], $0x1  }
0xa3: {  	[sflag:s23] =	ssyncset.done $0x0  }
0xa4: {  	s25 =	simm.s32 $0x1B8E;
	s24 =	sld [smem:$0x3FFE];
	[sflag:s23] =	ssyncadd.s32 $0xFFFFFFFF  }
0xa5: {  	s26 =	simm.s32 $execute0_lowered;
	[smem:$0x3FD2] =	sst s25  }
0xa6: {  	s5 =	sshll.u32 s26, $0x1;
	_ =	strace $0x80000049;
	[dreg:$0x1] =	wrdreg $0xFFFFFFFF  }
0xa7: {  	s28 =	simm.s32 $_size_execute0_lowered;
	s3 =	sadd.s32 s3, s5;
	[dreg:$0x0] =	wrdreg $0x0  }
0xa8: {  	s5 =	sshll.u32 s28, $0x1;
	[dreg:$0x2] =	wrdreg s3  }
0xa9: {  	[dreg:$0x3] =	wrdreg s5  }
0xaa: {  	[dreg:$0x4] =	wrdreg $0xC0  }
0xab: {  	_ =	task [dreg:s7], $0x5FFFF  }
0xac: {  	[dreg:$0x1] =	wrdreg $0xFFFFFFFF  }
0xad: {  	[dreg:$0x0] =	wrdreg $0x60  }
0xae: {  	[dreg:$0x2] =	wrdreg s24  }
0xaf: {  	[dreg:$0x3] =	wrdreg s2  }
0xb0: {  	[dreg:$0x4] =	wrdreg $0x82000  }
0xb1: {  	[dreg:$0x5] =	wrdreg $0x9  }
0xb2: {  	_ =	task.clear_ibuf [dreg:s7], $0x6FFFF;
	_ =	strace $0x90000049  }
0xb3: {  	s29 =	simm.s32 $0x9;
	_ =	strace $0x8000004B  }
0xb4: {  	_ =	swait.ge [sflag:s29], $0x1  }
0xb5: {  	[sflag:s29] =	ssyncadd.s32 $0xFFFFFFFF  }
0xb6: {  	_ =	strace $0x9000004B  }
0xb7: {  	_ =	sfence  }
0xb8: {  	s30 =	sld [smem:$0x0];
	_ =	sdelay $0x2  }
0xb9: {  	s31 =	sshll.u32 s1, $0xD;
	s1 =	sshrl.u32 s1, $0x2  }
0xba: {  	s3 =	sand.u32 $0x4000, s31;
	s1 =	sadd.s32 s1, s30  }
0xbb: {  	s0 =	sor.u32 s3, s0;
	s1 =	sshll.u32 s1, $0x11  }
0xbc: {  	s0 =	sor.u32 s1, s0  }
0xbd: {  	s0 =	sadd.s32 $0x8F2B, s0  }
0xbe: {  	[sflag:s0] =	ssyncadd.remote.s32 $0x1  }
0xbf: {  	_ =	sfence.sel $0xFFFF  }
0xc0: {  	[dreg:$0x0] =	wrdreg $0xFFFFFFFF;
	(pc) =	sbr.abs _section_cstart, $3  }
0xc1: {  	[dreg:$0x1] =	wrdreg $0xFFFFFFFF  }
0xc2: {  	_ =	task.clear_ibuf [dreg:s7], $0x2FFFF;
	_ =	strace $0x9FFFFFFF  }
0xc3: {  	(tm) =	ssettm $0x7FFFFFFF  }
tec
execute0_lowered:
.L_overlay_start_1:
0x0: {  	(tag) =	ssettag $0x1  }
0x1: {  	s0 =	rddreg [dreg:$0x0]  }
0x2: {  	s3 =	rddreg [dreg:$0x1]  }
0x3: {  	s1 =	rddreg [dreg:$0x2]  }
0x4: {  	s2 =	simm.s32 $0x0;
	s5 =	srdreg.scid;
	s22 =	stileid.u32  }
0x5: {  	s28 =	simm.s32 $0x1;
	s29 =	simm.s32 $0x4200;
	s30 =	simm.s32 $0x2  }
0x6: {  	s31 =	simm.s32 $0x0;
	[smem:$0x7FF] =	sst s2;
	s4 =	sadd.s32 $0x2400, s0  }
0x7: {  	s12 =	sand.u32 $0x1, s5;
	s19 =	smul.u32 $0x4E000, s22;
	s21 =	sadd.s32 $0x50600, s0  }
0x8: {  	s0 =	sadd.s32 $0x5A600, s0;
	s10 =	sadd.s32 $0x138000, s1;
	s16 =	smul.u32 $0x13800, s22  }
0x9: {  	p0 =	sne.s32 s22, $0x0;
	_ =	strace $0x8000004A;
	s15 =	smul.u32 $0x138800, s12  }
0xa: {  	s6 =	ssub.s32 $0x2, s12;
	s8 =	sshll.u32 s12, $0x4;
	s18 =	smul.u32 $0x28000, s12  }
0xb: {  	s7 =	sshrl.u32 s6, $0x1;
	s5 =	sshrl.u32 s19, $0x2;
	s20 =	sor.u32 s22, s8  }
0xc: {  	s19 =	smul.u32 $0x2800, s22;
	s22 =	simm.s32 $0x200;
	s17 =	ssub.s32 s6, s7  }
0xd: {  	s5 =	sadd.s32 s5, s1;
	s11 =	smul.u32 $0x2800, s20;
	s16 =	sadd.s32 s16, s15  }
0xe: {  	s15 =	sshrl.u32 s15, $0x3;
	s23 =	sadd.s32 $0x4000, s5;
	s7 =	sadd.s32 $0x8000, s5  }
0xf: {  	s8 =	sadd.s32 $0xC000, s5;
	s9 =	sadd.s32 $0x10000, s5;
	s16 =	sshrl.u32 s16, $0x3  }
0x10: {  	s20 =	sadd.s32 s0, s15;
	s18 =	sadd.s32 s19, s18;
	s17 =	smax.u32 s17, $0x1  }
0x11: {  	[dreg:$0x4] =	wrdreg s23;
	s13 =	sshrl.u32 s11, $0x3;
	s15 =	sadd.s32 s0, s16  }
0x12: {  	s16 =	sadd.s32 $0x27000, s20;
	s24 =	sor.u32 $0x180, s18;
	s25 =	sor.u32 $0x100, s18  }
0x13: {  	s23 =	simm.s32 $0x3;
	s11 =	sadd.s32 s21, s13;
	s14 =	sor.u32 $0x10, s13  }
0x14: {  	s12 =	sadd.s32 s3, s13;
	s0 =	sshrl.u32 s24, $0x3;
	s26 =	sshrl.u32 s25, $0x3  }
0x15: {  	s24 =	simm.s32 $0x100;
	s25 =	simm.s32 $0x80;
	s13 =	sadd.s32 s21, s14  }
0x16: {  	s14 =	sadd.s32 s3, s14;
	s18 =	sadd.s32 s0, s3;
	s19 =	sadd.s32 s0, s21  }
0x17: {  	v0 =	vimm.f32 $0.0e+00;
	s20 =	sadd.s32 s26, s3;
	s21 =	sadd.s32 s26, s21;
	s26 =	simm.s32 $0x180  }
.LBB2_1:
0x18: {  	s0 =	simm.s32 $0x0;
	s3 =	simm.s32 $0x200  }
.LBB2_2:
0x19: {  	p1 =	sne.s32 s3, $0xFE00;
	[tilespmem:s0+$0x270] =	vst v0  }
0x1a: {  	[tilespmem:s0+$0x200] =	vst v0  }
0x1b: {  	[tilespmem:s0+$0x210] =	vst v0  }
.Ltmp0:
0x1c: {  	[tilespmem:s0+$0x220] =	vst v0;
	(pc) =	sbr.rel @p1 .LBB2_2-.Ltmp0, $4  }
0x1d: {  	[tilespmem:s0+$0x230] =	vst v0  }
0x1e: {  	[tilespmem:s0+$0x240] =	vst v0  }
0x1f: {  	[tilespmem:s0+$0x250] =	vst v0  }
0x20: {  	[tilespmem:s0+$0x260] =	vst v0;
	s0 =	sshra.s32 s3, $0x2;
	s3 =	sadd.s32 $0x200, s3  }
0x21: {  	[tilespmem:s0+$0x270] =	vst v0  }
0x22: {  	[tilespmem:s0+$0x200] =	vst v0  }
0x23: {  	[tilespmem:s0+$0x210] =	vst v0  }
0x24: {  	[tilespmem:s0+$0x220] =	vst v0  }
0x25: {  	[tilespmem:s0+$0x230] =	vst v0  }
0x26: {  	[tilespmem:s0+$0x240] =	vst v0  }
0x27: {  	[tilespmem:s0+$0x250] =	vst v0  }
0x28: {  	[tilespmem:s0+$0x260] =	vst v0  }
0x29: {  	[spmem:s5] =	stream.linear.scatter [tilespmem:s22], [sflag:$0x3], $0x4000, $0x38;
	[tilespmem:$0x1BB00] =	vst v63  }
0x2a: {  	_ =	swait.ge [sflag:s23], $0x4000  }
0x2b: {  	[sflag:s23] =	ssyncset.done $0x0  }
0x2c: {  	s3 =	rddreg [dreg:$0x4];
	[sflag:s23] =	ssyncadd.s32 $0xFFFFC000  }
0x2d: {  	[spmem:s3] =	stream.linear.scatter [tilespmem:s22], [sflag:$0x3], $0x4000, $0x38;
	[tilespmem:$0x1BB00] =	vst v63  }
0x2e: {  	_ =	swait.ge [sflag:s23], $0x4000  }
0x2f: {  	[sflag:s23] =	ssyncset.done $0x0  }
0x30: {  	[sflag:s23] =	ssyncadd.s32 $0xFFFFC000  }
0x31: {  	[spmem:s7] =	stream.linear.scatter [tilespmem:s22], [sflag:$0x3], $0x4000, $0x38;
	[tilespmem:$0x1BB00] =	vst v63  }
0x32: {  	_ =	swait.ge [sflag:s23], $0x4000  }
0x33: {  	[sflag:s23] =	ssyncset.done $0x0  }
0x34: {  	[sflag:s23] =	ssyncadd.s32 $0xFFFFC000  }
0x35: {  	[spmem:s8] =	stream.linear.scatter [tilespmem:s22], [sflag:$0x3], $0x4000, $0x38;
	[tilespmem:$0x1BB00] =	vst v63  }
0x36: {  	_ =	swait.ge [sflag:s23], $0x4000  }
0x37: {  	[sflag:s23] =	ssyncset.done $0x0  }
0x38: {  	[sflag:s23] =	ssyncadd.s32 $0xFFFFC000  }
0x39: {  	[spmem:s9] =	stream.linear.scatter [tilespmem:s22], [sflag:$0x3], $0x3800, $0x38;
	[tilespmem:$0x1BB00] =	vst v63  }
0x3a: {  	_ =	swait.ge [sflag:s23], $0x3800  }
0x3b: {  	[sflag:s23] =	ssyncset.done $0x0  }
0x3c: {  	s0 =	simm.s32 @!p0 $0x200;
	[sflag:s23] =	ssyncadd.s32 $0xFFFFC800  }
0x3d: {  	[spmem:s10] =	stream.linear.scatter @!p0 [tilespmem:s0], [sflag:$0x3], $0x1000, $0x38;
	[tilespmem:$0x1BB00] =	vst v63  }
0x3e: {  	s0 =	simm.s32 @!p0 $0x3  }
0x3f: {  	_ =	swait.ge @!p0 [sflag:s0], $0x1000  }
0x40: {  	[sflag:s0] =	ssyncset.done @!p0 $0x0  }
0x41: {  	[sflag:s0] =	ssyncadd.s32 @!p0 $0xFFFFF000  }
0x42: {  	s6 =	simm.s32 $0x0;
	[bflag:$0x0] =	sbarrier.arrive $0xFFFF  }
0x43: {  	[tilespmem:s6], [sflag:$0x3] =	stream.linear.gather [hbm4b:s11+s6], $0x80, $0x38;
	[tilespmem:$0x1BB00] =	vst v63  }
0x44: {  	_ =	swait.ge [sflag:s23], $0x80  }
0x45: {  	[sflag:s23] =	ssyncset.done $0x0  }
0x46: {  	[sflag:s23] =	ssyncadd.s32 $0xFFFFFF80  }
0x47: {  	[tilespmem:s24], [sflag:$0x3] =	stream.linear.gather [hbm4b:s12+s6], $0x80, $0x38;
	[tilespmem:$0x1BB00] =	vst v63  }
0x48: {  	_ =	swait.ge [sflag:s23], $0x80  }
0x49: {  	[sflag:s23] =	ssyncset.done $0x0  }
0x4a: {  	[sflag:s23] =	ssyncadd.s32 $0xFFFFFF80  }
0x4b: {  	[tilespmem:s25], [sflag:$0x3] =	stream.linear.gather [hbm4b:s13+s6], $0x80, $0x38;
	[tilespmem:$0x1BB00] =	vst v63  }
0x4c: {  	_ =	swait.ge [sflag:s23], $0x80  }
0x4d: {  	[sflag:s23] =	ssyncset.done $0x0  }
0x4e: {  	[sflag:s23] =	ssyncadd.s32 $0xFFFFFF80  }
0x4f: {  	[tilespmem:s26], [sflag:$0x3] =	stream.linear.gather [hbm4b:s14+s6], $0x80, $0x38;
	[tilespmem:$0x1BB00] =	vst v63  }
0x50: {  	_ =	swait.ge [sflag:s23], $0x80  }
0x51: {  	[sflag:s23] =	ssyncset.done $0x0  }
0x52: {  	[sflag:s23] =	ssyncadd.s32 $0xFFFFFF80  }
0x53: {  	[tilespmem:s22], [sflag:$0x1] =	stream.indirect.gather [hbm4b:s4+s25], $0x80, s6, s25, $0xb8;
	[tilespmem:$0x1BB00] =	vst v63  }
0x54: {  	_ =	swait.ge [sflag:s28], $0x4000  }
0x55: {  	[sflag:s28] =	ssyncset.done $0x0  }
0x56: {  	[sflag:s28] =	ssyncadd.s32 $0xFFFFC000  }
0x57: {  	[tilespmem:s29], [sflag:$0x2] =	stream.indirect.gather [hbm4b:s4+s25], $0x80, s25, s25, $0xb8;
	[tilespmem:$0x1BB00] =	vst v63  }
0x58: {  	_ = 	snop  }
0x59: {  	[spmem:s1] =	stream.indirect.scatter.add.f32 [tilespmem:s22], [sflag:$0x3], $0x80, s24, s25, $0xb8;
	[tilespmem:$0x1BB00] =	vst v63  }
0x5a: {  	_ =	swait.ge [sflag:s23], $0x4000  }
0x5b: {  	[sflag:s23] =	ssyncset.done $0x0  }
0x5c: {  	s3 =	sadd.s32 $0x0, s21;
	[sflag:s23] =	ssyncadd.s32 $0xFFFFC000  }
0x5d: {  	[tilespmem:s2], [sflag:$0x3] =	stream.linear.gather [hbm4b:s3+s2], $0x80, $0x38;
	[tilespmem:$0x1BB00] =	vst v63  }
0x5e: {  	_ =	swait.ge [sflag:s23], $0x80  }
0x5f: {  	[sflag:s23] =	ssyncset.done $0x0  }
0x60: {  	s6 =	sadd.s32 $0x0, s20;
	[sflag:s23] =	ssyncadd.s32 $0xFFFFFF80  }
0x61: {  	[tilespmem:s24], [sflag:$0x3] =	stream.linear.gather [hbm4b:s6+s2], $0x80, $0x38;
	[tilespmem:$0x1BB00] =	vst v63  }
0x62: {  	_ =	swait.ge [sflag:s23], $0x80  }
0x63: {  	[sflag:s23] =	ssyncset.done $0x0  }
0x64: {  	[sflag:s23] =	ssyncadd.s32 $0xFFFFFF80  }
0x65: {  	_ =	swait.ge [sflag:s30], $0x4000  }
0x66: {  	[sflag:s30] =	ssyncset.done $0x0  }
0x67: {  	[sflag:s30] =	ssyncadd.s32 $0xFFFFC000  }
0x68: {  	[tilespmem:s22], [sflag:$0x1] =	stream.indirect.gather [hbm4b:s4+s25], $0x80, s2, s25, $0xb8;
	[tilespmem:$0x1BB00] =	vst v63  }
0x69: {  	_ = 	snop  }
0x6a: {  	[spmem:s1] =	stream.indirect.scatter.add.f32 [tilespmem:s29], [sflag:$0x3], $0x80, s26, s25, $0xb8;
	[tilespmem:$0x1BB00] =	vst v63  }
0x6b: {  	_ =	swait.ge [sflag:s23], $0x4000  }
0x6c: {  	[sflag:s23] =	ssyncset.done $0x0  }
0x6d: {  	s3 =	sadd.s32 $0x0, s19;
	[sflag:s23] =	ssyncadd.s32 $0xFFFFC000  }
0x6e: {  	[tilespmem:s25], [sflag:$0x3] =	stream.linear.gather [hbm4b:s3+s2], $0x80, $0x38;
	[tilespmem:$0x1BB00] =	vst v63  }
0x6f: {  	_ =	swait.ge [sflag:s23], $0x80  }
0x70: {  	[sflag:s23] =	ssyncset.done $0x0  }
0x71: {  	s6 =	sadd.s32 $0x0, s18;
	[sflag:s23] =	ssyncadd.s32 $0xFFFFFF80  }
0x72: {  	[tilespmem:s26], [sflag:$0x3] =	stream.linear.gather [hbm4b:s6+s2], $0x80, $0x38;
	[tilespmem:$0x1BB00] =	vst v63  }
0x73: {  	_ =	swait.ge [sflag:s23], $0x80  }
0x74: {  	s0 =	simm.s32 $0x20;
	[sflag:s23] =	ssyncset.done $0x0  }
.LBB2_4:
0x75: {  	p1 =	sne.s32 s0, $0x4C0  }
0x76: {  	[sflag:s23] =	ssyncadd.s32 $0xFFFFFF80;
	s3 =	smov.u32 s0;
	s0 =	sadd.s32 $0x20, s0  }
0x77: {  	_ =	swait.ge [sflag:s28], $0x4000  }
0x78: {  	[sflag:s28] =	ssyncset.done $0x0  }
0x79: {  	[sflag:s28] =	ssyncadd.s32 $0xFFFFC000  }
0x7a: {  	[tilespmem:s29], [sflag:$0x2] =	stream.indirect.gather [hbm4b:s4+s25], $0x80, s25, s25, $0xb8;
	[tilespmem:$0x1BB00] =	vst v63  }
0x7b: {  	_ = 	snop  }
0x7c: {  	[spmem:s1] =	stream.indirect.scatter.add.f32 [tilespmem:s22], [sflag:$0x3], $0x80, s24, s25, $0xb8;
	[tilespmem:$0x1BB00] =	vst v63  }
0x7d: {  	_ =	swait.ge [sflag:s23], $0x4000  }
0x7e: {  	[sflag:s23] =	ssyncset.done $0x0  }
0x7f: {  	s6 =	sadd.s32 s3, s21;
	[sflag:s23] =	ssyncadd.s32 $0xFFFFC000  }
0x80: {  	[tilespmem:s2], [sflag:$0x3] =	stream.linear.gather [hbm4b:s6+s2], $0x80, $0x38;
	[tilespmem:$0x1BB00] =	vst v63  }
0x81: {  	_ =	swait.ge [sflag:s23], $0x80  }
0x82: {  	[sflag:s23] =	ssyncset.done $0x0  }
0x83: {  	s6 =	sadd.s32 s3, s20;
	[sflag:s23] =	ssyncadd.s32 $0xFFFFFF80  }
0x84: {  	[tilespmem:s24], [sflag:$0x3] =	stream.linear.gather [hbm4b:s6+s2], $0x80, $0x38;
	[tilespmem:$0x1BB00] =	vst v63  }
0x85: {  	_ =	swait.ge [sflag:s23], $0x80  }
0x86: {  	[sflag:s23] =	ssyncset.done $0x0  }
0x87: {  	[sflag:s23] =	ssyncadd.s32 $0xFFFFFF80  }
0x88: {  	_ =	swait.ge [sflag:s30], $0x4000  }
0x89: {  	[sflag:s30] =	ssyncset.done $0x0  }
0x8a: {  	[sflag:s30] =	ssyncadd.s32 $0xFFFFC000  }
0x8b: {  	[tilespmem:s22], [sflag:$0x1] =	stream.indirect.gather [hbm4b:s4+s25], $0x80, s2, s25, $0xb8;
	[tilespmem:$0x1BB00] =	vst v63  }
0x8c: {  	_ = 	snop  }
0x8d: {  	[spmem:s1] =	stream.indirect.scatter.add.f32 [tilespmem:s29], [sflag:$0x3], $0x80, s26, s25, $0xb8;
	[tilespmem:$0x1BB00] =	vst v63  }
0x8e: {  	_ =	swait.ge [sflag:s23], $0x4000  }
0x8f: {  	[sflag:s23] =	ssyncset.done $0x0  }
0x90: {  	s6 =	sadd.s32 s3, s19;
	[sflag:s23] =	ssyncadd.s32 $0xFFFFC000  }
0x91: {  	[tilespmem:s25], [sflag:$0x3] =	stream.linear.gather [hbm4b:s6+s2], $0x80, $0x38;
	[tilespmem:$0x1BB00] =	vst v63  }
0x92: {  	_ =	swait.ge [sflag:s23], $0x80  }
.Ltmp1:
0x93: {  	[sflag:s23] =	ssyncset.done $0x0;
	(pc) =	sbr.rel @p1 .LBB2_4-.Ltmp1, $4  }
0x94: {  	s3 =	sadd.s32 s3, s18;
	[sflag:s23] =	ssyncadd.s32 $0xFFFFFF80  }
0x95: {  	[tilespmem:s26], [sflag:$0x3] =	stream.linear.gather [hbm4b:s3+s2], $0x80, $0x38;
	[tilespmem:$0x1BB00] =	vst v63  }
0x96: {  	_ =	swait.ge [sflag:s23], $0x80  }
0x97: {  	[sflag:s23] =	ssyncset.done $0x0  }
0x98: {  	[sflag:s23] =	ssyncadd.s32 $0xFFFFFF80  }
0x99: {  	_ =	swait.ge [sflag:s28], $0x4000  }
0x9a: {  	[sflag:s28] =	ssyncset.done $0x0  }
0x9b: {  	[sflag:s28] =	ssyncadd.s32 $0xFFFFC000  }
0x9c: {  	[tilespmem:s29], [sflag:$0x2] =	stream.indirect.gather [hbm4b:s4+s25], $0x80, s25, s25, $0xb8;
	[tilespmem:$0x1BB00] =	vst v63  }
0x9d: {  	_ = 	snop  }
0x9e: {  	[spmem:s1] =	stream.indirect.scatter.add.f32 [tilespmem:s22], [sflag:$0x3], $0x80, s24, s25, $0xb8;
	[tilespmem:$0x1BB00] =	vst v63  }
0x9f: {  	_ =	swait.ge [sflag:s23], $0x4000  }
0xa0: {  	[sflag:s23] =	ssyncset.done $0x0  }
0xa1: {  	[sflag:s23] =	ssyncadd.s32 $0xFFFFC000  }
0xa2: {  	_ =	swait.ge [sflag:s30], $0x4000  }
0xa3: {  	[sflag:s30] =	ssyncset.done $0x0  }
0xa4: {  	[sflag:s30] =	ssyncadd.s32 $0xFFFFC000  }
0xa5: {  	[spmem:s1] =	stream.indirect.scatter.add.f32 [tilespmem:s29], [sflag:$0x3], $0x80, s26, s25, $0xb8;
	[tilespmem:$0x1BB00] =	vst v63  }
0xa6: {  	_ =	swait.ge [sflag:s23], $0x4000  }
0xa7: {  	s0 =	stileid.u32;
	[sflag:s23] =	ssyncset.done $0x0  }
0xa8: {  	s0 =	sshll.u32 s0, $0x6;
	[sflag:s23] =	ssyncadd.s32 $0xFFFFC000  }
0xa9: {  	s3 =	sshrl.u32 s5, $0x3;
	s0 =	sor.u32 $0x1C03, s0;
	[bflag:$0x0] =	sbarrier.arrive $0xFFFF  }
0xaa: {  	[hbm:s15], [sflag:s0] =	dma.local [spmem:s3], $0x2700  }
0xab: {  	_ =	swait.ge [sflag:s23], $0x2700  }
0xac: {  	s31 =	sadd.s32 $0x1, s31;
	[sflag:s23] =	ssyncset.done $0x0  }
0xad: {  	p1 =	sne.s32 s31, s17;
	s3 =	sshrl.u32 @!p0 s10, $0x3;
	[sflag:s23] =	ssyncadd.s32 $0xFFFFD900  }
0xae: {  	[hbm:s16], [sflag:s0] =	dma.local @!p0 [spmem:s3], $0x100  }
.Ltmp2:
0xaf: {  	_ = 	snop;
	(pc) =	sbr.rel @p1 .LBB2_1-.Ltmp2, $4  }
0xb0: {  	s0 =	simm.s32 @!p0 $0x3  }
0xb1: {  	_ =	swait.ge @!p0 [sflag:s0], $0x100  }
0xb2: {  	[sflag:s0] =	ssyncset.done @!p0 $0x0  }
0xb3: {  	[sflag:s0] =	ssyncadd.s32 @!p0 $0xFFFFFF00  }
0xb4: {  	_ =	sfence.sel $0x180000  }
0xb5: {  	[bflag:$0x0] =	sbarrier.arrive $0xFFFF  }
0xb6: {  	_ =	strace $0x9000004A  }
0xb7: {  	[bflag:$0x2] =	sbarrier.arrive $0xFFFF  }
0xb8: {  	s0 =	rddreg [dreg:$0x3]  }
0xb9: {  	s0 =	sadd.s32 @!p0 $0x100000, s0  }
0xba: {  	[sflag:s0] =	ssyncadd.tile.s32 @!p0 $0x1;
	_ =	shalt  }
.Lfunc_end2:
_tile_overlayer_lowered:
.L_overlay_start_2:
0xbb: {  	(tag) =	ssettag $0x2  }
0xbc: {  	s0 =	rddreg [dreg:$0x0];
	s2 =	stileid.u32  }
0xbd: {  	s1 =	rddreg [dreg:$0x1];
	p0 =	sne.s32 s2, $0x0  }
0xbe: {  	s3 =	rddreg [dreg:$0x2];
	[bflag:$0x3] =	sbarrier.arrive $0xFFFF;
	s2 =	simm.s32 @!p0 $0x1C03  }
0xbf: {  	[timem:s3], [sflag:s2] =	dma.local @!p0 [hbm:s0], s1  }
0xc0: {  	s0 =	simm.s32 @!p0 $0x3  }
0xc1: {  	_ =	swait.ge @!p0 [sflag:s0], s1  }
0xc2: {  	s1 =	ssub.s32 @!p0 $0x0, s1;
	[sflag:s0] =	ssyncset.done @!p0 $0x0  }
0xc3: {  	[sflag:s0] =	ssyncadd.s32 @!p0 s1  }
0xc4: {  	[bflag:$0x3] =	sbarrier.arrive $0xFFFF  }
0xc5: {  	_ =	shalt  }

// kernel: _run.14.cloned.1.call-start
scs
__scs_entry_jumppad:
0x0: {  	(pc) =	sbr.rel $0x88, $3  }
0x1: {  	(tag) =	ssettag $0x0;
	lr =	simm.s32 $0x1  }
0x2: {  	[smem:$0x3F9B] =	sst lr;
	_ =	strace $0xD0000000  }
0x3: {  	_ = 	snop  }
0x4: {  	_ = 	snop  }
0x5: {  	_ = 	snop  }
0x6: {  	_ = 	snop  }
0x7: {  	_ = 	snop  }
__scs_overlays_trampoline_lowered:
0x8: {  	[smem:$0x3FAA] =	sst s0  }
0x9: {  	[smem:$0x3FAB] =	sst s1  }
0xa: {  	[smem:$0x3FAC] =	sst s2  }
0xb: {  	[smem:$0x3FAD] =	sst s3  }
0xc: {  	[smem:$0x3FAE] =	sst s4  }
0xd: {  	[smem:$0x3FAF] =	sst s5  }
0xe: {  	[smem:$0x3FB0] =	sst s6  }
0xf: {  	[smem:$0x3FB1] =	sst s7  }
0x10: {  	[smem:$0x3FB2] =	sst s8  }
0x11: {  	[smem:$0x3FB3] =	sst s9;
	s0 =	simm.s32 @!p0 $0x0  }
0x12: {  	s1 =	sld [smem:$0x3F99];
	s0 =	simm.s32 @p0 $0x1  }
0x13: {  	[smem:$0x3FB4] =	sst s0;
	s0 =	simm.s32 @!p1 $0x0  }
0x14: {  	s2 =	sld [smem:$0x3F98];
	s0 =	simm.s32 @p1 $0x1  }
0x15: {  	[smem:$0x3FB5] =	sst s0;
	s0 =	simm.s32 @!p2 $0x0  }
0x16: {  	s3 =	sld [smem:$0x3FDB];
	s0 =	simm.s32 @p2 $0x1  }
0x17: {  	s4 =	simm.s32 $0x1BF5;
	[smem:$0x3FB7] =	sst s0  }
0x18: {  	s0 =	sld [smem:$0x3F9A];
	_ =	swait.ge [sflag:s4], $0x0  }
0x19: {  	s7 =	sld [smem:$0x3F9B]  }
0x1a: {  	s8 =	sadd.s32 $0xFFFFE003, lr  }
0x1b: {  	s9 =	sadd.s32 $0xFFFFFEF7, lr;
	s5 =	simm.s32 $0xFFFFFFFF;
	p2 =	slt.u32 s8, $0xFFFFF086  }
0x1c: {  	p1 =	slt.u32 s9, $0xF7A;
	s5 =	simm.s32 @!p2 $0x0  }
0x1d: {  	s5 =	simm.s32 @p1 $0x1;
	p0 =	seq.s32 s7, s2  }
0x1e: {  	s7 =	smul.u32 @!p0 $0xF7A, s2;
	p2 =	seq.s32 @!p0 s5, $0x0  }
0x1f: {  	s9 =	smul.u32 $0xF7A, s1;
	s8 =	simm.s32 @!p0 $0x1BF5;
	p2 =	por !p2, p0  }
0x20: {  	[sflag:s8] =	ssyncset.s32 @!p0 $0xFFFFF086;
	s6 =	sadd.s32 @!p0 s3, s7;
	s7 =	simm.s32 @!p0 $0x108  }
0x21: {  	s3 =	sadd.s32 s3, s9;
	s6 =	sadd.s32 @!p0 $0x88, s6;
	s7 =	simm.s32 @p2 $0x1082  }
0x22: {  	[simem:s7], [sflag:s8] =	dma.local @!p0 [hbm:s6], $0xF7A  }
0x23: {  	s9 =	sor.u32 $0xD0000000, s2;
	s6 =	simm.s32 $0x108;
	_ =	swait.ge @!p0 [sflag:s8], $0x0  }
0x24: {  	s3 =	sadd.s32 $0x88, s3;
	s6 =	simm.s32 @!p1 $0x1082;
	[sflag:s4] =	ssyncset.s32 $0xFFFFF086  }
0x25: {  	[simem:s6], [sflag:s4] =	dma.local [hbm:s3], $0xF7A  }
0x26: {  	[smem:$0x3F9B] =	sst s1;
	(tag) =	ssettag s2;
	_ =	strace s9  }
0x27: {  	s1 =	sld [smem:$0x3FAB]  }
0x28: {  	s2 =	sld [smem:$0x3FAC]  }
0x29: {  	s4 =	sld [smem:$0x3FAE]  }
0x2a: {  	p0 =	seq.s32 s5, $0x0;
	s5 =	sld [smem:$0x3FAF]  }
0x2b: {  	s6 =	sld [smem:$0x3FB0]  }
0x2c: {  	s7 =	sld [smem:$0x3FB1]  }
0x2d: {  	s3 =	simm.s32 $0x108;
	s8 =	sld [smem:$0x3FB2]  }
0x2e: {  	s3 =	simm.s32 @!p0 $0x1082;
	s9 =	sld [smem:$0x3FB3]  }
0x2f: {  	lr =	sadd.s32 s0, s3;
	s0 =	sld [smem:$0x3FAA]  }
0x30: {  	s3 =	sld [smem:$0x3FAD]  }
0x31: {  	[smem:$0x3FB6] =	sst s10  }
0x32: {  	s10 =	sld [smem:$0x3FB4];
	_ =	sdelay $0x3  }
0x33: {  	p0 =	seq.s32 s10, $0x1;
	s10 =	sld [smem:$0x3FB6];
	_ =	sdelay $0x3  }
0x34: {  	[smem:$0x3FB6] =	sst s10  }
0x35: {  	s10 =	sld [smem:$0x3FB5];
	_ =	sdelay $0x3  }
0x36: {  	p1 =	seq.s32 s10, $0x1;
	s10 =	sld [smem:$0x3FB6];
	_ =	sdelay $0x3  }
0x37: {  	[smem:$0x3FB6] =	sst s10  }
0x38: {  	s10 =	sld [smem:$0x3FB7]  }
0x39: {  	_ = 	snop;
	(pc) =	sbr.ind lr, $3  }
0x3a: {  	_ = 	snop  }
0x3b: {  	_ = 	snop  }
0x3c: {  	p2 =	seq.s32 s10, $0x1;
	s10 =	sld [smem:$0x3FB6]  }
0x3d: {  	_ =	shalt  }
0x3e: {  	_ =	shalt  }
0x3f: {  	_ =	shalt  }
0x40: {  	_ =	shalt  }
0x41: {  	_ =	shalt  }
0x42: {  	_ =	shalt  }
0x43: {  	_ =	shalt  }
0x44: {  	_ =	shalt  }
0x45: {  	_ =	shalt  }
0x46: {  	_ =	shalt  }
0x47: {  	_ =	shalt  }
0x48: {  	_ =	shalt  }
0x49: {  	_ =	shalt  }
0x4a: {  	_ =	shalt  }
0x4b: {  	_ =	shalt  }
0x4c: {  	_ =	shalt  }
0x4d: {  	_ =	shalt  }
0x4e: {  	_ =	shalt  }
0x4f: {  	_ =	shalt  }
0x50: {  	_ =	shalt  }
0x51: {  	_ =	shalt  }
0x52: {  	_ =	shalt  }
0x53: {  	_ =	shalt  }
0x54: {  	_ =	shalt  }
0x55: {  	_ =	shalt  }
0x56: {  	_ =	shalt  }
0x57: {  	_ =	shalt  }
0x58: {  	_ =	shalt  }
0x59: {  	_ =	shalt  }
0x5a: {  	_ =	shalt  }
0x5b: {  	_ =	shalt  }
0x5c: {  	_ =	shalt  }
0x5d: {  	_ =	shalt  }
0x5e: {  	_ =	shalt  }
0x5f: {  	_ =	shalt  }
0x60: {  	_ =	shalt  }
0x61: {  	_ =	shalt  }
0x62: {  	_ =	shalt  }
0x63: {  	_ =	shalt  }
0x64: {  	_ =	shalt  }
0x65: {  	_ =	shalt  }
0x66: {  	_ =	shalt  }
0x67: {  	_ =	shalt  }
0x68: {  	_ =	shalt  }
0x69: {  	_ =	shalt  }
0x6a: {  	_ =	shalt  }
0x6b: {  	_ =	shalt  }
0x6c: {  	_ =	shalt  }
0x6d: {  	_ =	shalt  }
0x6e: {  	_ =	shalt  }
0x6f: {  	_ =	shalt  }
0x70: {  	_ =	shalt  }
0x71: {  	_ =	shalt  }
0x72: {  	_ =	shalt  }
0x73: {  	_ =	shalt  }
0x74: {  	_ =	shalt  }
0x75: {  	_ =	shalt  }
0x76: {  	_ =	shalt  }
0x77: {  	_ =	shalt  }
0x78: {  	_ =	shalt  }
0x79: {  	_ =	shalt  }
0x7a: {  	_ =	shalt  }
0x7b: {  	_ =	shalt  }
0x7c: {  	_ =	shalt  }
0x7d: {  	_ =	shalt  }
0x7e: {  	_ =	shalt  }
0x7f: {  	_ =	shalt  }
0x80: {  	_ =	shalt  }
0x81: {  	_ =	shalt  }
0x82: {  	_ =	shalt  }
0x83: {  	_ =	shalt  }
0x84: {  	_ =	shalt  }
0x85: {  	_ =	shalt  }
0x86: {  	_ =	shalt  }
0x87: {  	_ =	shalt  }
.Lfunc_end0:
.L_simem_size_0:
called_computation.2_lowered:
.L_overlay_start_0:
0x88: {  	s2 =	sld [smem:$0x3FD9]  }
0x89: {  	s3 =	sld [smem:$0x3FFE];
	_ =	sdelay $0x1  }
0x8a: {  	s1 =	srdreg.scid  }
0x8b: {  	s0 =	sand.u32 $0x1, s1  }
0x8c: {  	s17 =	sshll.u32 s0, $0xA;
	s2 =	sadd.s32 s3, s2  }
0x8d: {  	s2 =	sadd.s32 s2, s17  }
0x8e: {  	[smem:$0x3FC2] =	sst s2  }
0x8f: {  	_ = 	snop  }
0x90: {  	s2 =	sld [smem:$0x3FD0];
	(tm) =	ssettm $0x1  }
0x91: {  	s18 =	sld [smem:$0x3FFB];
	_ =	sdelay $0x3  }
0x92: {  	_ =	strace s18  }
0x93: {  	s3 =	sld [smem:$0x3FFC];
	_ =	sdelay $0x3  }
0x94: {  	_ =	strace s3  }
0x95: {  	s3 =	sld [smem:$0x3FFD];
	_ =	sdelay $0x3  }
0x96: {  	_ =	strace s3  }
0x97: {  	_ =	strace $0x8FFFFFFF  }
0x98: {  	s19 =	sld [smem:$0x3FDB];
	_ =	sdelay $0x1  }
0x99: {  	s4 =	simm.s32 $_scs_section_size  }
0x9a: {  	s5 =	simm.s32 $_size__tile_overlayer_lowered;
	s6 =	simm.s32 $_tile_overlayer_lowered  }
0x9b: {  	s22 =	simm.s32 $0x1BFF;
	s21 =	sshll.u32 s6, $0x1;
	s3 =	sadd.s32 s4, s19  }
0x9c: {  	s7 =	simm.s32 $0x0;
	s20 =	sshll.u32 s5, $0x1;
	s5 =	sadd.s32 s21, s3  }
0x9d: {  	[timem:s7], [sflag:s22] =	dma.local [hbm:s5], s20  }
0x9e: {  	_ =	swait.ge [sflag:s22], s20  }
0x9f: {  	s4 =	ssub.s32 $0x0, s20;
	[sflag:s22] =	ssyncset.done $0x0  }
0xa0: {  	[sflag:s22] =	ssyncadd.s32 s4;
	_ =	sdelay $0x1  }
0xa1: {  	s23 =	simm.s32 $0x1B8B  }
0xa2: {  	_ =	swait.ge [sflag:s23], $0x1  }
0xa3: {  	[sflag:s23] =	ssyncset.done $0x0  }
0xa4: {  	s25 =	simm.s32 $0x1B8E;
	s24 =	sld [smem:$0x3FFE];
	[sflag:s23] =	ssyncadd.s32 $0xFFFFFFFF  }
0xa5: {  	s26 =	simm.s32 $execute0_lowered;
	[smem:$0x3FD2] =	sst s25  }
0xa6: {  	s5 =	sshll.u32 s26, $0x1;
	_ =	strace $0x8000004C;
	[dreg:$0x1] =	wrdreg $0xFFFFFFFF  }
0xa7: {  	s28 =	simm.s32 $_size_execute0_lowered;
	s3 =	sadd.s32 s3, s5;
	[dreg:$0x0] =	wrdreg $0x0  }
0xa8: {  	s5 =	sshll.u32 s28, $0x1;
	[dreg:$0x2] =	wrdreg s3  }
0xa9: {  	[dreg:$0x3] =	wrdreg s5  }
0xaa: {  	[dreg:$0x4] =	wrdreg $0xC0  }
0xab: {  	_ =	task [dreg:s7], $0x5FFFF  }
0xac: {  	[dreg:$0x1] =	wrdreg $0xFFFFFFFF  }
0xad: {  	[dreg:$0x0] =	wrdreg $0x60  }
0xae: {  	[dreg:$0x2] =	wrdreg s24  }
0xaf: {  	[dreg:$0x3] =	wrdreg s2  }
0xb0: {  	[dreg:$0x4] =	wrdreg $0x82000  }
0xb1: {  	[dreg:$0x5] =	wrdreg $0x9  }
0xb2: {  	_ =	task.clear_ibuf [dreg:s7], $0x6FFFF;
	_ =	strace $0x9000004C  }
0xb3: {  	s29 =	simm.s32 $0x9;
	_ =	strace $0x8000004E  }
0xb4: {  	_ =	swait.ge [sflag:s29], $0x1  }
0xb5: {  	[sflag:s29] =	ssyncadd.s32 $0xFFFFFFFF  }
0xb6: {  	_ =	strace $0x9000004E  }
0xb7: {  	_ =	sfence  }
0xb8: {  	s30 =	sld [smem:$0x0];
	_ =	sdelay $0x2  }
0xb9: {  	s31 =	sshll.u32 s1, $0xD;
	s1 =	sshrl.u32 s1, $0x2  }
0xba: {  	s3 =	sand.u32 $0x4000, s31;
	s1 =	sadd.s32 s1, s30  }
0xbb: {  	s0 =	sor.u32 s3, s0;
	s1 =	sshll.u32 s1, $0x11  }
0xbc: {  	s0 =	sor.u32 s1, s0  }
0xbd: {  	s0 =	sadd.s32 $0x8F2B, s0  }
0xbe: {  	[sflag:s0] =	ssyncadd.remote.s32 $0x1  }
0xbf: {  	_ =	sfence.sel $0xFFFF  }
0xc0: {  	[dreg:$0x0] =	wrdreg $0xFFFFFFFF;
	(pc) =	sbr.abs _section_cstart, $3  }
0xc1: {  	[dreg:$0x1] =	wrdreg $0xFFFFFFFF  }
0xc2: {  	_ =	task.clear_ibuf [dreg:s7], $0x2FFFF;
	_ =	strace $0x9FFFFFFF  }
0xc3: {  	(tm) =	ssettm $0x7FFFFFFF  }
tec
execute0_lowered:
.L_overlay_start_1:
0x0: {  	(tag) =	ssettag $0x1  }
0x1: {  	s0 =	rddreg [dreg:$0x0]  }
0x2: {  	s3 =	rddreg [dreg:$0x1]  }
0x3: {  	s1 =	rddreg [dreg:$0x2]  }
0x4: {  	s2 =	simm.s32 $0x0;
	s5 =	srdreg.scid;
	s22 =	stileid.u32  }
0x5: {  	s28 =	simm.s32 $0x1;
	s29 =	simm.s32 $0x4200;
	s30 =	simm.s32 $0x2  }
0x6: {  	s31 =	simm.s32 $0x0;
	[smem:$0x7FF] =	sst s2;
	s4 =	sadd.s32 $0x2400, s0  }
0x7: {  	s12 =	sand.u32 $0x1, s5;
	s19 =	smul.u32 $0x4E000, s22;
	s21 =	sadd.s32 $0x50600, s0  }
0x8: {  	s0 =	sadd.s32 $0x5A600, s0;
	s10 =	sadd.s32 $0x138000, s1;
	s16 =	smul.u32 $0x13800, s22  }
0x9: {  	p0 =	sne.s32 s22, $0x0;
	_ =	strace $0x8000004D;
	s15 =	smul.u32 $0x138800, s12  }
0xa: {  	s6 =	ssub.s32 $0x2, s12;
	s8 =	sshll.u32 s12, $0x4;
	s18 =	smul.u32 $0x28000, s12  }
0xb: {  	s7 =	sshrl.u32 s6, $0x1;
	s5 =	sshrl.u32 s19, $0x2;
	s20 =	sor.u32 s22, s8  }
0xc: {  	s19 =	smul.u32 $0x2800, s22;
	s22 =	simm.s32 $0x200;
	s17 =	ssub.s32 s6, s7  }
0xd: {  	s5 =	sadd.s32 s5, s1;
	s11 =	smul.u32 $0x2800, s20;
	s16 =	sadd.s32 s16, s15  }
0xe: {  	s15 =	sshrl.u32 s15, $0x3;
	s23 =	sadd.s32 $0x4000, s5;
	s7 =	sadd.s32 $0x8000, s5  }
0xf: {  	s8 =	sadd.s32 $0xC000, s5;
	s9 =	sadd.s32 $0x10000, s5;
	s16 =	sshrl.u32 s16, $0x3  }
0x10: {  	s20 =	sadd.s32 s0, s15;
	s18 =	sadd.s32 s19, s18;
	s17 =	smax.u32 s17, $0x1  }
0x11: {  	[dreg:$0x4] =	wrdreg s23;
	s13 =	sshrl.u32 s11, $0x3;
	s15 =	sadd.s32 s0, s16  }
0x12: {  	s16 =	sadd.s32 $0x27000, s20;
	s24 =	sor.u32 $0x180, s18;
	s25 =	sor.u32 $0x100, s18  }
0x13: {  	s23 =	simm.s32 $0x3;
	s11 =	sadd.s32 s21, s13;
	s14 =	sor.u32 $0x10, s13  }
0x14: {  	s12 =	sadd.s32 s3, s13;
	s0 =	sshrl.u32 s24, $0x3;
	s26 =	sshrl.u32 s25, $0x3  }
0x15: {  	s24 =	simm.s32 $0x100;
	s25 =	simm.s32 $0x80;
	s13 =	sadd.s32 s21, s14  }
0x16: {  	s14 =	sadd.s32 s3, s14;
	s18 =	sadd.s32 s0, s3;
	s19 =	sadd.s32 s0, s21  }
0x17: {  	v0 =	vimm.f32 $0.0e+00;
	s20 =	sadd.s32 s26, s3;
	s21 =	sadd.s32 s26, s21;
	s26 =	simm.s32 $0x180  }
.LBB2_1:
0x18: {  	s0 =	simm.s32 $0x0;
	s3 =	simm.s32 $0x200  }
.LBB2_2:
0x19: {  	p1 =	sne.s32 s3, $0xFE00;
	[tilespmem:s0+$0x270] =	vst v0  }
0x1a: {  	[tilespmem:s0+$0x200] =	vst v0  }
0x1b: {  	[tilespmem:s0+$0x210] =	vst v0  }
.Ltmp0:
0x1c: {  	[tilespmem:s0+$0x220] =	vst v0;
	(pc) =	sbr.rel @p1 .LBB2_2-.Ltmp0, $4  }
0x1d: {  	[tilespmem:s0+$0x230] =	vst v0  }
0x1e: {  	[tilespmem:s0+$0x240] =	vst v0  }
0x1f: {  	[tilespmem:s0+$0x250] =	vst v0  }
0x20: {  	[tilespmem:s0+$0x260] =	vst v0;
	s0 =	sshra.s32 s3, $0x2;
	s3 =	sadd.s32 $0x200, s3  }
0x21: {  	[tilespmem:s0+$0x270] =	vst v0  }
0x22: {  	[tilespmem:s0+$0x200] =	vst v0  }
0x23: {  	[tilespmem:s0+$0x210] =	vst v0  }
0x24: {  	[tilespmem:s0+$0x220] =	vst v0  }
0x25: {  	[tilespmem:s0+$0x230] =	vst v0  }
0x26: {  	[tilespmem:s0+$0x240] =	vst v0  }
0x27: {  	[tilespmem:s0+$0x250] =	vst v0  }
0x28: {  	[tilespmem:s0+$0x260] =	vst v0  }
0x29: {  	[spmem:s5] =	stream.linear.scatter [tilespmem:s22], [sflag:$0x3], $0x4000, $0x38;
	[tilespmem:$0x1BB00] =	vst v63  }
0x2a: {  	_ =	swait.ge [sflag:s23], $0x4000  }
0x2b: {  	[sflag:s23] =	ssyncset.done $0x0  }
0x2c: {  	s3 =	rddreg [dreg:$0x4];
	[sflag:s23] =	ssyncadd.s32 $0xFFFFC000  }
0x2d: {  	[spmem:s3] =	stream.linear.scatter [tilespmem:s22], [sflag:$0x3], $0x4000, $0x38;
	[tilespmem:$0x1BB00] =	vst v63  }
0x2e: {  	_ =	swait.ge [sflag:s23], $0x4000  }
0x2f: {  	[sflag:s23] =	ssyncset.done $0x0  }
0x30: {  	[sflag:s23] =	ssyncadd.s32 $0xFFFFC000  }
0x31: {  	[spmem:s7] =	stream.linear.scatter [tilespmem:s22], [sflag:$0x3], $0x4000, $0x38;
	[tilespmem:$0x1BB00] =	vst v63  }
0x32: {  	_ =	swait.ge [sflag:s23], $0x4000  }
0x33: {  	[sflag:s23] =	ssyncset.done $0x0  }
0x34: {  	[sflag:s23] =	ssyncadd.s32 $0xFFFFC000  }
0x35: {  	[spmem:s8] =	stream.linear.scatter [tilespmem:s22], [sflag:$0x3], $0x4000, $0x38;
	[tilespmem:$0x1BB00] =	vst v63  }
0x36: {  	_ =	swait.ge [sflag:s23], $0x4000  }
0x37: {  	[sflag:s23] =	ssyncset.done $0x0  }
0x38: {  	[sflag:s23] =	ssyncadd.s32 $0xFFFFC000  }
0x39: {  	[spmem:s9] =	stream.linear.scatter [tilespmem:s22], [sflag:$0x3], $0x3800, $0x38;
	[tilespmem:$0x1BB00] =	vst v63  }
0x3a: {  	_ =	swait.ge [sflag:s23], $0x3800  }
0x3b: {  	[sflag:s23] =	ssyncset.done $0x0  }
0x3c: {  	s0 =	simm.s32 @!p0 $0x200;
	[sflag:s23] =	ssyncadd.s32 $0xFFFFC800  }
0x3d: {  	[spmem:s10] =	stream.linear.scatter @!p0 [tilespmem:s0], [sflag:$0x3], $0x1000, $0x38;
	[tilespmem:$0x1BB00] =	vst v63  }
0x3e: {  	s0 =	simm.s32 @!p0 $0x3  }
0x3f: {  	_ =	swait.ge @!p0 [sflag:s0], $0x1000  }
0x40: {  	[sflag:s0] =	ssyncset.done @!p0 $0x0  }
0x41: {  	[sflag:s0] =	ssyncadd.s32 @!p0 $0xFFFFF000  }
0x42: {  	s6 =	simm.s32 $0x0;
	[bflag:$0x0] =	sbarrier.arrive $0xFFFF  }
0x43: {  	[tilespmem:s6], [sflag:$0x3] =	stream.linear.gather [hbm4b:s11+s6], $0x80, $0x38;
	[tilespmem:$0x1BB00] =	vst v63  }
0x44: {  	_ =	swait.ge [sflag:s23], $0x80  }
0x45: {  	[sflag:s23] =	ssyncset.done $0x0  }
0x46: {  	[sflag:s23] =	ssyncadd.s32 $0xFFFFFF80  }
0x47: {  	[tilespmem:s24], [sflag:$0x3] =	stream.linear.gather [hbm4b:s12+s6], $0x80, $0x38;
	[tilespmem:$0x1BB00] =	vst v63  }
0x48: {  	_ =	swait.ge [sflag:s23], $0x80  }
0x49: {  	[sflag:s23] =	ssyncset.done $0x0  }
0x4a: {  	[sflag:s23] =	ssyncadd.s32 $0xFFFFFF80  }
0x4b: {  	[tilespmem:s25], [sflag:$0x3] =	stream.linear.gather [hbm4b:s13+s6], $0x80, $0x38;
	[tilespmem:$0x1BB00] =	vst v63  }
0x4c: {  	_ =	swait.ge [sflag:s23], $0x80  }
0x4d: {  	[sflag:s23] =	ssyncset.done $0x0  }
0x4e: {  	[sflag:s23] =	ssyncadd.s32 $0xFFFFFF80  }
0x4f: {  	[tilespmem:s26], [sflag:$0x3] =	stream.linear.gather [hbm4b:s14+s6], $0x80, $0x38;
	[tilespmem:$0x1BB00] =	vst v63  }
0x50: {  	_ =	swait.ge [sflag:s23], $0x80  }
0x51: {  	[sflag:s23] =	ssyncset.done $0x0  }
0x52: {  	[sflag:s23] =	ssyncadd.s32 $0xFFFFFF80  }
0x53: {  	[tilespmem:s22], [sflag:$0x1] =	stream.indirect.gather [hbm4b:s4+s25], $0x80, s6, s25, $0xb8;
	[tilespmem:$0x1BB00] =	vst v63  }
0x54: {  	_ =	swait.ge [sflag:s28], $0x4000  }
0x55: {  	[sflag:s28] =	ssyncset.done $0x0  }
0x56: {  	[sflag:s28] =	ssyncadd.s32 $0xFFFFC000  }
0x57: {  	[tilespmem:s29], [sflag:$0x2] =	stream.indirect.gather [hbm4b:s4+s25], $0x80, s25, s25, $0xb8;
	[tilespmem:$0x1BB00] =	vst v63  }
0x58: {  	_ = 	snop  }
0x59: {  	[spmem:s1] =	stream.indirect.scatter.add.f32 [tilespmem:s22], [sflag:$0x3], $0x80, s24, s25, $0xb8;
	[tilespmem:$0x1BB00] =	vst v63  }
0x5a: {  	_ =	swait.ge [sflag:s23], $0x4000  }
0x5b: {  	[sflag:s23] =	ssyncset.done $0x0  }
0x5c: {  	s3 =	sadd.s32 $0x0, s21;
	[sflag:s23] =	ssyncadd.s32 $0xFFFFC000  }
0x5d: {  	[tilespmem:s2], [sflag:$0x3] =	stream.linear.gather [hbm4b:s3+s2], $0x80, $0x38;
	[tilespmem:$0x1BB00] =	vst v63  }
0x5e: {  	_ =	swait.ge [sflag:s23], $0x80  }
0x5f: {  	[sflag:s23] =	ssyncset.done $0x0  }
0x60: {  	s6 =	sadd.s32 $0x0, s20;
	[sflag:s23] =	ssyncadd.s32 $0xFFFFFF80  }
0x61: {  	[tilespmem:s24], [sflag:$0x3] =	stream.linear.gather [hbm4b:s6+s2], $0x80, $0x38;
	[tilespmem:$0x1BB00] =	vst v63  }
0x62: {  	_ =	swait.ge [sflag:s23], $0x80  }
0x63: {  	[sflag:s23] =	ssyncset.done $0x0  }
0x64: {  	[sflag:s23] =	ssyncadd.s32 $0xFFFFFF80  }
0x65: {  	_ =	swait.ge [sflag:s30], $0x4000  }
0x66: {  	[sflag:s30] =	ssyncset.done $0x0  }
0x67: {  	[sflag:s30] =	ssyncadd.s32 $0xFFFFC000  }
0x68: {  	[tilespmem:s22], [sflag:$0x1] =	stream.indirect.gather [hbm4b:s4+s25], $0x80, s2, s25, $0xb8;
	[tilespmem:$0x1BB00] =	vst v63  }
0x69: {  	_ = 	snop  }
0x6a: {  	[spmem:s1] =	stream.indirect.scatter.add.f32 [tilespmem:s29], [sflag:$0x3], $0x80, s26, s25, $0xb8;
	[tilespmem:$0x1BB00] =	vst v63  }
0x6b: {  	_ =	swait.ge [sflag:s23], $0x4000  }
0x6c: {  	[sflag:s23] =	ssyncset.done $0x0  }
0x6d: {  	s3 =	sadd.s32 $0x0, s19;
	[sflag:s23] =	ssyncadd.s32 $0xFFFFC000  }
0x6e: {  	[tilespmem:s25], [sflag:$0x3] =	stream.linear.gather [hbm4b:s3+s2], $0x80, $0x38;
	[tilespmem:$0x1BB00] =	vst v63  }
0x6f: {  	_ =	swait.ge [sflag:s23], $0x80  }
0x70: {  	[sflag:s23] =	ssyncset.done $0x0  }
0x71: {  	s6 =	sadd.s32 $0x0, s18;
	[sflag:s23] =	ssyncadd.s32 $0xFFFFFF80  }
0x72: {  	[tilespmem:s26], [sflag:$0x3] =	stream.linear.gather [hbm4b:s6+s2], $0x80, $0x38;
	[tilespmem:$0x1BB00] =	vst v63  }
0x73: {  	_ =	swait.ge [sflag:s23], $0x80  }
0x74: {  	s0 =	simm.s32 $0x20;
	[sflag:s23] =	ssyncset.done $0x0  }
.LBB2_4:
0x75: {  	p1 =	sne.s32 s0, $0x4C0  }
0x76: {  	[sflag:s23] =	ssyncadd.s32 $0xFFFFFF80;
	s3 =	smov.u32 s0;
	s0 =	sadd.s32 $0x20, s0  }
0x77: {  	_ =	swait.ge [sflag:s28], $0x4000  }
0x78: {  	[sflag:s28] =	ssyncset.done $0x0  }
0x79: {  	[sflag:s28] =	ssyncadd.s32 $0xFFFFC000  }
0x7a: {  	[tilespmem:s29], [sflag:$0x2] =	stream.indirect.gather [hbm4b:s4+s25], $0x80, s25, s25, $0xb8;
	[tilespmem:$0x1BB00] =	vst v63  }
0x7b: {  	_ = 	snop  }
0x7c: {  	[spmem:s1] =	stream.indirect.scatter.add.f32 [tilespmem:s22], [sflag:$0x3], $0x80, s24, s25, $0xb8;
	[tilespmem:$0x1BB00] =	vst v63  }
0x7d: {  	_ =	swait.ge [sflag:s23], $0x4000  }
0x7e: {  	[sflag:s23] =	ssyncset.done $0x0  }
0x7f: {  	s6 =	sadd.s32 s3, s21;
	[sflag:s23] =	ssyncadd.s32 $0xFFFFC000  }
0x80: {  	[tilespmem:s2], [sflag:$0x3] =	stream.linear.gather [hbm4b:s6+s2], $0x80, $0x38;
	[tilespmem:$0x1BB00] =	vst v63  }
0x81: {  	_ =	swait.ge [sflag:s23], $0x80  }
0x82: {  	[sflag:s23] =	ssyncset.done $0x0  }
0x83: {  	s6 =	sadd.s32 s3, s20;
	[sflag:s23] =	ssyncadd.s32 $0xFFFFFF80  }
0x84: {  	[tilespmem:s24], [sflag:$0x3] =	stream.linear.gather [hbm4b:s6+s2], $0x80, $0x38;
	[tilespmem:$0x1BB00] =	vst v63  }
0x85: {  	_ =	swait.ge [sflag:s23], $0x80  }
0x86: {  	[sflag:s23] =	ssyncset.done $0x0  }
0x87: {  	[sflag:s23] =	ssyncadd.s32 $0xFFFFFF80  }
0x88: {  	_ =	swait.ge [sflag:s30], $0x4000  }
0x89: {  	[sflag:s30] =	ssyncset.done $0x0  }
0x8a: {  	[sflag:s30] =	ssyncadd.s32 $0xFFFFC000  }
0x8b: {  	[tilespmem:s22], [sflag:$0x1] =	stream.indirect.gather [hbm4b:s4+s25], $0x80, s2, s25, $0xb8;
	[tilespmem:$0x1BB00] =	vst v63  }
0x8c: {  	_ = 	snop  }
0x8d: {  	[spmem:s1] =	stream.indirect.scatter.add.f32 [tilespmem:s29], [sflag:$0x3], $0x80, s26, s25, $0xb8;
	[tilespmem:$0x1BB00] =	vst v63  }
0x8e: {  	_ =	swait.ge [sflag:s23], $0x4000  }
0x8f: {  	[sflag:s23] =	ssyncset.done $0x0  }
0x90: {  	s6 =	sadd.s32 s3, s19;
	[sflag:s23] =	ssyncadd.s32 $0xFFFFC000  }
0x91: {  	[tilespmem:s25], [sflag:$0x3] =	stream.linear.gather [hbm4b:s6+s2], $0x80, $0x38;
	[tilespmem:$0x1BB00] =	vst v63  }
0x92: {  	_ =	swait.ge [sflag:s23], $0x80  }
.Ltmp1:
0x93: {  	[sflag:s23] =	ssyncset.done $0x0;
	(pc) =	sbr.rel @p1 .LBB2_4-.Ltmp1, $4  }
0x94: {  	s3 =	sadd.s32 s3, s18;
	[sflag:s23] =	ssyncadd.s32 $0xFFFFFF80  }
0x95: {  	[tilespmem:s26], [sflag:$0x3] =	stream.linear.gather [hbm4b:s3+s2], $0x80, $0x38;
	[tilespmem:$0x1BB00] =	vst v63  }
0x96: {  	_ =	swait.ge [sflag:s23], $0x80  }
0x97: {  	[sflag:s23] =	ssyncset.done $0x0  }
0x98: {  	[sflag:s23] =	ssyncadd.s32 $0xFFFFFF80  }
0x99: {  	_ =	swait.ge [sflag:s28], $0x4000  }
0x9a: {  	[sflag:s28] =	ssyncset.done $0x0  }
0x9b: {  	[sflag:s28] =	ssyncadd.s32 $0xFFFFC000  }
0x9c: {  	[tilespmem:s29], [sflag:$0x2] =	stream.indirect.gather [hbm4b:s4+s25], $0x80, s25, s25, $0xb8;
	[tilespmem:$0x1BB00] =	vst v63  }
0x9d: {  	_ = 	snop  }
0x9e: {  	[spmem:s1] =	stream.indirect.scatter.add.f32 [tilespmem:s22], [sflag:$0x3], $0x80, s24, s25, $0xb8;
	[tilespmem:$0x1BB00] =	vst v63  }
0x9f: {  	_ =	swait.ge [sflag:s23], $0x4000  }
0xa0: {  	[sflag:s23] =	ssyncset.done $0x0  }
0xa1: {  	[sflag:s23] =	ssyncadd.s32 $0xFFFFC000  }
0xa2: {  	_ =	swait.ge [sflag:s30], $0x4000  }
0xa3: {  	[sflag:s30] =	ssyncset.done $0x0  }
0xa4: {  	[sflag:s30] =	ssyncadd.s32 $0xFFFFC000  }
0xa5: {  	[spmem:s1] =	stream.indirect.scatter.add.f32 [tilespmem:s29], [sflag:$0x3], $0x80, s26, s25, $0xb8;
	[tilespmem:$0x1BB00] =	vst v63  }
0xa6: {  	_ =	swait.ge [sflag:s23], $0x4000  }
0xa7: {  	s0 =	stileid.u32;
	[sflag:s23] =	ssyncset.done $0x0  }
0xa8: {  	s0 =	sshll.u32 s0, $0x6;
	[sflag:s23] =	ssyncadd.s32 $0xFFFFC000  }
0xa9: {  	s3 =	sshrl.u32 s5, $0x3;
	s0 =	sor.u32 $0x1C03, s0;
	[bflag:$0x0] =	sbarrier.arrive $0xFFFF  }
0xaa: {  	[hbm:s15], [sflag:s0] =	dma.local [spmem:s3], $0x2700  }
0xab: {  	_ =	swait.ge [sflag:s23], $0x2700  }
0xac: {  	s31 =	sadd.s32 $0x1, s31;
	[sflag:s23] =	ssyncset.done $0x0  }
0xad: {  	p1 =	sne.s32 s31, s17;
	s3 =	sshrl.u32 @!p0 s10, $0x3;
	[sflag:s23] =	ssyncadd.s32 $0xFFFFD900  }
0xae: {  	[hbm:s16], [sflag:s0] =	dma.local @!p0 [spmem:s3], $0x100  }
.Ltmp2:
0xaf: {  	_ = 	snop;
	(pc) =	sbr.rel @p1 .LBB2_1-.Ltmp2, $4  }
0xb0: {  	s0 =	simm.s32 @!p0 $0x3  }
0xb1: {  	_ =	swait.ge @!p0 [sflag:s0], $0x100  }
0xb2: {  	[sflag:s0] =	ssyncset.done @!p0 $0x0  }
0xb3: {  	[sflag:s0] =	ssyncadd.s32 @!p0 $0xFFFFFF00  }
0xb4: {  	_ =	sfence.sel $0x180000  }
0xb5: {  	[bflag:$0x0] =	sbarrier.arrive $0xFFFF  }
0xb6: {  	_ =	strace $0x9000004D  }
0xb7: {  	[bflag:$0x2] =	sbarrier.arrive $0xFFFF  }
0xb8: {  	s0 =	rddreg [dreg:$0x3]  }
0xb9: {  	s0 =	sadd.s32 @!p0 $0x100000, s0  }
0xba: {  	[sflag:s0] =	ssyncadd.tile.s32 @!p0 $0x1;
	_ =	shalt  }
.Lfunc_end2:
_tile_overlayer_lowered:
.L_overlay_start_2:
0xbb: {  	(tag) =	ssettag $0x2  }
0xbc: {  	s0 =	rddreg [dreg:$0x0];
	s2 =	stileid.u32  }
0xbd: {  	s1 =	rddreg [dreg:$0x1];
	p0 =	sne.s32 s2, $0x0  }
0xbe: {  	s3 =	rddreg [dreg:$0x2];
	[bflag:$0x3] =	sbarrier.arrive $0xFFFF;
	s2 =	simm.s32 @!p0 $0x1C03  }
0xbf: {  	[timem:s3], [sflag:s2] =	dma.local @!p0 [hbm:s0], s1  }
0xc0: {  	s0 =	simm.s32 @!p0 $0x3  }
0xc1: {  	_ =	swait.ge @!p0 [sflag:s0], s1  }
0xc2: {  	s1 =	ssub.s32 @!p0 $0x0, s1;
	[sflag:s0] =	ssyncset.done @!p0 $0x0  }
0xc3: {  	[sflag:s0] =	ssyncadd.s32 @!p0 s1  }
0xc4: {  	[bflag:$0x3] =	sbarrier.arrive $0xFFFF  }
0xc5: {  	_ =	shalt  }

// kernel: _run.8.cloned.1.call-start
scs
__scs_entry_jumppad:
0x0: {  	(pc) =	sbr.rel $0x88, $3  }
0x1: {  	(tag) =	ssettag $0x0;
	lr =	simm.s32 $0x1  }
0x2: {  	[smem:$0x3F9B] =	sst lr;
	_ =	strace $0xD0000000  }
0x3: {  	_ = 	snop  }
0x4: {  	_ = 	snop  }
0x5: {  	_ = 	snop  }
0x6: {  	_ = 	snop  }
0x7: {  	_ = 	snop  }
__scs_overlays_trampoline_lowered:
0x8: {  	[smem:$0x3FAA] =	sst s0  }
0x9: {  	[smem:$0x3FAB] =	sst s1  }
0xa: {  	[smem:$0x3FAC] =	sst s2  }
0xb: {  	[smem:$0x3FAD] =	sst s3  }
0xc: {  	[smem:$0x3FAE] =	sst s4  }
0xd: {  	[smem:$0x3FAF] =	sst s5  }
0xe: {  	[smem:$0x3FB0] =	sst s6  }
0xf: {  	[smem:$0x3FB1] =	sst s7  }
0x10: {  	[smem:$0x3FB2] =	sst s8  }
0x11: {  	[smem:$0x3FB3] =	sst s9;
	s0 =	simm.s32 @!p0 $0x0  }
0x12: {  	s1 =	sld [smem:$0x3F99];
	s0 =	simm.s32 @p0 $0x1  }
0x13: {  	[smem:$0x3FB4] =	sst s0;
	s0 =	simm.s32 @!p1 $0x0  }
0x14: {  	s2 =	sld [smem:$0x3F98];
	s0 =	simm.s32 @p1 $0x1  }
0x15: {  	[smem:$0x3FB5] =	sst s0;
	s0 =	simm.s32 @!p2 $0x0  }
0x16: {  	s3 =	sld [smem:$0x3FDB];
	s0 =	simm.s32 @p2 $0x1  }
0x17: {  	s4 =	simm.s32 $0x1BF5;
	[smem:$0x3FB7] =	sst s0  }
0x18: {  	s0 =	sld [smem:$0x3F9A];
	_ =	swait.ge [sflag:s4], $0x0  }
0x19: {  	s7 =	sld [smem:$0x3F9B]  }
0x1a: {  	s8 =	sadd.s32 $0xFFFFE003, lr  }
0x1b: {  	s9 =	sadd.s32 $0xFFFFFEF7, lr;
	s5 =	simm.s32 $0xFFFFFFFF;
	p2 =	slt.u32 s8, $0xFFFFF086  }
0x1c: {  	p1 =	slt.u32 s9, $0xF7A;
	s5 =	simm.s32 @!p2 $0x0  }
0x1d: {  	s5 =	simm.s32 @p1 $0x1;
	p0 =	seq.s32 s7, s2  }
0x1e: {  	s7 =	smul.u32 @!p0 $0xF7A, s2;
	p2 =	seq.s32 @!p0 s5, $0x0  }
0x1f: {  	s9 =	smul.u32 $0xF7A, s1;
	s8 =	simm.s32 @!p0 $0x1BF5;
	p2 =	por !p2, p0  }
0x20: {  	[sflag:s8] =	ssyncset.s32 @!p0 $0xFFFFF086;
	s6 =	sadd.s32 @!p0 s3, s7;
	s7 =	simm.s32 @!p0 $0x108  }
0x21: {  	s3 =	sadd.s32 s3, s9;
	s6 =	sadd.s32 @!p0 $0x88, s6;
	s7 =	simm.s32 @p2 $0x1082  }
0x22: {  	[simem:s7], [sflag:s8] =	dma.local @!p0 [hbm:s6], $0xF7A  }
0x23: {  	s9 =	sor.u32 $0xD0000000, s2;
	s6 =	simm.s32 $0x108;
	_ =	swait.ge @!p0 [sflag:s8], $0x0  }
0x24: {  	s3 =	sadd.s32 $0x88, s3;
	s6 =	simm.s32 @!p1 $0x1082;
	[sflag:s4] =	ssyncset.s32 $0xFFFFF086  }
0x25: {  	[simem:s6], [sflag:s4] =	dma.local [hbm:s3], $0xF7A  }
0x26: {  	[smem:$0x3F9B] =	sst s1;
	(tag) =	ssettag s2;
	_ =	strace s9  }
0x27: {  	s1 =	sld [smem:$0x3FAB]  }
0x28: {  	s2 =	sld [smem:$0x3FAC]  }
0x29: {  	s4 =	sld [smem:$0x3FAE]  }
0x2a: {  	p0 =	seq.s32 s5, $0x0;
	s5 =	sld [smem:$0x3FAF]  }
0x2b: {  	s6 =	sld [smem:$0x3FB0]  }
0x2c: {  	s7 =	sld [smem:$0x3FB1]  }
0x2d: {  	s3 =	simm.s32 $0x108;
	s8 =	sld [smem:$0x3FB2]  }
0x2e: {  	s3 =	simm.s32 @!p0 $0x1082;
	s9 =	sld [smem:$0x3FB3]  }
0x2f: {  	lr =	sadd.s32 s0, s3;
	s0 =	sld [smem:$0x3FAA]  }
0x30: {  	s3 =	sld [smem:$0x3FAD]  }
0x31: {  	[smem:$0x3FB6] =	sst s10  }
0x32: {  	s10 =	sld [smem:$0x3FB4];
	_ =	sdelay $0x3  }
0x33: {  	p0 =	seq.s32 s10, $0x1;
	s10 =	sld [smem:$0x3FB6];
	_ =	sdelay $0x3  }
0x34: {  	[smem:$0x3FB6] =	sst s10  }
0x35: {  	s10 =	sld [smem:$0x3FB5];
	_ =	sdelay $0x3  }
0x36: {  	p1 =	seq.s32 s10, $0x1;
	s10 =	sld [smem:$0x3FB6];
	_ =	sdelay $0x3  }
0x37: {  	[smem:$0x3FB6] =	sst s10  }
0x38: {  	s10 =	sld [smem:$0x3FB7]  }
0x39: {  	_ = 	snop;
	(pc) =	sbr.ind lr, $3  }
0x3a: {  	_ = 	snop  }
0x3b: {  	_ = 	snop  }
0x3c: {  	p2 =	seq.s32 s10, $0x1;
	s10 =	sld [smem:$0x3FB6]  }
0x3d: {  	_ =	shalt  }
0x3e: {  	_ =	shalt  }
0x3f: {  	_ =	shalt  }
0x40: {  	_ =	shalt  }
0x41: {  	_ =	shalt  }
0x42: {  	_ =	shalt  }
0x43: {  	_ =	shalt  }
0x44: {  	_ =	shalt  }
0x45: {  	_ =	shalt  }
0x46: {  	_ =	shalt  }
0x47: {  	_ =	shalt  }
0x48: {  	_ =	shalt  }
0x49: {  	_ =	shalt  }
0x4a: {  	_ =	shalt  }
0x4b: {  	_ =	shalt  }
0x4c: {  	_ =	shalt  }
0x4d: {  	_ =	shalt  }
0x4e: {  	_ =	shalt  }
0x4f: {  	_ =	shalt  }
0x50: {  	_ =	shalt  }
0x51: {  	_ =	shalt  }
0x52: {  	_ =	shalt  }
0x53: {  	_ =	shalt  }
0x54: {  	_ =	shalt  }
0x55: {  	_ =	shalt  }
0x56: {  	_ =	shalt  }
0x57: {  	_ =	shalt  }
0x58: {  	_ =	shalt  }
0x59: {  	_ =	shalt  }
0x5a: {  	_ =	shalt  }
0x5b: {  	_ =	shalt  }
0x5c: {  	_ =	shalt  }
0x5d: {  	_ =	shalt  }
0x5e: {  	_ =	shalt  }
0x5f: {  	_ =	shalt  }
0x60: {  	_ =	shalt  }
0x61: {  	_ =	shalt  }
0x62: {  	_ =	shalt  }
0x63: {  	_ =	shalt  }
0x64: {  	_ =	shalt  }
0x65: {  	_ =	shalt  }
0x66: {  	_ =	shalt  }
0x67: {  	_ =	shalt  }
0x68: {  	_ =	shalt  }
0x69: {  	_ =	shalt  }
0x6a: {  	_ =	shalt  }
0x6b: {  	_ =	shalt  }
0x6c: {  	_ =	shalt  }
0x6d: {  	_ =	shalt  }
0x6e: {  	_ =	shalt  }
0x6f: {  	_ =	shalt  }
0x70: {  	_ =	shalt  }
0x71: {  	_ =	shalt  }
0x72: {  	_ =	shalt  }
0x73: {  	_ =	shalt  }
0x74: {  	_ =	shalt  }
0x75: {  	_ =	shalt  }
0x76: {  	_ =	shalt  }
0x77: {  	_ =	shalt  }
0x78: {  	_ =	shalt  }
0x79: {  	_ =	shalt  }
0x7a: {  	_ =	shalt  }
0x7b: {  	_ =	shalt  }
0x7c: {  	_ =	shalt  }
0x7d: {  	_ =	shalt  }
0x7e: {  	_ =	shalt  }
0x7f: {  	_ =	shalt  }
0x80: {  	_ =	shalt  }
0x81: {  	_ =	shalt  }
0x82: {  	_ =	shalt  }
0x83: {  	_ =	shalt  }
0x84: {  	_ =	shalt  }
0x85: {  	_ =	shalt  }
0x86: {  	_ =	shalt  }
0x87: {  	_ =	shalt  }
.Lfunc_end0:
.L_simem_size_0:
called_computation_lowered:
.L_overlay_start_0:
0x88: {  	s2 =	sld [smem:$0x3FD9]  }
0x89: {  	s3 =	sld [smem:$0x3FFE];
	_ =	sdelay $0x1  }
0x8a: {  	s1 =	srdreg.scid  }
0x8b: {  	s0 =	sand.u32 $0x1, s1  }
0x8c: {  	s17 =	sshll.u32 s0, $0xA;
	s2 =	sadd.s32 s3, s2  }
0x8d: {  	s2 =	sadd.s32 s2, s17  }
0x8e: {  	[smem:$0x3FC2] =	sst s2  }
0x8f: {  	_ = 	snop  }
0x90: {  	s2 =	sld [smem:$0x3FD0];
	(tm) =	ssettm $0x1  }
0x91: {  	s18 =	sld [smem:$0x3FFB];
	_ =	sdelay $0x3  }
0x92: {  	_ =	strace s18  }
0x93: {  	s3 =	sld [smem:$0x3FFC];
	_ =	sdelay $0x3  }
0x94: {  	_ =	strace s3  }
0x95: {  	s3 =	sld [smem:$0x3FFD];
	_ =	sdelay $0x3  }
0x96: {  	_ =	strace s3  }
0x97: {  	_ =	strace $0x8FFFFFFF  }
0x98: {  	s19 =	sld [smem:$0x3FDB];
	_ =	sdelay $0x1  }
0x99: {  	s4 =	simm.s32 $_scs_section_size  }
0x9a: {  	s5 =	simm.s32 $_size__tile_overlayer_lowered;
	s6 =	simm.s32 $_tile_overlayer_lowered  }
0x9b: {  	s22 =	simm.s32 $0x1BFF;
	s21 =	sshll.u32 s6, $0x1;
	s3 =	sadd.s32 s4, s19  }
0x9c: {  	s7 =	simm.s32 $0x0;
	s20 =	sshll.u32 s5, $0x1;
	s5 =	sadd.s32 s21, s3  }
0x9d: {  	[timem:s7], [sflag:s22] =	dma.local [hbm:s5], s20  }
0x9e: {  	_ =	swait.ge [sflag:s22], s20  }
0x9f: {  	s4 =	ssub.s32 $0x0, s20;
	[sflag:s22] =	ssyncset.done $0x0  }
0xa0: {  	[sflag:s22] =	ssyncadd.s32 s4;
	_ =	sdelay $0x1  }
0xa1: {  	s23 =	simm.s32 $0x1B8B  }
0xa2: {  	_ =	swait.ge [sflag:s23], $0x1  }
0xa3: {  	[sflag:s23] =	ssyncset.done $0x0  }
0xa4: {  	s25 =	simm.s32 $0x1B8E;
	s24 =	sld [smem:$0x3FFE];
	[sflag:s23] =	ssyncadd.s32 $0xFFFFFFFF  }
0xa5: {  	s26 =	simm.s32 $execute0_lowered;
	[smem:$0x3FD2] =	sst s25  }
0xa6: {  	s5 =	sshll.u32 s26, $0x1;
	_ =	strace $0x80000046;
	[dreg:$0x1] =	wrdreg $0xFFFFFFFF  }
0xa7: {  	s28 =	simm.s32 $_size_execute0_lowered;
	s3 =	sadd.s32 s3, s5;
	[dreg:$0x0] =	wrdreg $0x0  }
0xa8: {  	s5 =	sshll.u32 s28, $0x1;
	[dreg:$0x2] =	wrdreg s3  }
0xa9: {  	[dreg:$0x3] =	wrdreg s5  }
0xaa: {  	[dreg:$0x4] =	wrdreg $0xC0  }
0xab: {  	_ =	task [dreg:s7], $0x5FFFF  }
0xac: {  	[dreg:$0x1] =	wrdreg $0xFFFFFFFF  }
0xad: {  	[dreg:$0x0] =	wrdreg $0x60  }
0xae: {  	[dreg:$0x2] =	wrdreg s2  }
0xaf: {  	[dreg:$0x3] =	wrdreg s24  }
0xb0: {  	[dreg:$0x4] =	wrdreg $0x44000  }
0xb1: {  	[dreg:$0x5] =	wrdreg $0x9  }
0xb2: {  	_ =	task.clear_ibuf [dreg:s7], $0x6FFFF;
	_ =	strace $0x90000046  }
0xb3: {  	s29 =	simm.s32 $0x9;
	_ =	strace $0x80000048  }
0xb4: {  	_ =	swait.ge [sflag:s29], $0x1  }
0xb5: {  	[sflag:s29] =	ssyncadd.s32 $0xFFFFFFFF  }
0xb6: {  	_ =	strace $0x90000048  }
0xb7: {  	_ =	sfence  }
0xb8: {  	s30 =	sld [smem:$0x0];
	_ =	sdelay $0x2  }
0xb9: {  	s31 =	sshll.u32 s1, $0xD;
	s1 =	sshrl.u32 s1, $0x2  }
0xba: {  	s3 =	sand.u32 $0x4000, s31;
	s1 =	sadd.s32 s1, s30  }
0xbb: {  	s0 =	sor.u32 s3, s0;
	s1 =	sshll.u32 s1, $0x11  }
0xbc: {  	s0 =	sor.u32 s1, s0  }
0xbd: {  	s0 =	sadd.s32 $0x8F2B, s0  }
0xbe: {  	[sflag:s0] =	ssyncadd.remote.s32 $0x1  }
0xbf: {  	_ =	sfence.sel $0xFFFF  }
0xc0: {  	[dreg:$0x0] =	wrdreg $0xFFFFFFFF;
	(pc) =	sbr.abs _section_cstart, $3  }
0xc1: {  	[dreg:$0x1] =	wrdreg $0xFFFFFFFF  }
0xc2: {  	_ =	task.clear_ibuf [dreg:s7], $0x2FFFF;
	_ =	strace $0x9FFFFFFF  }
0xc3: {  	(tm) =	ssettm $0x7FFFFFFF  }
tec
execute0_lowered:
.L_overlay_start_1:
0x0: {  	(tag) =	ssettag $0x1  }
0x1: {  	s0 =	rddreg [dreg:$0x0]  }
0x2: {  	s3 =	rddreg [dreg:$0x1]  }
0x3: {  	s1 =	rddreg [dreg:$0x2];
	s2 =	simm.s32 $0x0;
	s4 =	srdreg.scid  }
0x4: {  	s12 =	stileid.u32;
	s28 =	simm.s32 $0x200;
	s29 =	simm.s32 $0x2  }
0x5: {  	s30 =	simm.s32 $0x280;
	s31 =	simm.s32 $0x3;
	s11 =	smul.u32 $0x4E000, s12  }
0x6: {  	[smem:$0x7FF] =	sst s2;
	s5 =	sand.u32 $0x1, s4;
	s18 =	smul.u32 $0x13800, s12  }
0x7: {  	s3 =	sadd.s32 $0x2400, s3;
	s9 =	sadd.s32 $0x138000, s1;
	s22 =	smul.u32 $0x2800, s12  }
0x8: {  	p0 =	sne.s32 s12, $0x0;
	_ =	strace $0x80000047;
	s17 =	smul.u32 $0x138800, s5  }
0x9: {  	s6 =	ssub.s32 $0x2, s5;
	s7 =	sshll.u32 s5, $0x4;
	s5 =	smul.u32 $0x28000, s5  }
0xa: {  	s8 =	sshrl.u32 s6, $0x1;
	s7 =	sor.u32 s12, s7;
	s4 =	sshrl.u32 s11, $0x2  }
0xb: {  	s12 =	simm.s32 $0xB;
	s6 =	ssub.s32 s6, s8;
	s4 =	sadd.s32 s4, s1  }
0xc: {  	s7 =	smul.u32 $0x2800, s7;
	s5 =	sadd.s32 s22, s5;
	s13 =	sadd.s32 $0x4000, s4  }
0xd: {  	s25 =	sshrl.u32 s17, $0x3;
	s14 =	sadd.s32 $0x8000, s4;
	[dreg:$0xc] =	wrdreg s13  }
0xe: {  	s15 =	sadd.s32 $0xC000, s4;
	[dreg:$0xd] =	wrdreg s14;
	s7 =	sshrl.u32 s7, $0x3  }
0xf: {  	s16 =	sadd.s32 $0x10000, s4;
	[dreg:$0xe] =	wrdreg s15;
	s10 =	sadd.s32 s0, s7  }
0x10: {  	s26 =	sor.u32 $0x780, s5;
	[dreg:$0xf] =	wrdreg s16;
	s11 =	sadd.s32 $0x10, s10  }
0x11: {  	s8 =	sshrl.u32 s26, $0x3;
	s19 =	sadd.s32 $0x20, s10;
	[dreg:$0x10] =	wrdreg s11  }
0x12: {  	s16 =	sor.u32 $0x680, s5;
	s20 =	sadd.s32 $0x30, s10;
	[dreg:$0x11] =	wrdreg s19  }
0x13: {  	s7 =	sadd.s32 s18, s17;
	s21 =	sadd.s32 $0x40, s10;
	[dreg:$0x12] =	wrdreg s20  }
0x14: {  	s17 =	sshrl.u32 s16, $0x3;
	s13 =	sadd.s32 $0x50, s10;
	[dreg:$0x13] =	wrdreg s21  }
0x15: {  	s18 =	sor.u32 $0x600, s5;
	s23 =	sadd.s32 $0x60, s10;
	[dreg:$0x14] =	wrdreg s13  }
0x16: {  	s24 =	sadd.s32 $0x70, s10;
	s7 =	sshrl.u32 s7, $0x3;
	[dreg:$0x15] =	wrdreg s23  }
0x17: {  	s16 =	simm.s32 $0x0;
	[dreg:$0x16] =	wrdreg s24;
	s7 =	sadd.s32 s3, s7  }
0x18: {  	s3 =	sadd.s32 s3, s25;
	s11 =	sor.u32 $0x700, s5;
	s13 =	sadd.s32 s8, s0  }
0x19: {  	s19 =	sor.u32 $0x580, s5;
	s23 =	sor.u32 $0x500, s5;
	s25 =	sor.u32 $0x480, s5  }
0x1a: {  	s5 =	sor.u32 $0x400, s5;
	s8 =	simm.s32 $0xA;
	[dreg:$0x17] =	wrdreg s7  }
0x1b: {  	s3 =	sadd.s32 $0x27000, s3;
	s14 =	sshrl.u32 s11, $0x3;
	[dreg:$0x4] =	wrdreg s13  }
0x1c: {  	s7 =	sshrl.u32 s18, $0x3;
	s21 =	sshrl.u32 s19, $0x3;
	s24 =	sshrl.u32 s23, $0x3  }
0x1d: {  	s5 =	sshrl.u32 s5, $0x3;
	s23 =	simm.s32 $0x80;
	s11 =	simm.s32 $0x6  }
0x1e: {  	s13 =	simm.s32 $0x7;
	[dreg:$0x18] =	wrdreg s3;
	s15 =	sadd.s32 s14, s0  }
0x1f: {  	s3 =	sadd.s32 s17, s0;
	s20 =	sadd.s32 s7, s0;
	[dreg:$0x5] =	wrdreg s15  }
0x20: {  	s22 =	sadd.s32 s21, s0;
	s7 =	sshrl.u32 s25, $0x3;
	[dreg:$0x6] =	wrdreg s3  }
0x21: {  	s21 =	simm.s32 $0x400;
	s25 =	simm.s32 $0x180;
	[dreg:$0x7] =	wrdreg s20  }
0x22: {  	s14 =	simm.s32 $0xC;
	[dreg:$0x8] =	wrdreg s22;
	s3 =	sadd.s32 s24, s0  }
0x23: {  	s26 =	sadd.s32 s7, s0;
	s20 =	smax.u32 s6, $0x1;
	s0 =	sadd.s32 s5, s0  }
0x24: {  	s22 =	simm.s32 $0xD;
	s24 =	simm.s32 $0x100;
	[dreg:$0x9] =	wrdreg s3  }
0x25: {  	s5 =	simm.s32 $0x380;
	s6 =	simm.s32 $0x9;
	[dreg:$0xa] =	wrdreg s26  }
0x26: {  	s7 =	simm.s32 $0x5;
	s15 =	simm.s32 $0x8;
	[dreg:$0xb] =	wrdreg s0  }
0x27: {  	v0 =	vimm.f32 $0.0e+00;
	v1 =	vimm.f32 $1.000000000e+00;
	s26 =	simm.s32 $0x1;
	s0 =	simm.s32 $0x300;
	s3 =	simm.s32 $0x4  }
.LBB2_1:
0x28: {  	s17 =	simm.s32 $0x200;
	s18 =	simm.s32 $0x0  }
.LBB2_2:
0x29: {  	p1 =	sne.s32 s17, $0xFE00;
	[tilespmem:s18+$0x400] =	vst v0;
	s18 =	smov.u32 s17;
	s17 =	sadd.s32 $0x200, s17  }
.Ltmp0:
0x2a: {  	(pc) =	sbr.rel @p1 .LBB2_2-.Ltmp0, $2  }
0x2b: {  	_ =	sdelay $0x2  }
0x2c: {  	s18 =	sshra.s32 s18, $0x2  }
0x2d: {  	[tilespmem:s18+$0x400] =	vst v0  }
0x2e: {  	[spmem:s4] =	stream.linear.scatter [tilespmem:s21], [sflag:$0xD], $0x4000, $0x38;
	[tilespmem:$0x6B20] =	vst v63  }
0x2f: {  	_ =	swait.ge [sflag:s22], $0x4000  }
0x30: {  	[sflag:s22] =	ssyncset.done $0x0  }
0x31: {  	s17 =	rddreg [dreg:$0xc];
	[sflag:s22] =	ssyncadd.s32 $0xFFFFC000  }
0x32: {  	[spmem:s17] =	stream.linear.scatter [tilespmem:s21], [sflag:$0xD], $0x4000, $0x38;
	[tilespmem:$0x6B20] =	vst v63  }
0x33: {  	_ =	swait.ge [sflag:s22], $0x4000  }
0x34: {  	[sflag:s22] =	ssyncset.done $0x0  }
0x35: {  	s19 =	rddreg [dreg:$0xd];
	[sflag:s22] =	ssyncadd.s32 $0xFFFFC000  }
0x36: {  	[spmem:s19] =	stream.linear.scatter [tilespmem:s21], [sflag:$0xD], $0x4000, $0x38;
	[tilespmem:$0x6B20] =	vst v63  }
0x37: {  	_ =	swait.ge [sflag:s22], $0x4000  }
0x38: {  	[sflag:s22] =	ssyncset.done $0x0  }
0x39: {  	s18 =	rddreg [dreg:$0xe];
	[sflag:s22] =	ssyncadd.s32 $0xFFFFC000  }
0x3a: {  	[spmem:s18] =	stream.linear.scatter [tilespmem:s21], [sflag:$0xD], $0x4000, $0x38;
	[tilespmem:$0x6B20] =	vst v63  }
0x3b: {  	_ =	swait.ge [sflag:s22], $0x4000  }
0x3c: {  	[sflag:s22] =	ssyncset.done $0x0  }
0x3d: {  	s19 =	rddreg [dreg:$0xf];
	[sflag:s22] =	ssyncadd.s32 $0xFFFFC000  }
0x3e: {  	[spmem:s19] =	stream.linear.scatter [tilespmem:s21], [sflag:$0xD], $0x3800, $0x38;
	[tilespmem:$0x6B20] =	vst v63  }
0x3f: {  	_ =	swait.ge [sflag:s22], $0x3800  }
0x40: {  	[sflag:s22] =	ssyncset.done $0x0  }
0x41: {  	s17 =	simm.s32 @!p0 $0x400;
	[sflag:s22] =	ssyncadd.s32 $0xFFFFC800  }
0x42: {  	[spmem:s9] =	stream.linear.scatter @!p0 [tilespmem:s17], [sflag:$0xD], $0x1000, $0x38;
	[tilespmem:$0x6B20] =	vst v63  }
0x43: {  	s17 =	simm.s32 @!p0 $0xD  }
0x44: {  	_ =	swait.ge @!p0 [sflag:s17], $0x1000  }
0x45: {  	[sflag:s17] =	ssyncset.done @!p0 $0x0  }
0x46: {  	[sflag:s17] =	ssyncadd.s32 @!p0 $0xFFFFF000  }
0x47: {  	s18 =	simm.s32 $0x0;
	s17 =	simm.s32 $0x200;
	[bflag:$0x0] =	sbarrier.arrive $0xFFFF  }
.LBB2_4:
0x48: {  	p1 =	sne.s32 s17, $0xFE00;
	[tilespmem:s18+$0x400] =	vst v1;
	s18 =	smov.u32 s17;
	s17 =	sadd.s32 $0x200, s17  }
.Ltmp1:
0x49: {  	(pc) =	sbr.rel @p1 .LBB2_4-.Ltmp1, $2  }
0x4a: {  	_ =	sdelay $0x2  }
0x4b: {  	s18 =	sshra.s32 s18, $0x2  }
0x4c: {  	[tilespmem:s18+$0x400] =	vst v1;
	s17 =	simm.s32 $0x0  }
0x4d: {  	[tilespmem:s17], [sflag:$0x1] =	stream.linear.gather [hbm4b:s10+s17], $0x80, $0x38;
	[tilespmem:$0x6B20] =	vst v63  }
0x4e: {  	s19 =	rddreg [dreg:$0x10]  }
0x4f: {  	[tilespmem:s23], [sflag:$0x2] =	stream.linear.gather [hbm4b:s19+s17], $0x80, $0x38;
	[tilespmem:$0x6B20] =	vst v63  }
0x50: {  	s19 =	rddreg [dreg:$0x11]  }
0x51: {  	[tilespmem:s24], [sflag:$0x3] =	stream.linear.gather [hbm4b:s19+s17], $0x80, $0x38;
	[tilespmem:$0x6B20] =	vst v63  }
0x52: {  	s19 =	rddreg [dreg:$0x12]  }
0x53: {  	[tilespmem:s25], [sflag:$0x4] =	stream.linear.gather [hbm4b:s19+s17], $0x80, $0x38;
	[tilespmem:$0x6B20] =	vst v63  }
0x54: {  	_ =	swait.ge [sflag:s26], $0x80  }
0x55: {  	[sflag:s26] =	ssyncset.done $0x0  }
0x56: {  	[sflag:s26] =	ssyncadd.s32 $0xFFFFFF80  }
0x57: {  	[spmem:s1] =	stream.indirect.scatter.add.f32 [tilespmem:s21], [sflag:$0x9], $0x10, s17, s23, $0xb8;
	[tilespmem:$0x6B20] =	vst v63  }
0x58: {  	s19 =	rddreg [dreg:$0x13]  }
0x59: {  	[tilespmem:s28], [sflag:$0x5] =	stream.linear.gather [hbm4b:s19+s17], $0x80, $0x38;
	[tilespmem:$0x6B20] =	vst v63  }
0x5a: {  	_ =	swait.ge [sflag:s29], $0x80  }
0x5b: {  	[sflag:s29] =	ssyncset.done $0x0  }
0x5c: {  	[sflag:s29] =	ssyncadd.s32 $0xFFFFFF80  }
0x5d: {  	[spmem:s1] =	stream.indirect.scatter.add.f32 [tilespmem:s21], [sflag:$0xA], $0x10, s23, s23, $0xb8;
	[tilespmem:$0x6B20] =	vst v63  }
0x5e: {  	s19 =	rddreg [dreg:$0x14]  }
0x5f: {  	[tilespmem:s30], [sflag:$0x6] =	stream.linear.gather [hbm4b:s19+s17], $0x80, $0x38;
	[tilespmem:$0x6B20] =	vst v63  }
0x60: {  	_ =	swait.ge [sflag:s31], $0x80  }
0x61: {  	[sflag:s31] =	ssyncset.done $0x0  }
0x62: {  	[sflag:s31] =	ssyncadd.s32 $0xFFFFFF80  }
0x63: {  	[spmem:s1] =	stream.indirect.scatter.add.f32 [tilespmem:s21], [sflag:$0xB], $0x10, s24, s23, $0xb8;
	[tilespmem:$0x6B20] =	vst v63  }
0x64: {  	s19 =	rddreg [dreg:$0x15]  }
0x65: {  	[tilespmem:s0], [sflag:$0x7] =	stream.linear.gather [hbm4b:s19+s17], $0x80, $0x38;
	[tilespmem:$0x6B20] =	vst v63  }
0x66: {  	_ =	swait.ge [sflag:s3], $0x80  }
0x67: {  	[sflag:s3] =	ssyncset.done $0x0  }
0x68: {  	[sflag:s3] =	ssyncadd.s32 $0xFFFFFF80  }
0x69: {  	[spmem:s1] =	stream.indirect.scatter.add.f32 [tilespmem:s21], [sflag:$0xC], $0x10, s25, s23, $0xb8;
	[tilespmem:$0x6B20] =	vst v63  }
0x6a: {  	s19 =	rddreg [dreg:$0x16]  }
0x6b: {  	[tilespmem:s5], [sflag:$0x8] =	stream.linear.gather [hbm4b:s19+s17], $0x80, $0x38;
	[tilespmem:$0x6B20] =	vst v63  }
0x6c: {  	_ =	swait.ge [sflag:s6], $0x800  }
0x6d: {  	[sflag:s6] =	ssyncset.done $0x0  }
0x6e: {  	[sflag:s6] =	ssyncadd.s32 $0xFFFFF800  }
0x6f: {  	_ =	swait.ge [sflag:s7], $0x80  }
0x70: {  	[sflag:s7] =	ssyncset.done $0x0  }
0x71: {  	s18 =	rddreg [dreg:$0xb];
	[sflag:s7] =	ssyncadd.s32 $0xFFFFFF80  }
0x72: {  	[spmem:s1] =	stream.indirect.scatter.add.f32 [tilespmem:s21], [sflag:$0x9], $0x10, s28, s23, $0xb8;
	[tilespmem:$0x6B20] =	vst v63  }
0x73: {  	s17 =	sadd.s32 $0x0, s18  }
0x74: {  	[tilespmem:s2], [sflag:$0x1] =	stream.linear.gather [hbm4b:s17+s2], $0x80, $0x38;
	[tilespmem:$0x6B20] =	vst v63  }
0x75: {  	_ =	swait.ge [sflag:s8], $0x800  }
0x76: {  	[sflag:s8] =	ssyncset.done $0x0  }
0x77: {  	[sflag:s8] =	ssyncadd.s32 $0xFFFFF800  }
0x78: {  	_ =	swait.ge [sflag:s11], $0x80  }
0x79: {  	[sflag:s11] =	ssyncset.done $0x0  }
0x7a: {  	s19 =	rddreg [dreg:$0xa];
	[sflag:s11] =	ssyncadd.s32 $0xFFFFFF80  }
0x7b: {  	[spmem:s1] =	stream.indirect.scatter.add.f32 [tilespmem:s21], [sflag:$0xA], $0x10, s30, s23, $0xb8;
	[tilespmem:$0x6B20] =	vst v63  }
0x7c: {  	s17 =	sadd.s32 $0x0, s19  }
0x7d: {  	[tilespmem:s23], [sflag:$0x2] =	stream.linear.gather [hbm4b:s17+s2], $0x80, $0x38;
	[tilespmem:$0x6B20] =	vst v63  }
0x7e: {  	_ =	swait.ge [sflag:s12], $0x800  }
0x7f: {  	[sflag:s12] =	ssyncset.done $0x0  }
0x80: {  	[sflag:s12] =	ssyncadd.s32 $0xFFFFF800  }
0x81: {  	_ =	swait.ge [sflag:s13], $0x80  }
0x82: {  	[sflag:s13] =	ssyncset.done $0x0  }
0x83: {  	s18 =	rddreg [dreg:$0x9];
	[sflag:s13] =	ssyncadd.s32 $0xFFFFFF80  }
0x84: {  	[spmem:s1] =	stream.indirect.scatter.add.f32 [tilespmem:s21], [sflag:$0xB], $0x10, s0, s23, $0xb8;
	[tilespmem:$0x6B20] =	vst v63  }
0x85: {  	s17 =	sadd.s32 $0x0, s18  }
0x86: {  	[tilespmem:s24], [sflag:$0x3] =	stream.linear.gather [hbm4b:s17+s2], $0x80, $0x38;
	[tilespmem:$0x6B20] =	vst v63  }
0x87: {  	_ =	swait.ge [sflag:s14], $0x800  }
0x88: {  	[sflag:s14] =	ssyncset.done $0x0  }
0x89: {  	[sflag:s14] =	ssyncadd.s32 $0xFFFFF800  }
0x8a: {  	_ =	swait.ge [sflag:s15], $0x80  }
0x8b: {  	[sflag:s15] =	ssyncset.done $0x0  }
0x8c: {  	s19 =	rddreg [dreg:$0x8];
	[sflag:s15] =	ssyncadd.s32 $0xFFFFFF80  }
0x8d: {  	[spmem:s1] =	stream.indirect.scatter.add.f32 [tilespmem:s21], [sflag:$0xC], $0x10, s5, s23, $0xb8;
	[tilespmem:$0x6B20] =	vst v63  }
0x8e: {  	s17 =	sadd.s32 $0x0, s19  }
0x8f: {  	[tilespmem:s25], [sflag:$0x4] =	stream.linear.gather [hbm4b:s17+s2], $0x80, $0x38;
	[tilespmem:$0x6B20] =	vst v63  }
0x90: {  	_ =	swait.ge [sflag:s6], $0x800  }
0x91: {  	[sflag:s6] =	ssyncset.done $0x0  }
0x92: {  	[sflag:s6] =	ssyncadd.s32 $0xFFFFF800  }
0x93: {  	_ =	swait.ge [sflag:s26], $0x80  }
0x94: {  	[sflag:s26] =	ssyncset.done $0x0  }
0x95: {  	s18 =	rddreg [dreg:$0x7];
	[sflag:s26] =	ssyncadd.s32 $0xFFFFFF80  }
0x96: {  	[spmem:s1] =	stream.indirect.scatter.add.f32 [tilespmem:s21], [sflag:$0x9], $0x10, s2, s23, $0xb8;
	[tilespmem:$0x6B20] =	vst v63  }
0x97: {  	s17 =	sadd.s32 $0x0, s18  }
0x98: {  	[tilespmem:s28], [sflag:$0x5] =	stream.linear.gather [hbm4b:s17+s2], $0x80, $0x38;
	[tilespmem:$0x6B20] =	vst v63  }
0x99: {  	_ =	swait.ge [sflag:s8], $0x800  }
0x9a: {  	[sflag:s8] =	ssyncset.done $0x0  }
0x9b: {  	[sflag:s8] =	ssyncadd.s32 $0xFFFFF800  }
0x9c: {  	_ =	swait.ge [sflag:s29], $0x80  }
0x9d: {  	[sflag:s29] =	ssyncset.done $0x0  }
0x9e: {  	s19 =	rddreg [dreg:$0x6];
	[sflag:s29] =	ssyncadd.s32 $0xFFFFFF80  }
0x9f: {  	[spmem:s1] =	stream.indirect.scatter.add.f32 [tilespmem:s21], [sflag:$0xA], $0x10, s23, s23, $0xb8;
	[tilespmem:$0x6B20] =	vst v63  }
0xa0: {  	s17 =	sadd.s32 $0x0, s19  }
0xa1: {  	[tilespmem:s30], [sflag:$0x6] =	stream.linear.gather [hbm4b:s17+s2], $0x80, $0x38;
	[tilespmem:$0x6B20] =	vst v63  }
0xa2: {  	_ =	swait.ge [sflag:s12], $0x800  }
0xa3: {  	[sflag:s12] =	ssyncset.done $0x0  }
0xa4: {  	[sflag:s12] =	ssyncadd.s32 $0xFFFFF800  }
0xa5: {  	_ =	swait.ge [sflag:s31], $0x80  }
0xa6: {  	[sflag:s31] =	ssyncset.done $0x0  }
0xa7: {  	s18 =	rddreg [dreg:$0x5];
	[sflag:s31] =	ssyncadd.s32 $0xFFFFFF80  }
0xa8: {  	[spmem:s1] =	stream.indirect.scatter.add.f32 [tilespmem:s21], [sflag:$0xB], $0x10, s24, s23, $0xb8;
	[tilespmem:$0x6B20] =	vst v63  }
0xa9: {  	s17 =	sadd.s32 $0x0, s18  }
0xaa: {  	[tilespmem:s0], [sflag:$0x7] =	stream.linear.gather [hbm4b:s17+s2], $0x80, $0x38;
	[tilespmem:$0x6B20] =	vst v63  }
0xab: {  	_ =	swait.ge [sflag:s14], $0x800  }
0xac: {  	[sflag:s14] =	ssyncset.done $0x0  }
0xad: {  	[sflag:s14] =	ssyncadd.s32 $0xFFFFF800  }
0xae: {  	_ =	swait.ge [sflag:s3], $0x80  }
0xaf: {  	[sflag:s3] =	ssyncset.done $0x0;
	s19 =	rddreg [dreg:$0x4]  }
0xb0: {  	s17 =	simm.s32 $0x80;
	[sflag:s3] =	ssyncadd.s32 $0xFFFFFF80;
	s18 =	sadd.s32 $0x0, s19  }
0xb1: {  	[spmem:s1] =	stream.indirect.scatter.add.f32 [tilespmem:s21], [sflag:$0xC], $0x10, s25, s23, $0xb8;
	[tilespmem:$0x6B20] =	vst v63  }
.LBB2_6:
0xb2: {  	[tilespmem:s5], [sflag:$0x8] =	stream.linear.gather [hbm4b:s18+s2], $0x80, $0x38;
	[tilespmem:$0x6B20] =	vst v63  }
0xb3: {  	_ =	swait.ge [sflag:s6], $0x800  }
0xb4: {  	[sflag:s6] =	ssyncset.done $0x0  }
0xb5: {  	[sflag:s6] =	ssyncadd.s32 $0xFFFFF800  }
0xb6: {  	_ =	swait.ge [sflag:s7], $0x80  }
0xb7: {  	[sflag:s7] =	ssyncset.done $0x0  }
0xb8: {  	s18 =	smov.u32 s17;
	s19 =	rddreg [dreg:$0xb];
	[sflag:s7] =	ssyncadd.s32 $0xFFFFFF80  }
0xb9: {  	[spmem:s1] =	stream.indirect.scatter.add.f32 [tilespmem:s21], [sflag:$0x9], $0x10, s28, s23, $0xb8;
	[tilespmem:$0x6B20] =	vst v63  }
0xba: {  	s19 =	sadd.s32 s18, s19  }
0xbb: {  	[tilespmem:s2], [sflag:$0x1] =	stream.linear.gather [hbm4b:s19+s2], $0x80, $0x38;
	[tilespmem:$0x6B20] =	vst v63  }
0xbc: {  	_ =	swait.ge [sflag:s8], $0x800  }
0xbd: {  	[sflag:s8] =	ssyncset.done $0x0  }
0xbe: {  	[sflag:s8] =	ssyncadd.s32 $0xFFFFF800  }
0xbf: {  	_ =	swait.ge [sflag:s11], $0x80  }
0xc0: {  	[sflag:s11] =	ssyncset.done $0x0  }
0xc1: {  	s19 =	rddreg [dreg:$0xa];
	[sflag:s11] =	ssyncadd.s32 $0xFFFFFF80  }
0xc2: {  	[spmem:s1] =	stream.indirect.scatter.add.f32 [tilespmem:s21], [sflag:$0xA], $0x10, s30, s23, $0xb8;
	[tilespmem:$0x6B20] =	vst v63  }
0xc3: {  	s19 =	sadd.s32 s18, s19  }
0xc4: {  	[tilespmem:s23], [sflag:$0x2] =	stream.linear.gather [hbm4b:s19+s2], $0x80, $0x38;
	[tilespmem:$0x6B20] =	vst v63  }
0xc5: {  	_ =	swait.ge [sflag:s12], $0x800  }
0xc6: {  	[sflag:s12] =	ssyncset.done $0x0  }
0xc7: {  	[sflag:s12] =	ssyncadd.s32 $0xFFFFF800  }
0xc8: {  	_ =	swait.ge [sflag:s13], $0x80  }
0xc9: {  	[sflag:s13] =	ssyncset.done $0x0  }
0xca: {  	s19 =	rddreg [dreg:$0x9];
	[sflag:s13] =	ssyncadd.s32 $0xFFFFFF80  }
0xcb: {  	[spmem:s1] =	stream.indirect.scatter.add.f32 [tilespmem:s21], [sflag:$0xB], $0x10, s0, s23, $0xb8;
	[tilespmem:$0x6B20] =	vst v63  }
0xcc: {  	s19 =	sadd.s32 s18, s19  }
0xcd: {  	[tilespmem:s24], [sflag:$0x3] =	stream.linear.gather [hbm4b:s19+s2], $0x80, $0x38;
	[tilespmem:$0x6B20] =	vst v63  }
0xce: {  	_ =	swait.ge [sflag:s14], $0x800  }
0xcf: {  	[sflag:s14] =	ssyncset.done $0x0  }
0xd0: {  	[sflag:s14] =	ssyncadd.s32 $0xFFFFF800  }
0xd1: {  	_ =	swait.ge [sflag:s15], $0x80  }
0xd2: {  	[sflag:s15] =	ssyncset.done $0x0  }
0xd3: {  	s19 =	rddreg [dreg:$0x8];
	[sflag:s15] =	ssyncadd.s32 $0xFFFFFF80  }
0xd4: {  	[spmem:s1] =	stream.indirect.scatter.add.f32 [tilespmem:s21], [sflag:$0xC], $0x10, s5, s23, $0xb8;
	[tilespmem:$0x6B20] =	vst v63  }
0xd5: {  	s19 =	sadd.s32 s18, s19  }
0xd6: {  	[tilespmem:s25], [sflag:$0x4] =	stream.linear.gather [hbm4b:s19+s2], $0x80, $0x38;
	[tilespmem:$0x6B20] =	vst v63  }
0xd7: {  	_ =	swait.ge [sflag:s6], $0x800  }
0xd8: {  	[sflag:s6] =	ssyncset.done $0x0  }
0xd9: {  	[sflag:s6] =	ssyncadd.s32 $0xFFFFF800  }
0xda: {  	_ =	swait.ge [sflag:s26], $0x80  }
0xdb: {  	[sflag:s26] =	ssyncset.done $0x0  }
0xdc: {  	s19 =	rddreg [dreg:$0x7];
	[sflag:s26] =	ssyncadd.s32 $0xFFFFFF80  }
0xdd: {  	[spmem:s1] =	stream.indirect.scatter.add.f32 [tilespmem:s21], [sflag:$0x9], $0x10, s2, s23, $0xb8;
	[tilespmem:$0x6B20] =	vst v63  }
0xde: {  	s19 =	sadd.s32 s18, s19  }
0xdf: {  	[tilespmem:s28], [sflag:$0x5] =	stream.linear.gather [hbm4b:s19+s2], $0x80, $0x38;
	[tilespmem:$0x6B20] =	vst v63  }
0xe0: {  	_ =	swait.ge [sflag:s8], $0x800  }
0xe1: {  	[sflag:s8] =	ssyncset.done $0x0  }
0xe2: {  	[sflag:s8] =	ssyncadd.s32 $0xFFFFF800  }
0xe3: {  	_ =	swait.ge [sflag:s29], $0x80  }
0xe4: {  	[sflag:s29] =	ssyncset.done $0x0  }
0xe5: {  	s19 =	rddreg [dreg:$0x6];
	[sflag:s29] =	ssyncadd.s32 $0xFFFFFF80  }
0xe6: {  	[spmem:s1] =	stream.indirect.scatter.add.f32 [tilespmem:s21], [sflag:$0xA], $0x10, s23, s23, $0xb8;
	[tilespmem:$0x6B20] =	vst v63  }
0xe7: {  	s19 =	sadd.s32 s18, s19  }
0xe8: {  	[tilespmem:s30], [sflag:$0x6] =	stream.linear.gather [hbm4b:s19+s2], $0x80, $0x38;
	[tilespmem:$0x6B20] =	vst v63  }
0xe9: {  	_ =	swait.ge [sflag:s12], $0x800  }
0xea: {  	[sflag:s12] =	ssyncset.done $0x0  }
0xeb: {  	[sflag:s12] =	ssyncadd.s32 $0xFFFFF800  }
0xec: {  	_ =	swait.ge [sflag:s31], $0x80  }
0xed: {  	[sflag:s31] =	ssyncset.done $0x0  }
0xee: {  	s19 =	rddreg [dreg:$0x5];
	[sflag:s31] =	ssyncadd.s32 $0xFFFFFF80  }
0xef: {  	[spmem:s1] =	stream.indirect.scatter.add.f32 [tilespmem:s21], [sflag:$0xB], $0x10, s24, s23, $0xb8;
	[tilespmem:$0x6B20] =	vst v63  }
0xf0: {  	s19 =	sadd.s32 s18, s19  }
0xf1: {  	[tilespmem:s0], [sflag:$0x7] =	stream.linear.gather [hbm4b:s19+s2], $0x80, $0x38;
	[tilespmem:$0x6B20] =	vst v63  }
0xf2: {  	_ =	swait.ge [sflag:s14], $0x800  }
0xf3: {  	p1 =	sne.s32 s17, $0x400;
	[sflag:s14] =	ssyncset.done $0x0  }
.Ltmp2:
0xf4: {  	[sflag:s14] =	ssyncadd.s32 $0xFFFFF800;
	(pc) =	sbr.rel @p1 .LBB2_6-.Ltmp2, $4  }
0xf5: {  	_ =	swait.ge [sflag:s3], $0x80  }
0xf6: {  	[sflag:s3] =	ssyncset.done $0x0;
	s19 =	rddreg [dreg:$0x4]  }
0xf7: {  	s17 =	sadd.s32 $0x80, s17;
	[sflag:s3] =	ssyncadd.s32 $0xFFFFFF80;
	s18 =	sadd.s32 s18, s19  }
0xf8: {  	[spmem:s1] =	stream.indirect.scatter.add.f32 [tilespmem:s21], [sflag:$0xC], $0x10, s25, s23, $0xb8;
	[tilespmem:$0x6B20] =	vst v63  }
0xf9: {  	[tilespmem:s5], [sflag:$0x8] =	stream.linear.gather [hbm4b:s18+s2], $0x80, $0x38;
	[tilespmem:$0x6B20] =	vst v63  }
0xfa: {  	_ =	swait.ge [sflag:s6], $0x800  }
0xfb: {  	[sflag:s6] =	ssyncset.done $0x0  }
0xfc: {  	[sflag:s6] =	ssyncadd.s32 $0xFFFFF800  }
0xfd: {  	_ =	swait.ge [sflag:s7], $0x80  }
0xfe: {  	[sflag:s7] =	ssyncset.done $0x0  }
0xff: {  	[sflag:s7] =	ssyncadd.s32 $0xFFFFFF80  }
0x100: {  	[spmem:s1] =	stream.indirect.scatter.add.f32 [tilespmem:s21], [sflag:$0x9], $0x10, s28, s23, $0xb8;
	[tilespmem:$0x6B20] =	vst v63  }
0x101: {  	_ =	swait.ge [sflag:s8], $0x800  }
0x102: {  	[sflag:s8] =	ssyncset.done $0x0  }
0x103: {  	[sflag:s8] =	ssyncadd.s32 $0xFFFFF800  }
0x104: {  	_ =	swait.ge [sflag:s11], $0x80  }
0x105: {  	[sflag:s11] =	ssyncset.done $0x0  }
0x106: {  	[sflag:s11] =	ssyncadd.s32 $0xFFFFFF80  }
0x107: {  	[spmem:s1] =	stream.indirect.scatter.add.f32 [tilespmem:s21], [sflag:$0xA], $0x10, s30, s23, $0xb8;
	[tilespmem:$0x6B20] =	vst v63  }
0x108: {  	_ =	swait.ge [sflag:s12], $0x800  }
0x109: {  	[sflag:s12] =	ssyncset.done $0x0  }
0x10a: {  	[sflag:s12] =	ssyncadd.s32 $0xFFFFF800  }
0x10b: {  	_ =	swait.ge [sflag:s13], $0x80  }
0x10c: {  	[sflag:s13] =	ssyncset.done $0x0  }
0x10d: {  	[sflag:s13] =	ssyncadd.s32 $0xFFFFFF80  }
0x10e: {  	[spmem:s1] =	stream.indirect.scatter.add.f32 [tilespmem:s21], [sflag:$0xB], $0x10, s0, s23, $0xb8;
	[tilespmem:$0x6B20] =	vst v63  }
0x10f: {  	_ =	swait.ge [sflag:s14], $0x800  }
0x110: {  	[sflag:s14] =	ssyncset.done $0x0  }
0x111: {  	[sflag:s14] =	ssyncadd.s32 $0xFFFFF800  }
0x112: {  	_ =	swait.ge [sflag:s15], $0x80  }
0x113: {  	[sflag:s15] =	ssyncset.done $0x0  }
0x114: {  	[sflag:s15] =	ssyncadd.s32 $0xFFFFFF80  }
0x115: {  	[spmem:s1] =	stream.indirect.scatter.add.f32 [tilespmem:s21], [sflag:$0xC], $0x10, s5, s23, $0xb8;
	[tilespmem:$0x6B20] =	vst v63  }
0x116: {  	_ =	swait.ge [sflag:s6], $0x800  }
0x117: {  	[sflag:s6] =	ssyncset.done $0x0  }
0x118: {  	[sflag:s6] =	ssyncadd.s32 $0xFFFFF800  }
0x119: {  	_ =	swait.ge [sflag:s8], $0x800  }
0x11a: {  	[sflag:s8] =	ssyncset.done $0x0  }
0x11b: {  	[sflag:s8] =	ssyncadd.s32 $0xFFFFF800  }
0x11c: {  	_ =	swait.ge [sflag:s12], $0x800  }
0x11d: {  	[sflag:s12] =	ssyncset.done $0x0  }
0x11e: {  	[sflag:s12] =	ssyncadd.s32 $0xFFFFF800  }
0x11f: {  	_ =	swait.ge [sflag:s14], $0x800  }
0x120: {  	[sflag:s14] =	ssyncset.done $0x0  }
0x121: {  	s17 =	stileid.u32;
	[sflag:s14] =	ssyncadd.s32 $0xFFFFF800  }
0x122: {  	s17 =	sshll.u32 s17, $0x6;
	[bflag:$0x0] =	sbarrier.arrive $0xFFFF  }
0x123: {  	s18 =	sshrl.u32 s4, $0x3;
	s17 =	sor.u32 $0x1C0D, s17;
	s19 =	rddreg [dreg:$0x17]  }
0x124: {  	[hbm:s19], [sflag:s17] =	dma.local [spmem:s18], $0x2700  }
0x125: {  	s16 =	sadd.s32 $0x1, s16;
	_ =	swait.ge [sflag:s22], $0x2700  }
0x126: {  	p1 =	sne.s32 s16, s20;
	[sflag:s22] =	ssyncset.done $0x0  }
0x127: {  	s18 =	sshrl.u32 @!p0 s9, $0x3;
	s19 =	rddreg [dreg:$0x18];
	[sflag:s22] =	ssyncadd.s32 $0xFFFFD900  }
0x128: {  	[hbm:s19], [sflag:s17] =	dma.local @!p0 [spmem:s18], $0x100  }
.Ltmp3:
0x129: {  	_ = 	snop;
	(pc) =	sbr.rel @p1 .LBB2_1-.Ltmp3, $4  }
0x12a: {  	s17 =	simm.s32 @!p0 $0xD  }
0x12b: {  	_ =	swait.ge @!p0 [sflag:s17], $0x100  }
0x12c: {  	[sflag:s17] =	ssyncset.done @!p0 $0x0  }
0x12d: {  	[sflag:s17] =	ssyncadd.s32 @!p0 $0xFFFFFF00  }
0x12e: {  	_ =	sfence.sel $0x180000  }
0x12f: {  	[bflag:$0x0] =	sbarrier.arrive $0xFFFF  }
0x130: {  	_ =	strace $0x90000047  }
0x131: {  	[bflag:$0x2] =	sbarrier.arrive $0xFFFF  }
0x132: {  	s0 =	rddreg [dreg:$0x3]  }
0x133: {  	s0 =	sadd.s32 @!p0 $0x100000, s0  }
0x134: {  	[sflag:s0] =	ssyncadd.tile.s32 @!p0 $0x1;
	_ =	shalt  }
.Lfunc_end2:
_tile_overlayer_lowered:
.L_overlay_start_2:
0x135: {  	(tag) =	ssettag $0x2  }
0x136: {  	s0 =	rddreg [dreg:$0x0];
	s2 =	stileid.u32  }
0x137: {  	s1 =	rddreg [dreg:$0x1];
	p0 =	sne.s32 s2, $0x0  }
0x138: {  	s3 =	rddreg [dreg:$0x2];
	[bflag:$0x3] =	sbarrier.arrive $0xFFFF;
	s2 =	simm.s32 @!p0 $0x1C0D  }
0x139: {  	[timem:s3], [sflag:s2] =	dma.local @!p0 [hbm:s0], s1  }
0x13a: {  	s0 =	simm.s32 @!p0 $0xD  }
0x13b: {  	_ =	swait.ge @!p0 [sflag:s0], s1  }
0x13c: {  	s1 =	ssub.s32 @!p0 $0x0, s1;
	[sflag:s0] =	ssyncset.done @!p0 $0x0  }
0x13d: {  	[sflag:s0] =	ssyncadd.s32 @!p0 s1  }
0x13e: {  	[bflag:$0x3] =	sbarrier.arrive $0xFFFF  }
0x13f: {  	_ =	shalt  }

</sc_bundles>
